<compile_context>
chip_gen: v7x
topology: tpu7x:2x2x1
jax: 0.10.2.dev20260603
libtpu: 0.0.44.dev20260713+nightly
codegen_flags: <defaults>
</compile_context>

<pallas_src>
import functools

import jax
import jax.numpy as jnp
from jax import lax
from jax.experimental import pallas as pl
from jax.experimental.pallas import tpu as pltpu
from jax.experimental.pallas import tpu_sc as plsc

N = 10000
E = 320000
D = 128
DE = 16
NC = 2
NS = 16
NW = NC * NS
EPW = E // NW
CH = 80
NCH = EPW // CH
DH = D // 2
G = D // 16
NP = 10240
ZR = 32
RPT = NP // NS

f32 = jnp.float32

_mesh = plsc.VectorSubcoreMesh(core_axis_name="c", subcore_axis_name="s")



@functools.partial(
    pl.kernel,
    out_type=[jax.ShapeDtypeStruct((NW, 2, D), f32),
              jax.ShapeDtypeStruct((NW, NP), f32),
              jax.ShapeDtypeStruct((E, DH), jnp.int32)],
    mesh=_mesh,
    scratch_types=[
        pltpu.VMEM((EPW,), jnp.int32),
        pltpu.VMEM((EPW,), jnp.int32),
        pltpu.VMEM((CH, D), f32),
        pltpu.VMEM((CH, D), f32),
        pltpu.VMEM((CH, D), f32),
        pltpu.VMEM((CH, D), f32),
        pltpu.VMEM((CH, DH), jnp.int32),
        pltpu.VMEM((CH, DH), jnp.int32),
        pltpu.VMEM((2, D), f32),
        pltpu.VMEM((NP,), f32),
        pltpu.SemaphoreType.DMA,
        pltpu.SemaphoreType.DMA,
        pltpu.SemaphoreType.DMA,
        pltpu.SemaphoreType.DMA,
        pltpu.SemaphoreType.DMA,
        pltpu.SemaphoreType.DMA,
    ],
    compiler_params=pltpu.CompilerParams(needs_layout_passes=False),
)
def _edge_stats(xa, eb, row, col, out, out_c, hb, idxs, idxc, rows_0, rows_1,
                eb_0, eb_1, hb_0, hb_1, acc_v, cnt_v,
                gs_0, gs_1, es_0, es_1, hs_0, hs_1):
    wid = lax.axis_index("s") * NC + lax.axis_index("c")
    base = pl.multiple_of(wid * EPW, EPW)
    zero = jnp.zeros((16,), f32)
    ones = jnp.ones((16,), f32)
    rows_ = (rows_0, rows_1)
    eb_ = (eb_0, eb_1)
    hb_ = (hb_0, hb_1)
    gs_ = (gs_0, gs_1)
    es_ = (es_0, es_1)
    hs_ = (hs_0, hs_1)

    def zcnt(i, _):
        cnt_v[pl.ds(pl.multiple_of(i * 16, 16), 16)] = zero
        return 0

    lax.fori_loop(0, NP // 16, zcnt, 0)

    pltpu.sync_copy(row.at[pl.ds(base, EPW)], idxs)
    pltpu.sync_copy(col.at[pl.ds(base, EPW)], idxc)

    def gather_pair(k, b):
        off = pl.multiple_of(k * CH, CH)
        src_g = xa.at[idxs.at[pl.ds(off, CH)]]
        src_e = eb.at[pl.ds(pl.multiple_of(base + off, CH), CH)]
        return (pltpu.make_async_copy(src_g, rows_[b], gs_[b]),
                pltpu.make_async_copy(src_e, eb_[b], es_[b]))

    def hb_copy(k, b):
        off = pl.multiple_of(base + k * CH, CH)
        return pltpu.make_async_copy(hb_[b], hb.at[pl.ds(off, CH)], hs_[b])

    def issue(k, b):
        for d in gather_pair(k, b):
            d.start()

    def wait(k, b):
        for d in gather_pair(k, b):
            d.wait()

    def compute(b, carry):
        rv, ev, hv = rows_[b], eb_[b], hb_[b]

        def edge(e, c):
            s = list(c[:G])
            q = list(c[G:])
            hs = []
            for g in range(G):
                h = rv[e, pl.ds(16 * g, 16)] + ev[e, pl.ds(16 * g, 16)]
                s[g] = s[g] + h
                q[g] = q[g] + h * h
                hs.append(h)
            for p in range(G // 2):
                pk = plsc.pack(hs[2 * p], hs[2 * p + 1],
                               format=plsc.PackFormat.INTERLEAVED)
                hv[e, pl.ds(16 * p, 16)] = plsc.bitcast(pk, jnp.int32)
            return tuple(s) + tuple(q)

        return lax.fori_loop(0, CH, edge, carry)

    issue(0, 0)
    issue(1, 1)

    def count(k):
        koff = pl.multiple_of(k * CH, 16)
        for j in range(CH // 16):
            iv = idxc[pl.ds(koff + 16 * j, 16)]
            plsc.addupdate_scatter(cnt_v, [iv], ones)

    def step(k, b, carry):
        @pl.when(k >= 2)
        def _():
            hb_copy(k - 2, b).wait()

        wait(k, b)
        carry = compute(b, carry)
        count(k)
        hb_copy(k, b).start()

        @pl.when(k + 2 < NCH)
        def _():
            issue(k + 2, b)

        return carry

    def dstep(i, carry):
        for b in range(2):
            carry = step(2 * i + b, b, carry)
        return carry

    st = lax.fori_loop(0, (NCH - 1) // 2, dstep, (zero,) * (2 * G))
    st = step(NCH - 1, 0, st)
    hb_copy(NCH - 2, 1).wait()
    hb_copy(NCH - 1, 0).wait()
    for g in range(G):
        acc_v[0, pl.ds(16 * g, 16)] = st[g]
        acc_v[1, pl.ds(16 * g, 16)] = st[G + g]
    pltpu.sync_copy(acc_v, out.at[wid])
    pltpu.sync_copy(cnt_v, out_c.at[wid])



@functools.partial(
    pl.kernel,
    out_type=jax.ShapeDtypeStruct((NC, NP, D), f32),
    mesh=_mesh,
    scratch_types=[
        pltpu.VMEM((CH,), jnp.int32),
        pltpu.VMEM((CH,), jnp.int32),
        pltpu.VMEM((CH, DH), jnp.int32),
        pltpu.VMEM((CH, DH), jnp.int32),
        pltpu.VMEM((CH, D), f32),
        pltpu.VMEM((CH, D), f32),
        pltpu.VMEM((2, D), f32),
        pltpu.VMEM((ZR, D), f32),
        pltpu.VMEM_SHARED((NP, D), f32),
        pltpu.SemaphoreType.DMA, pltpu.SemaphoreType.DMA,
        pltpu.SemaphoreType.DMA, pltpu.SemaphoreType.DMA,
        pltpu.SemaphoreType.DMA, pltpu.SemaphoreType.DMA,
    ],
    compiler_params=pltpu.CompilerParams(needs_layout_passes=False),
)
def _edge_scatter(hb, col, aff, out,
                  scs_0, scs_1, hv_0, hv_1, vals_0, vals_1, aff_v, zb, acc_sh,
                  hs_0, hs_1, ss_0, ss_1, is_0, is_1):
    cid = lax.axis_index("c")
    sid = lax.axis_index("s")
    base = pl.multiple_of((sid * NC + cid) * EPW, EPW)
    zero = jnp.zeros((16,), f32)
    scs_ = (scs_0, scs_1)
    hv_ = (hv_0, hv_1)
    vals_ = (vals_0, vals_1)
    hs_ = (hs_0, hs_1)
    ss_ = (ss_0, ss_1)
    is_ = (is_0, is_1)

    def zrow(r, _):
        for g in range(G):
            zb[r, pl.ds(16 * g, 16)] = zero
        return 0

    lax.fori_loop(0, ZR, zrow, 0)

    def zcopy(i, _):
        pltpu.sync_copy(zb, acc_sh.at[pl.ds(pl.multiple_of(sid * RPT + i * ZR, ZR), ZR)])
        return 0

    lax.fori_loop(0, RPT // ZR, zcopy, 0)

    pltpu.sync_copy(aff, aff_v)
    plsc.subcore_barrier()

    av = tuple(aff_v[0, pl.ds(16 * g, 16)] for g in range(G))
    cv = tuple(aff_v[1, pl.ds(16 * g, 16)] for g in range(G))

    def scs_copy(k, b):
        off = pl.multiple_of(base + k * CH, CH)
        return pltpu.make_async_copy(col.at[pl.ds(off, CH)], scs_[b], is_[b])

    def hb_read(k, b):
        off = pl.multiple_of(base + k * CH, CH)
        return pltpu.make_async_copy(hb.at[pl.ds(off, CH)], hv_[b], hs_[b])

    def scatter(b):
        return pltpu.make_async_copy(vals_[b], acc_sh.at[scs_[b]], ss_[b])

    hb_read(0, 0).start()
    hb_read(1, 1).start()

    def step(k, b):
        @pl.when(k >= 2)
        def _():
            scatter(b).wait()

        scs_copy(k, b).start()
        hb_read(k, b).wait()

        hv, vv = hv_[b], vals_[b]

        def edge(e, c2):
            for p in range(G // 2):
                w = hv[e, pl.ds(16 * p, 16)]
                h0, h1 = plsc.unpack(plsc.bitcast(w, jnp.bfloat16),
                                     format=plsc.PackFormat.INTERLEAVED)
                g = 2 * p
                vv[e, pl.ds(16 * g, 16)] = jnp.maximum(av[g] * h0 + cv[g], 0.0)
                vv[e, pl.ds(16 * (g + 1), 16)] = jnp.maximum(
                    av[g + 1] * h1 + cv[g + 1], 0.0)
            return c2

        lax.fori_loop(0, CH, edge, 0)

        @pl.when(k + 2 < NCH)
        def _():
            hb_read(k + 2, b).start()

        scs_copy(k, b).wait()
        pltpu.async_copy(vals_[b], acc_sh.at[scs_[b]], ss_[b], add=True)

    def dstep(i, carry):
        for b in range(2):
            step(2 * i + b, b)
        return carry

    lax.fori_loop(0, (NCH - 1) // 2, dstep, 0)
    step(NCH - 1, 0)
    scatter(0).wait()
    scatter(1).wait()
    plsc.subcore_barrier()
    off = pl.multiple_of(sid * RPT, RPT)
    pltpu.sync_copy(acc_sh.at[pl.ds(off, RPT)], out.at[cid, pl.ds(off, RPT)])



def _xa_body(x_ref, w_ref, o_ref):
    o_ref[...] = jnp.dot(x_ref[...], w_ref[0:D, :], preferred_element_type=f32)


def _eb_body(ea_ref, w_ref, b_ref, o_ref):
    o_ref[...] = (jnp.dot(ea_ref[...], w_ref[D:D + DE, :],
                          preferred_element_type=f32) + b_ref[...])


def _aff_body(p_ref, g_ref, be_ref, o_ref):
    s = jnp.sum(p_ref[...], axis=0)
    mean = s[0:1, :] * (1.0 / E)
    var = jnp.maximum(s[1:2, :] * (1.0 / E) - mean * mean, 0.0)
    a = g_ref[...] * lax.rsqrt(var + 1e-5)
    c = be_ref[...] - mean * a
    o_ref[...] = jnp.concatenate([a, c], axis=0)


def _final_body(x_ref, s_ref, c_ref, w2_ref, b2_ref, g2_ref, be2_ref, w3_ref,
                b3_ref, o_ref):
    s = s_ref[0, 0:N, :] + s_ref[1, 0:N, :]
    cnt = jnp.sum(c_ref[...], axis=0)[0:N].reshape(N, 1)
    mean = s / jnp.maximum(cnt, 1.0)
    h = (jnp.dot(x_ref[...], w2_ref[0:D, :], preferred_element_type=f32)
         + jnp.dot(mean, w2_ref[D:2 * D, :], preferred_element_type=f32)
         + b2_ref[...])
    m = jnp.mean(h, axis=0, keepdims=True)
    v = jnp.mean((h - m) ** 2, axis=0, keepdims=True)
    hn = jnp.maximum((h - m) * lax.rsqrt(v + 1e-5) * g2_ref[...] + be2_ref[...],
                     0.0)
    o_ref[...] = jnp.maximum(
        jnp.dot(hn, w3_ref[...], preferred_element_type=f32) + b3_ref[...], 0.0)


_EB_BLK = 8000


def kernel(x, edge_index, edge_attr, u, batch,
           W1, b1, g1, be1, W2, b2, g2, be2, W3, b3):
    row = edge_index[0]
    col = edge_index[1]

    xa = pl.pallas_call(
        _xa_body,
        out_shape=jax.ShapeDtypeStruct((N, D), f32),
    )(x, W1)

    eb = pl.pallas_call(
        _eb_body,
        grid=(E // _EB_BLK,),
        in_specs=[
            pl.BlockSpec((_EB_BLK, DE), lambda i: (i, 0)),
            pl.BlockSpec((D + DE, D), lambda i: (0, 0)),
            pl.BlockSpec((1, D), lambda i: (0, 0)),
        ],
        out_specs=pl.BlockSpec((_EB_BLK, D), lambda i: (i, 0)),
        out_shape=jax.ShapeDtypeStruct((E, D), f32),
    )(edge_attr, W1, b1.reshape(1, D))

    parts, cacc, hb = _edge_stats(xa, eb, row, col)

    aff = pl.pallas_call(
        _aff_body,
        out_shape=jax.ShapeDtypeStruct((2, D), f32),
    )(parts, g1.reshape(1, D), be1.reshape(1, D))

    sacc = _edge_scatter(hb, col, aff)

    out = pl.pallas_call(
        _final_body,
        out_shape=jax.ShapeDtypeStruct((N, D), f32),
    )(x, sacc, cacc, W2, b2.reshape(1, 2 * D), g2.reshape(1, 2 * D),
      be2.reshape(1, 2 * D), W3, b3.reshape(1, D))

    return out

# --- scband reference (transcript-rebuilt; emitter-appended) ---
"""Pipeline reference for scband-node-model-23673859735571 (READ-ONLY COPY).

The authoritative reference and input builder live on the scoring server;
editing this copy changes nothing except your own understanding.
"""

import jax, jax.numpy as jnp
import numpy as np

N = 10000
E = 320000
D = 128   # node_feature_size
DE = 16   # edge_feature_size
L = 128   # layer_size
ENTRY = D + DE      # 144
SECOND = D + L      # 256


def _bn(h, g, b):
    # BatchNorm1d in training mode: batch statistics, biased variance, eps=1e-5
    m = jnp.mean(h, axis=0)
    v = jnp.mean((h - m) ** 2, axis=0)
    return (h - m) / jnp.sqrt(v + 1e-5) * g + b


def setup_inputs(seed: int = 0) -> dict:
    key = jax.random.key(seed)
    ks = jax.random.split(key, 12)
    inp = {}
    inp["x"] = jax.random.normal(ks[0], (N, D), dtype=jnp.float32)
    inp["edge_index"] = jax.random.randint(ks[1], (2, E), 0, N, dtype=jnp.int32)
    inp["edge_attr"] = jax.random.normal(ks[2], (E, DE), dtype=jnp.float32)
    inp["u"] = jax.random.normal(ks[3], (1, D), dtype=jnp.float32)
    inp["batch"] = jnp.zeros((N,), dtype=jnp.int32)
    # learned parameters
    inp["W1"] = jax.random.normal(ks[4], (ENTRY, L), dtype=jnp.float32) * 0.05
    inp["b1"] = jnp.zeros((L,), dtype=jnp.float32)
    inp["g1"] = jnp.ones((L,), dtype=jnp.float32)
    inp["be1"] = jnp.zeros((L,), dtype=jnp.float32)
    inp["W2"] = jax.random.normal(ks[5], (SECOND, SECOND), dtype=jnp.float32) * 0.05
    inp["b2"] = jnp.zeros((SECOND,), dtype=jnp.float32)
    inp["g2"] = jnp.ones((SECOND,), dtype=jnp.float32)
    inp["be2"] = jnp.zeros((SECOND,), dtype=jnp.float32)
    inp["W3"] = jax.random.normal(ks[6], (SECOND, D), dtype=jnp.float32) * 0.05
    inp["b3"] = jnp.zeros((D,), dtype=jnp.float32)
    return inp


def reference(x, edge_index, edge_attr, u, batch, W1, b1, g1, be1, W2, b2, g2, be2, W3, b3):
    row = edge_index[0]
    col = edge_index[1]
    # gather source node features, concat with edge features
    out = jnp.concatenate([jnp.take(x, row, axis=0), edge_attr], axis=1)
    # node_mlp_1: Linear -> BatchNorm1d -> ReLU
    out = jax.nn.relu(_bn(out @ W1 + b1, g1, be1))
    # scatter mean over destination nodes
    s = jax.ops.segment_sum(out, col, num_segments=x.shape[0])
    cnt = jax.ops.segment_sum(jnp.ones((col.shape[0],), dtype=out.dtype), col, num_segments=x.shape[0])
    out = s / jnp.maximum(cnt, 1.0)[:, None]
    # concat with node features
    out = jnp.concatenate([x, out], axis=1)
    # node_mlp_2: Linear -> BatchNorm1d -> ReLU
    out = jax.nn.relu(_bn(out @ W2 + b2, g2, be2))
    # final linear + ReLU
    out = out @ W3 + b3
    return jax.nn.relu(out)

if __name__ == "__main__":
    import jax
    _d = setup_inputs()
    print(jax.jit(kernel)(*tuple(_d.values())))

</pallas_src>

<mosaic_0001>
#map = affine_map<(d0, d1) -> (0, 0)>
#map1 = affine_map<(d0, d1) -> (0)>
#map2 = affine_map<(d0, d1) -> (0, 0, 0)>
module attributes {stable_mosaic.version = 14 : i64} {
  func.func @_edge_scatter(%arg0: i32, %arg1: i32, %arg2: memref<320000x64xi32, #tpu.memory_space<hbm>>, %arg3: memref<320000xi32, #tpu.memory_space<hbm>>, %arg4: memref<2x128xf32, #tpu.memory_space<hbm>>, %arg5: memref<2x10240x128xf32, #tpu.memory_space<hbm>>, %arg6: memref<80xi32, #tpu.memory_space<vmem>>, %arg7: memref<80xi32, #tpu.memory_space<vmem>>, %arg8: memref<80x64xi32, #tpu.memory_space<vmem>>, %arg9: memref<80x64xi32, #tpu.memory_space<vmem>>, %arg10: memref<80x128xf32, #tpu.memory_space<vmem>>, %arg11: memref<80x128xf32, #tpu.memory_space<vmem>>, %arg12: memref<2x128xf32, #tpu.memory_space<vmem>>, %arg13: memref<32x128xf32, #tpu.memory_space<vmem>>, %arg14: memref<10240x128xf32, #tpu.memory_space<vmem_shared>>, %arg15: memref<!tpu.dma_semaphore, #tpu.memory_space<semaphore_mem>>, %arg16: memref<!tpu.dma_semaphore, #tpu.memory_space<semaphore_mem>>, %arg17: memref<!tpu.dma_semaphore, #tpu.memory_space<semaphore_mem>>, %arg18: memref<!tpu.dma_semaphore, #tpu.memory_space<semaphore_mem>>, %arg19: memref<!tpu.dma_semaphore, #tpu.memory_space<semaphore_mem>>, %arg20: memref<!tpu.dma_semaphore, #tpu.memory_space<semaphore_mem>>) attributes {dimension_semantics = [#tpu.dimension_semantics<core_parallel>, #tpu.dimension_semantics<subcore_parallel>], iteration_bounds = array<i64: 2, 16>, scalar_prefetch = 0 : i64, scratch_operands = 15 : i64, tpu.core_type = #tpu.core_type<sc_vector_subcore>, window_params = [{transform_indices = #map}, {transform_indices = #map1}, {transform_indices = #map}, {transform_indices = #map2}]} {
    %mul3A = arith.constant 2 : i32
    %mul3A_0 = arith.muli %arg1, %mul3A : i32
    %add3A = arith.addi %mul3A_0, %arg0 : i32
    %mul3A_1 = arith.constant 10000 : i32
    %mul3A_2 = arith.muli %add3A, %mul3A_1 : i32
    %multiple_of3A = tpu.assume_multiple %mul3A_2, 10000 : i32
    %broadcast_in_dim3A = arith.constant 0.000000e+00 : f32
    %broadcast_in_dim3A_3 = vector.broadcast %broadcast_in_dim3A : f32 to vector<16xf32>
    %scan3A = arith.constant 0 : i32
    %scan3A_4 = arith.constant 0 : i32
    %scan3A_5 = arith.constant 32 : i32
    %scan3A_6 = arith.addi %scan3A_4, %scan3A_5 : i32
    %scan3A_7 = arith.constant 1 : i32
    %scan3A_8 = scf.for %scan3A_137 = %scan3A_4 to %scan3A_6 step %scan3A_7 iter_args(%scan3A_138 = %scan3A) -> (i32)  : i32 {
      %swap3A = arith.index_cast %scan3A_137 : i32 to index
      %swap3A_139 = arith.constant 0 : index
      %swap3A_140 = tpu.vector_load %arg13[%swap3A, %swap3A_139] {strides = array<i32>} : memref<32x128xf32, #tpu.memory_space<vmem>>, vector<16xf32>,
      tpu.vector_store %arg13[%swap3A, %swap3A_139], %broadcast_in_dim3A_3 {strides = array<i32>} : memref<32x128xf32, #tpu.memory_space<vmem>>, vector<16xf32>,
      %swap3A_141 = arith.index_cast %scan3A_137 : i32 to index
      %swap3A_142 = arith.constant 16 : index
      %swap3A_143 = tpu.vector_load %arg13[%swap3A_141, %swap3A_142] {strides = array<i32>} : memref<32x128xf32, #tpu.memory_space<vmem>>, vector<16xf32>,
      tpu.vector_store %arg13[%swap3A_141, %swap3A_142], %broadcast_in_dim3A_3 {strides = array<i32>} : memref<32x128xf32, #tpu.memory_space<vmem>>, vector<16xf32>,
      %swap3A_144 = arith.index_cast %scan3A_137 : i32 to index
      %swap3A_145 = arith.constant 32 : index
      %swap3A_146 = tpu.vector_load %arg13[%swap3A_144, %swap3A_145] {strides = array<i32>} : memref<32x128xf32, #tpu.memory_space<vmem>>, vector<16xf32>,
      tpu.vector_store %arg13[%swap3A_144, %swap3A_145], %broadcast_in_dim3A_3 {strides = array<i32>} : memref<32x128xf32, #tpu.memory_space<vmem>>, vector<16xf32>,
      %swap3A_147 = arith.index_cast %scan3A_137 : i32 to index
      %swap3A_148 = arith.constant 48 : index
      %swap3A_149 = tpu.vector_load %arg13[%swap3A_147, %swap3A_148] {strides = array<i32>} : memref<32x128xf32, #tpu.memory_space<vmem>>, vector<16xf32>,
      tpu.vector_store %arg13[%swap3A_147, %swap3A_148], %broadcast_in_dim3A_3 {strides = array<i32>} : memref<32x128xf32, #tpu.memory_space<vmem>>, vector<16xf32>,
      %swap3A_150 = arith.index_cast %scan3A_137 : i32 to index
      %swap3A_151 = arith.constant 64 : index
      %swap3A_152 = tpu.vector_load %arg13[%swap3A_150, %swap3A_151] {strides = array<i32>} : memref<32x128xf32, #tpu.memory_space<vmem>>, vector<16xf32>,
      tpu.vector_store %arg13[%swap3A_150, %swap3A_151], %broadcast_in_dim3A_3 {strides = array<i32>} : memref<32x128xf32, #tpu.memory_space<vmem>>, vector<16xf32>,
      %swap3A_153 = arith.index_cast %scan3A_137 : i32 to index
      %swap3A_154 = arith.constant 80 : index
      %swap3A_155 = tpu.vector_load %arg13[%swap3A_153, %swap3A_154] {strides = array<i32>} : memref<32x128xf32, #tpu.memory_space<vmem>>, vector<16xf32>,
      tpu.vector_store %arg13[%swap3A_153, %swap3A_154], %broadcast_in_dim3A_3 {strides = array<i32>} : memref<32x128xf32, #tpu.memory_space<vmem>>, vector<16xf32>,
      %swap3A_156 = arith.index_cast %scan3A_137 : i32 to index
      %swap3A_157 = arith.constant 96 : index
      %swap3A_158 = tpu.vector_load %arg13[%swap3A_156, %swap3A_157] {strides = array<i32>} : memref<32x128xf32, #tpu.memory_space<vmem>>, vector<16xf32>,
      tpu.vector_store %arg13[%swap3A_156, %swap3A_157], %broadcast_in_dim3A_3 {strides = array<i32>} : memref<32x128xf32, #tpu.memory_space<vmem>>, vector<16xf32>,
      %swap3A_159 = arith.index_cast %scan3A_137 : i32 to index
      %swap3A_160 = arith.constant 112 : index
      %swap3A_161 = tpu.vector_load %arg13[%swap3A_159, %swap3A_160] {strides = array<i32>} : memref<32x128xf32, #tpu.memory_space<vmem>>, vector<16xf32>,
      tpu.vector_store %arg13[%swap3A_159, %swap3A_160], %broadcast_in_dim3A_3 {strides = array<i32>} : memref<32x128xf32, #tpu.memory_space<vmem>>, vector<16xf32>,
      %scan3A_162 = arith.constant 0 : i32
      scf.yield %scan3A_162 : i32
    }
    %scan3A_9 = arith.constant 32 : i32
    %scan3A_10 = arith.constant 0 : i32
    %scan3A_11 = arith.constant 0 : i32
    %scan3A_12 = arith.constant 20 : i32
    %scan3A_13 = arith.addi %scan3A_11, %scan3A_12 : i32
    %scan3A_14 = arith.constant 1 : i32
    %scan3A_15 = scf.for %scan3A_137 = %scan3A_11 to %scan3A_13 step %scan3A_14 iter_args(%scan3A_138 = %scan3A_10) -> (i32)  : i32 {
      %mul3A_139 = arith.constant 640 : i32
      %mul3A_140 = arith.muli %arg1, %mul3A_139 : i32
      %mul3A_141 = arith.constant 32 : i32
      %mul3A_142 = arith.muli %scan3A_137, %mul3A_141 : i32
      %add3A_143 = arith.addi %mul3A_140, %mul3A_142 : i32
      %multiple_of3A_144 = tpu.assume_multiple %add3A_143, 32 : i32
      "tpu.region"() ({
        %run_scoped3A = tpu.sem_alloc : memref<!tpu.dma_semaphore, #tpu.memory_space<semaphore_mem>>
        %dma_start3A_146 = arith.constant 0 : i32
        %dma_start3A_147 = tpu.memref_slice %arg14[%multiple_of3A_144, %dma_start3A_146] : memref<10240x128xf32, #tpu.memory_space<vmem_shared>> -> memref<32x128xf32, #tpu.memory_space<vmem_shared>>
        %dma_start3A_148 = arith.constant 0 : i32
        %dma_start3A_149 = tpu.memref_slice %arg14[%multiple_of3A_144, %dma_start3A_148] : memref<10240x128xf32, #tpu.memory_space<vmem_shared>> -> memref<32x128xf32, #tpu.memory_space<vmem_shared>>
        tpu.enqueue_dma source(%arg13 : memref<32x128xf32, #tpu.memory_space<vmem>>) target(%dma_start3A_149 : memref<32x128xf32, #tpu.memory_space<vmem_shared>>) target_semaphore(%run_scoped3A : memref<!tpu.dma_semaphore, #tpu.memory_space<semaphore_mem>>)
        %dma_wait3A_150 = arith.constant 0 : i32
        %dma_wait3A_151 = tpu.memref_slice %arg14[%multiple_of3A_144, %dma_wait3A_150] : memref<10240x128xf32, #tpu.memory_space<vmem_shared>> -> memref<32x128xf32, #tpu.memory_space<vmem_shared>>
        %dma_wait3A_152 = arith.constant 0 : i32
        %dma_wait3A_153 = tpu.memref_slice %arg14[%multiple_of3A_144, %dma_wait3A_152] : memref<10240x128xf32, #tpu.memory_space<vmem_shared>> -> memref<32x128xf32, #tpu.memory_space<vmem_shared>>
        tpu.wait_dma2 semaphore(%run_scoped3A : memref<!tpu.dma_semaphore, #tpu.memory_space<semaphore_mem>>) src(%arg13 : memref<32x128xf32, #tpu.memory_space<vmem>>) dst(%dma_wait3A_153 : memref<32x128xf32, #tpu.memory_space<vmem_shared>>)
        tpu.yield
      }) : () -> ()
      %scan3A_145 = arith.constant 0 : i32
      scf.yield %scan3A_145 : i32
    }
    %scan3A_16 = arith.constant 20 : i32
    "tpu.region"() ({
      %run_scoped3A = tpu.sem_alloc : memref<!tpu.dma_semaphore, #tpu.memory_space<semaphore_mem>>
      tpu.enqueue_dma source(%arg4 : memref<2x128xf32, #tpu.memory_space<hbm>>) target(%arg12 : memref<2x128xf32, #tpu.memory_space<vmem>>) target_semaphore(%run_scoped3A : memref<!tpu.dma_semaphore, #tpu.memory_space<semaphore_mem>>)
      tpu.wait_dma2 semaphore(%run_scoped3A : memref<!tpu.dma_semaphore, #tpu.memory_space<semaphore_mem>>) src(%arg4 : memref<2x128xf32, #tpu.memory_space<hbm>>) dst(%arg12 : memref<2x128xf32, #tpu.memory_space<vmem>>)
      tpu.yield
    }) : () -> ()
    %barrier3A = arith.constant 0 : index
    tpu.barrier barrier_id(%barrier3A)
    %get3A = arith.constant 0 : i32
    %get3A_17 = arith.index_cast %get3A : i32 to index
    %get3A_18 = arith.constant 0 : index
    %get3A_19 = tpu.vector_load %arg12[%get3A_17, %get3A_18] {strides = array<i32>} : memref<2x128xf32, #tpu.memory_space<vmem>>, vector<16xf32>,
    %get3A_20 = arith.constant 0 : i32
    %get3A_21 = arith.index_cast %get3A_20 : i32 to index
    %get3A_22 = arith.constant 16 : index
    %get3A_23 = tpu.vector_load %arg12[%get3A_21, %get3A_22] {strides = array<i32>} : memref<2x128xf32, #tpu.memory_space<vmem>>, vector<16xf32>,
    %get3A_24 = arith.constant 0 : i32
    %get3A_25 = arith.index_cast %get3A_24 : i32 to index
    %get3A_26 = arith.constant 32 : index
    %get3A_27 = tpu.vector_load %arg12[%get3A_25, %get3A_26] {strides = array<i32>} : memref<2x128xf32, #tpu.memory_space<vmem>>, vector<16xf32>,
    %get3A_28 = arith.constant 0 : i32
    %get3A_29 = arith.index_cast %get3A_28 : i32 to index
    %get3A_30 = arith.constant 48 : index
    %get3A_31 = tpu.vector_load %arg12[%get3A_29, %get3A_30] {strides = array<i32>} : memref<2x128xf32, #tpu.memory_space<vmem>>, vector<16xf32>,
    %get3A_32 = arith.constant 0 : i32
    %get3A_33 = arith.index_cast %get3A_32 : i32 to index
    %get3A_34 = arith.constant 64 : index
    %get3A_35 = tpu.vector_load %arg12[%get3A_33, %get3A_34] {strides = array<i32>} : memref<2x128xf32, #tpu.memory_space<vmem>>, vector<16xf32>,
    %get3A_36 = arith.constant 0 : i32
    %get3A_37 = arith.index_cast %get3A_36 : i32 to index
    %get3A_38 = arith.constant 80 : index
    %get3A_39 = tpu.vector_load %arg12[%get3A_37, %get3A_38] {strides = array<i32>} : memref<2x128xf32, #tpu.memory_space<vmem>>, vector<16xf32>,
    %get3A_40 = arith.constant 0 : i32
    %get3A_41 = arith.index_cast %get3A_40 : i32 to index
    %get3A_42 = arith.constant 96 : index
    %get3A_43 = tpu.vector_load %arg12[%get3A_41, %get3A_42] {strides = array<i32>} : memref<2x128xf32, #tpu.memory_space<vmem>>, vector<16xf32>,
    %get3A_44 = arith.constant 0 : i32
    %get3A_45 = arith.index_cast %get3A_44 : i32 to index
    %get3A_46 = arith.constant 112 : index
    %get3A_47 = tpu.vector_load %arg12[%get3A_45, %get3A_46] {strides = array<i32>} : memref<2x128xf32, #tpu.memory_space<vmem>>, vector<16xf32>,
    %get3A_48 = arith.constant 1 : i32
    %get3A_49 = arith.index_cast %get3A_48 : i32 to index
    %get3A_50 = arith.constant 0 : index
    %get3A_51 = tpu.vector_load %arg12[%get3A_49, %get3A_50] {strides = array<i32>} : memref<2x128xf32, #tpu.memory_space<vmem>>, vector<16xf32>,
    %get3A_52 = arith.constant 1 : i32
    %get3A_53 = arith.index_cast %get3A_52 : i32 to index
    %get3A_54 = arith.constant 16 : index
    %get3A_55 = tpu.vector_load %arg12[%get3A_53, %get3A_54] {strides = array<i32>} : memref<2x128xf32, #tpu.memory_space<vmem>>, vector<16xf32>,
    %get3A_56 = arith.constant 1 : i32
    %get3A_57 = arith.index_cast %get3A_56 : i32 to index
    %get3A_58 = arith.constant 32 : index
    %get3A_59 = tpu.vector_load %arg12[%get3A_57, %get3A_58] {strides = array<i32>} : memref<2x128xf32, #tpu.memory_space<vmem>>, vector<16xf32>,
    %get3A_60 = arith.constant 1 : i32
    %get3A_61 = arith.index_cast %get3A_60 : i32 to index
    %get3A_62 = arith.constant 48 : index
    %get3A_63 = tpu.vector_load %arg12[%get3A_61, %get3A_62] {strides = array<i32>} : memref<2x128xf32, #tpu.memory_space<vmem>>, vector<16xf32>,
    %get3A_64 = arith.constant 1 : i32
    %get3A_65 = arith.index_cast %get3A_64 : i32 to index
    %get3A_66 = arith.constant 64 : index
    %get3A_67 = tpu.vector_load %arg12[%get3A_65, %get3A_66] {strides = array<i32>} : memref<2x128xf32, #tpu.memory_space<vmem>>, vector<16xf32>,
    %get3A_68 = arith.constant 1 : i32
    %get3A_69 = arith.index_cast %get3A_68 : i32 to index
    %get3A_70 = arith.constant 80 : index
    %get3A_71 = tpu.vector_load %arg12[%get3A_69, %get3A_70] {strides = array<i32>} : memref<2x128xf32, #tpu.memory_space<vmem>>, vector<16xf32>,
    %get3A_72 = arith.constant 1 : i32
    %get3A_73 = arith.index_cast %get3A_72 : i32 to index
    %get3A_74 = arith.constant 96 : index
    %get3A_75 = tpu.vector_load %arg12[%get3A_73, %get3A_74] {strides = array<i32>} : memref<2x128xf32, #tpu.memory_space<vmem>>, vector<16xf32>,
    %get3A_76 = arith.constant 1 : i32
    %get3A_77 = arith.index_cast %get3A_76 : i32 to index
    %get3A_78 = arith.constant 112 : index
    %get3A_79 = tpu.vector_load %arg12[%get3A_77, %get3A_78] {strides = array<i32>} : memref<2x128xf32, #tpu.memory_space<vmem>>, vector<16xf32>,
    %add3A_80 = arith.constant 0 : i32
    %add3A_81 = arith.addi %multiple_of3A, %add3A_80 : i32
    %multiple_of3A_82 = tpu.assume_multiple %add3A_81, 80 : i32
    %dma_start3A = arith.constant 0 : i32
    %dma_start3A_83 = tpu.memref_slice %arg2[%multiple_of3A_82, %dma_start3A] : memref<320000x64xi32, #tpu.memory_space<hbm>> -> memref<80x64xi32, #tpu.memory_space<hbm>>
    %dma_start3A_84 = arith.constant 0 : i32
    %dma_start3A_85 = tpu.memref_slice %arg2[%multiple_of3A_82, %dma_start3A_84] : memref<320000x64xi32, #tpu.memory_space<hbm>> -> memref<80x64xi32, #tpu.memory_space<hbm>>
    tpu.enqueue_dma source(%dma_start3A_85 : memref<80x64xi32, #tpu.memory_space<hbm>>) target(%arg8 : memref<80x64xi32, #tpu.memory_space<vmem>>) target_semaphore(%arg15 : memref<!tpu.dma_semaphore, #tpu.memory_space<semaphore_mem>>)
    %add3A_86 = arith.constant 80 : i32
    %add3A_87 = arith.addi %multiple_of3A, %add3A_86 : i32
    %multiple_of3A_88 = tpu.assume_multiple %add3A_87, 80 : i32
    %dma_start3A_89 = arith.constant 0 : i32
    %dma_start3A_90 = tpu.memref_slice %arg2[%multiple_of3A_88, %dma_start3A_89] : memref<320000x64xi32, #tpu.memory_space<hbm>> -> memref<80x64xi32, #tpu.memory_space<hbm>>
    %dma_start3A_91 = arith.constant 0 : i32
    %dma_start3A_92 = tpu.memref_slice %arg2[%multiple_of3A_88, %dma_start3A_91] : memref<320000x64xi32, #tpu.memory_space<hbm>> -> memref<80x64xi32, #tpu.memory_space<hbm>>
    tpu.enqueue_dma source(%dma_start3A_92 : memref<80x64xi32, #tpu.memory_space<hbm>>) target(%arg9 : memref<80x64xi32, #tpu.memory_space<vmem>>) target_semaphore(%arg16 : memref<!tpu.dma_semaphore, #tpu.memory_space<semaphore_mem>>)
    %scan3A_93 = arith.constant 0 : i32
    %scan3A_94 = arith.constant 0 : i32
    %scan3A_95 = arith.constant 62 : i32
    %scan3A_96 = arith.addi %scan3A_94, %scan3A_95 : i32
    %scan3A_97 = arith.constant 1 : i32
    scf.for %scan3A_137 = %scan3A_94 to %scan3A_96 step %scan3A_97  : i32 {
      %mul3A_138 = arith.constant 2 : i32
      %mul3A_139 = arith.muli %mul3A_138, %scan3A_137 : i32
      %add3A_140 = arith.constant 0 : i32
      %add3A_141 = arith.addi %mul3A_139, %add3A_140 : i32
      %ge3A = arith.constant 2 : i32
      %ge3A_142 = arith.cmpi sge, %add3A_141, %ge3A : i32
      %convert_element_type3A = arith.extui %ge3A_142 : i1 to i32
      %cond3A = arith.constant 0 : i32
      %cond3A_143 = arith.cmpi ne, %convert_element_type3A, %cond3A : i32
      scf.if %cond3A_143 {
        %dma_wait3A_224 = arith.constant 0 : i32
        %dma_wait3A_225 = arith.constant 0 : i32
        %dma_wait3A_226 = tpu.memref_slice %arg14[%dma_wait3A_224, %dma_wait3A_225] : memref<10240x128xf32, #tpu.memory_space<vmem_shared>> -> memref<10240x128xf32, #tpu.memory_space<vmem_shared>>
        tpu.wait_indirect_dma semaphore(%arg17 : memref<!tpu.dma_semaphore, #tpu.memory_space<semaphore_mem>>) src(%arg10 : memref<80x128xf32, #tpu.memory_space<vmem>>) dst(%dma_wait3A_226 : memref<10240x128xf32, #tpu.memory_space<vmem_shared>>)
      } else {
      }
      %mul3A_144 = arith.constant 80 : i32
      %mul3A_145 = arith.muli %add3A_141, %mul3A_144 : i32
      %add3A_146 = arith.addi %multiple_of3A, %mul3A_145 : i32
      %multiple_of3A_147 = tpu.assume_multiple %add3A_146, 80 : i32
      %dma_start3A_148 = tpu.memref_slice %arg3[%multiple_of3A_147] : memref<320000xi32, #tpu.memory_space<hbm>> -> memref<80xi32, #tpu.memory_space<hbm>>
      %dma_start3A_149 = tpu.memref_slice %arg3[%multiple_of3A_147] : memref<320000xi32, #tpu.memory_space<hbm>> -> memref<80xi32, #tpu.memory_space<hbm>>
      tpu.enqueue_dma source(%dma_start3A_149 : memref<80xi32, #tpu.memory_space<hbm>>) target(%arg6 : memref<80xi32, #tpu.memory_space<vmem>>) target_semaphore(%arg19 : memref<!tpu.dma_semaphore, #tpu.memory_space<semaphore_mem>>)
      %mul3A_150 = arith.constant 80 : i32
      %mul3A_151 = arith.muli %add3A_141, %mul3A_150 : i32
      %add3A_152 = arith.addi %multiple_of3A, %mul3A_151 : i32
      %multiple_of3A_153 = tpu.assume_multiple %add3A_152, 80 : i32
      %dma_wait3A_154 = arith.constant 0 : i32
      %dma_wait3A_155 = tpu.memref_slice %arg2[%multiple_of3A_153, %dma_wait3A_154] : memref<320000x64xi32, #tpu.memory_space<hbm>> -> memref<80x64xi32, #tpu.memory_space<hbm>>
      %dma_wait3A_156 = arith.constant 0 : i32
      %dma_wait3A_157 = tpu.memref_slice %arg2[%multiple_of3A_153, %dma_wait3A_156] : memref<320000x64xi32, #tpu.memory_space<hbm>> -> memref<80x64xi32, #tpu.memory_space<hbm>>
      tpu.wait_dma2 semaphore(%arg15 : memref<!tpu.dma_semaphore, #tpu.memory_space<semaphore_mem>>) src(%dma_wait3A_157 : memref<80x64xi32, #tpu.memory_space<hbm>>) dst(%arg8 : memref<80x64xi32, #tpu.memory_space<vmem>>)
      %scan3A_158 = arith.constant 0 : i32
      %scan3A_159 = arith.constant 0 : i32
      %scan3A_160 = arith.constant 80 : i32
      %scan3A_161 = arith.addi %scan3A_159, %scan3A_160 : i32
      %scan3A_162 = arith.constant 1 : i32
      scf.for %scan3A_224 = %scan3A_159 to %scan3A_161 step %scan3A_162  : i32 {
        %get3A_225 = arith.index_cast %scan3A_224 : i32 to index
        %get3A_226 = arith.constant 0 : index
        %get3A_227 = tpu.vector_load %arg8[%get3A_225, %get3A_226] {strides = array<i32>} : memref<80x64xi32, #tpu.memory_space<vmem>>, vector<16xi32>,
        %bitcast3A = vector.bitcast %get3A_227 : vector<16xi32> to vector<32xbf16>
        %unpack3A = tpu.unpack_subelements %bitcast3A, 0 {pack_format = #tpu.pack_format<interleaved>} : vector<32xbf16> -> vector<16xf32>
        %unpack3A_228 = tpu.unpack_subelements %bitcast3A, 1 {pack_format = #tpu.pack_format<interleaved>} : vector<32xbf16> -> vector<16xf32>
        %mul3A_229 = arith.mulf %get3A_19, %unpack3A : vector<16xf32>
        %add3A_230 = arith.addf %mul3A_229, %get3A_51 : vector<16xf32>
        %max3A = arith.constant 0.000000e+00 : f32
        %max3A_231 = vector.broadcast %max3A : f32 to vector<16xf32>
        %max3A_232 = arith.maximumf %add3A_230, %max3A_231 : vector<16xf32>
        %swap3A = arith.index_cast %scan3A_224 : i32 to index
        %swap3A_233 = arith.constant 0 : index
        %swap3A_234 = tpu.vector_load %arg10[%swap3A, %swap3A_233] {strides = array<i32>} : memref<80x128xf32, #tpu.memory_space<vmem>>, vector<16xf32>,
        tpu.vector_store %arg10[%swap3A, %swap3A_233], %max3A_232 {strides = array<i32>} : memref<80x128xf32, #tpu.memory_space<vmem>>, vector<16xf32>,
        %mul3A_235 = arith.mulf %get3A_23, %unpack3A_228 : vector<16xf32>
        %add3A_236 = arith.addf %mul3A_235, %get3A_55 : vector<16xf32>
        %max3A_237 = arith.constant 0.000000e+00 : f32
        %max3A_238 = vector.broadcast %max3A_237 : f32 to vector<16xf32>
        %max3A_239 = arith.maximumf %add3A_236, %max3A_238 : vector<16xf32>
        %swap3A_240 = arith.index_cast %scan3A_224 : i32 to index
        %swap3A_241 = arith.constant 16 : index
        %swap3A_242 = tpu.vector_load %arg10[%swap3A_240, %swap3A_241] {strides = array<i32>} : memref<80x128xf32, #tpu.memory_space<vmem>>, vector<16xf32>,
        tpu.vector_store %arg10[%swap3A_240, %swap3A_241], %max3A_239 {strides = array<i32>} : memref<80x128xf32, #tpu.memory_space<vmem>>, vector<16xf32>,
        %get3A_243 = arith.index_cast %scan3A_224 : i32 to index
        %get3A_244 = arith.constant 16 : index
        %get3A_245 = tpu.vector_load %arg8[%get3A_243, %get3A_244] {strides = array<i32>} : memref<80x64xi32, #tpu.memory_space<vmem>>, vector<16xi32>,
        %bitcast3A_246 = vector.bitcast %get3A_245 : vector<16xi32> to vector<32xbf16>
        %unpack3A_247 = tpu.unpack_subelements %bitcast3A_246, 0 {pack_format = #tpu.pack_format<interleaved>} : vector<32xbf16> -> vector<16xf32>
        %unpack3A_248 = tpu.unpack_subelements %bitcast3A_246, 1 {pack_format = #tpu.pack_format<interleaved>} : vector<32xbf16> -> vector<16xf32>
        %mul3A_249 = arith.mulf %get3A_27, %unpack3A_247 : vector<16xf32>
        %add3A_250 = arith.addf %mul3A_249, %get3A_59 : vector<16xf32>
        %max3A_251 = arith.constant 0.000000e+00 : f32
        %max3A_252 = vector.broadcast %max3A_251 : f32 to vector<16xf32>
        %max3A_253 = arith.maximumf %add3A_250, %max3A_252 : vector<16xf32>
        %swap3A_254 = arith.index_cast %scan3A_224 : i32 to index
        %swap3A_255 = arith.constant 32 : index
        %swap3A_256 = tpu.vector_load %arg10[%swap3A_254, %swap3A_255] {strides = array<i32>} : memref<80x128xf32, #tpu.memory_space<vmem>>, vector<16xf32>,
        tpu.vector_store %arg10[%swap3A_254, %swap3A_255], %max3A_253 {strides = array<i32>} : memref<80x128xf32, #tpu.memory_space<vmem>>, vector<16xf32>,
        %mul3A_257 = arith.mulf %get3A_31, %unpack3A_248 : vector<16xf32>
        %add3A_258 = arith.addf %mul3A_257, %get3A_63 : vector<16xf32>
        %max3A_259 = arith.constant 0.000000e+00 : f32
        %max3A_260 = vector.broadcast %max3A_259 : f32 to vector<16xf32>
        %max3A_261 = arith.maximumf %add3A_258, %max3A_260 : vector<16xf32>
        %swap3A_262 = arith.index_cast %scan3A_224 : i32 to index
        %swap3A_263 = arith.constant 48 : index
        %swap3A_264 = tpu.vector_load %arg10[%swap3A_262, %swap3A_263] {strides = array<i32>} : memref<80x128xf32, #tpu.memory_space<vmem>>, vector<16xf32>,
        tpu.vector_store %arg10[%swap3A_262, %swap3A_263], %max3A_261 {strides = array<i32>} : memref<80x128xf32, #tpu.memory_space<vmem>>, vector<16xf32>,
        %get3A_265 = arith.index_cast %scan3A_224 : i32 to index
        %get3A_266 = arith.constant 32 : index
        %get3A_267 = tpu.vector_load %arg8[%get3A_265, %get3A_266] {strides = array<i32>} : memref<80x64xi32, #tpu.memory_space<vmem>>, vector<16xi32>,
        %bitcast3A_268 = vector.bitcast %get3A_267 : vector<16xi32> to vector<32xbf16>
        %unpack3A_269 = tpu.unpack_subelements %bitcast3A_268, 0 {pack_format = #tpu.pack_format<interleaved>} : vector<32xbf16> -> vector<16xf32>
        %unpack3A_270 = tpu.unpack_subelements %bitcast3A_268, 1 {pack_format = #tpu.pack_format<interleaved>} : vector<32xbf16> -> vector<16xf32>
        %mul3A_271 = arith.mulf %get3A_35, %unpack3A_269 : vector<16xf32>
        %add3A_272 = arith.addf %mul3A_271, %get3A_67 : vector<16xf32>
        %max3A_273 = arith.constant 0.000000e+00 : f32
        %max3A_274 = vector.broadcast %max3A_273 : f32 to vector<16xf32>
        %max3A_275 = arith.maximumf %add3A_272, %max3A_274 : vector<16xf32>
        %swap3A_276 = arith.index_cast %scan3A_224 : i32 to index
        %swap3A_277 = arith.constant 64 : index
        %swap3A_278 = tpu.vector_load %arg10[%swap3A_276, %swap3A_277] {strides = array<i32>} : memref<80x128xf32, #tpu.memory_space<vmem>>, vector<16xf32>,
        tpu.vector_store %arg10[%swap3A_276, %swap3A_277], %max3A_275 {strides = array<i32>} : memref<80x128xf32, #tpu.memory_space<vmem>>, vector<16xf32>,
        %mul3A_279 = arith.mulf %get3A_39, %unpack3A_270 : vector<16xf32>
        %add3A_280 = arith.addf %mul3A_279, %get3A_71 : vector<16xf32>
        %max3A_281 = arith.constant 0.000000e+00 : f32
        %max3A_282 = vector.broadcast %max3A_281 : f32 to vector<16xf32>
        %max3A_283 = arith.maximumf %add3A_280, %max3A_282 : vector<16xf32>
        %swap3A_284 = arith.index_cast %scan3A_224 : i32 to index
        %swap3A_285 = arith.constant 80 : index
        %swap3A_286 = tpu.vector_load %arg10[%swap3A_284, %swap3A_285] {strides = array<i32>} : memref<80x128xf32, #tpu.memory_space<vmem>>, vector<16xf32>,
        tpu.vector_store %arg10[%swap3A_284, %swap3A_285], %max3A_283 {strides = array<i32>} : memref<80x128xf32, #tpu.memory_space<vmem>>, vector<16xf32>,
        %get3A_287 = arith.index_cast %scan3A_224 : i32 to index
        %get3A_288 = arith.constant 48 : index
        %get3A_289 = tpu.vector_load %arg8[%get3A_287, %get3A_288] {strides = array<i32>} : memref<80x64xi32, #tpu.memory_space<vmem>>, vector<16xi32>,
        %bitcast3A_290 = vector.bitcast %get3A_289 : vector<16xi32> to vector<32xbf16>
        %unpack3A_291 = tpu.unpack_subelements %bitcast3A_290, 0 {pack_format = #tpu.pack_format<interleaved>} : vector<32xbf16> -> vector<16xf32>
        %unpack3A_292 = tpu.unpack_subelements %bitcast3A_290, 1 {pack_format = #tpu.pack_format<interleaved>} : vector<32xbf16> -> vector<16xf32>
        %mul3A_293 = arith.mulf %get3A_43, %unpack3A_291 : vector<16xf32>
        %add3A_294 = arith.addf %mul3A_293, %get3A_75 : vector<16xf32>
        %max3A_295 = arith.constant 0.000000e+00 : f32
        %max3A_296 = vector.broadcast %max3A_295 : f32 to vector<16xf32>
        %max3A_297 = arith.maximumf %add3A_294, %max3A_296 : vector<16xf32>
        %swap3A_298 = arith.index_cast %scan3A_224 : i32 to index
        %swap3A_299 = arith.constant 96 : index
        %swap3A_300 = tpu.vector_load %arg10[%swap3A_298, %swap3A_299] {strides = array<i32>} : memref<80x128xf32, #tpu.memory_space<vmem>>, vector<16xf32>,
        tpu.vector_store %arg10[%swap3A_298, %swap3A_299], %max3A_297 {strides = array<i32>} : memref<80x128xf32, #tpu.memory_space<vmem>>, vector<16xf32>,
        %mul3A_301 = arith.mulf %get3A_47, %unpack3A_292 : vector<16xf32>
        %add3A_302 = arith.addf %mul3A_301, %get3A_79 : vector<16xf32>
        %max3A_303 = arith.constant 0.000000e+00 : f32
        %max3A_304 = vector.broadcast %max3A_303 : f32 to vector<16xf32>
        %max3A_305 = arith.maximumf %add3A_302, %max3A_304 : vector<16xf32>
        %swap3A_306 = arith.index_cast %scan3A_224 : i32 to index
        %swap3A_307 = arith.constant 112 : index
        %swap3A_308 = tpu.vector_load %arg10[%swap3A_306, %swap3A_307] {strides = array<i32>} : memref<80x128xf32, #tpu.memory_space<vmem>>, vector<16xf32>,
        tpu.vector_store %arg10[%swap3A_306, %swap3A_307], %max3A_305 {strides = array<i32>} : memref<80x128xf32, #tpu.memory_space<vmem>>, vector<16xf32>,
      }
      %scan3A_163 = arith.constant 80 : i32
      %add3A_164 = arith.constant 2 : i32
      %add3A_165 = arith.addi %add3A_141, %add3A_164 : i32
      %lt3A = arith.constant 125 : i32
      %lt3A_166 = arith.cmpi slt, %add3A_165, %lt3A : i32
      %convert_element_type3A_167 = arith.extui %lt3A_166 : i1 to i32
      %cond3A_168 = arith.constant 0 : i32
      %cond3A_169 = arith.cmpi ne, %convert_element_type3A_167, %cond3A_168 : i32
      scf.if %cond3A_169 {
        %add3A_224 = arith.constant 2 : i32
        %add3A_225 = arith.addi %add3A_141, %add3A_224 : i32
        %mul3A_226 = arith.constant 80 : i32
        %mul3A_227 = arith.muli %add3A_225, %mul3A_226 : i32
        %add3A_228 = arith.addi %multiple_of3A, %mul3A_227 : i32
        %multiple_of3A_229 = tpu.assume_multiple %add3A_228, 80 : i32
        %dma_start3A_230 = arith.constant 0 : i32
        %dma_start3A_231 = tpu.memref_slice %arg2[%multiple_of3A_229, %dma_start3A_230] : memref<320000x64xi32, #tpu.memory_space<hbm>> -> memref<80x64xi32, #tpu.memory_space<hbm>>
        %dma_start3A_232 = arith.constant 0 : i32
        %dma_start3A_233 = tpu.memref_slice %arg2[%multiple_of3A_229, %dma_start3A_232] : memref<320000x64xi32, #tpu.memory_space<hbm>> -> memref<80x64xi32, #tpu.memory_space<hbm>>
        tpu.enqueue_dma source(%dma_start3A_233 : memref<80x64xi32, #tpu.memory_space<hbm>>) target(%arg8 : memref<80x64xi32, #tpu.memory_space<vmem>>) target_semaphore(%arg15 : memref<!tpu.dma_semaphore, #tpu.memory_space<semaphore_mem>>)
      } else {
      }
      %mul3A_170 = arith.constant 80 : i32
      %mul3A_171 = arith.muli %add3A_141, %mul3A_170 : i32
      %add3A_172 = arith.addi %multiple_of3A, %mul3A_171 : i32
      %multiple_of3A_173 = tpu.assume_multiple %add3A_172, 80 : i32
      %dma_wait3A_174 = tpu.memref_slice %arg3[%multiple_of3A_173] : memref<320000xi32, #tpu.memory_space<hbm>> -> memref<80xi32, #tpu.memory_space<hbm>>
      %dma_wait3A_175 = tpu.memref_slice %arg3[%multiple_of3A_173] : memref<320000xi32, #tpu.memory_space<hbm>> -> memref<80xi32, #tpu.memory_space<hbm>>
      tpu.wait_dma2 semaphore(%arg19 : memref<!tpu.dma_semaphore, #tpu.memory_space<semaphore_mem>>) src(%dma_wait3A_175 : memref<80xi32, #tpu.memory_space<hbm>>) dst(%arg6 : memref<80xi32, #tpu.memory_space<vmem>>)
      %dma_start3A_176 = arith.constant 0 : i32
      %dma_start3A_177 = arith.constant 0 : i32
      %dma_start3A_178 = tpu.memref_slice %arg14[%dma_start3A_176, %dma_start3A_177] : memref<10240x128xf32, #tpu.memory_space<vmem_shared>> -> memref<10240x128xf32, #tpu.memory_space<vmem_shared>>
      tpu.enqueue_indirect_dma source(%arg10 : memref<80x128xf32, #tpu.memory_space<vmem>>) target(%dma_start3A_178 : memref<10240x128xf32, #tpu.memory_space<vmem_shared>>) offsets(%arg6 : memref<80xi32, #tpu.memory_space<vmem>>) semaphore(%arg17 : memref<!tpu.dma_semaphore, #tpu.memory_space<semaphore_mem>>) {add = true}
      %mul3A_179 = arith.constant 2 : i32
      %mul3A_180 = arith.muli %mul3A_179, %scan3A_137 : i32
      %add3A_181 = arith.constant 1 : i32
      %add3A_182 = arith.addi %mul3A_180, %add3A_181 : i32
      %ge3A_183 = arith.constant 2 : i32
      %ge3A_184 = arith.cmpi sge, %add3A_182, %ge3A_183 : i32
      %convert_element_type3A_185 = arith.extui %ge3A_184 : i1 to i32
      %cond3A_186 = arith.constant 0 : i32
      %cond3A_187 = arith.cmpi ne, %convert_element_type3A_185, %cond3A_186 : i32
      scf.if %cond3A_187 {
        %dma_wait3A_224 = arith.constant 0 : i32
        %dma_wait3A_225 = arith.constant 0 : i32
        %dma_wait3A_226 = tpu.memref_slice %arg14[%dma_wait3A_224, %dma_wait3A_225] : memref<10240x128xf32, #tpu.memory_space<vmem_shared>> -> memref<10240x128xf32, #tpu.memory_space<vmem_shared>>
        tpu.wait_indirect_dma semaphore(%arg18 : memref<!tpu.dma_semaphore, #tpu.memory_space<semaphore_mem>>) src(%arg11 : memref<80x128xf32, #tpu.memory_space<vmem>>) dst(%dma_wait3A_226 : memref<10240x128xf32, #tpu.memory_space<vmem_shared>>)
      } else {
      }
      %mul3A_188 = arith.constant 80 : i32
      %mul3A_189 = arith.muli %add3A_182, %mul3A_188 : i32
      %add3A_190 = arith.addi %multiple_of3A, %mul3A_189 : i32
      %multiple_of3A_191 = tpu.assume_multiple %add3A_190, 80 : i32
      %dma_start3A_192 = tpu.memref_slice %arg3[%multiple_of3A_191] : memref<320000xi32, #tpu.memory_space<hbm>> -> memref<80xi32, #tpu.memory_space<hbm>>
      %dma_start3A_193 = tpu.memref_slice %arg3[%multiple_of3A_191] : memref<320000xi32, #tpu.memory_space<hbm>> -> memref<80xi32, #tpu.memory_space<hbm>>
      tpu.enqueue_dma source(%dma_start3A_193 : memref<80xi32, #tpu.memory_space<hbm>>) target(%arg7 : memref<80xi32, #tpu.memory_space<vmem>>) target_semaphore(%arg20 : memref<!tpu.dma_semaphore, #tpu.memory_space<semaphore_mem>>)
      %mul3A_194 = arith.constant 80 : i32
      %mul3A_195 = arith.muli %add3A_182, %mul3A_194 : i32
      %add3A_196 = arith.addi %multiple_of3A, %mul3A_195 : i32
      %multiple_of3A_197 = tpu.assume_multiple %add3A_196, 80 : i32
      %dma_wait3A_198 = arith.constant 0 : i32
      %dma_wait3A_199 = tpu.memref_slice %arg2[%multiple_of3A_197, %dma_wait3A_198] : memref<320000x64xi32, #tpu.memory_space<hbm>> -> memref<80x64xi32, #tpu.memory_space<hbm>>
      %dma_wait3A_200 = arith.constant 0 : i32
      %dma_wait3A_201 = tpu.memref_slice %arg2[%multiple_of3A_197, %dma_wait3A_200] : memref<320000x64xi32, #tpu.memory_space<hbm>> -> memref<80x64xi32, #tpu.memory_space<hbm>>
      tpu.wait_dma2 semaphore(%arg16 : memref<!tpu.dma_semaphore, #tpu.memory_space<semaphore_mem>>) src(%dma_wait3A_201 : memref<80x64xi32, #tpu.memory_space<hbm>>) dst(%arg9 : memref<80x64xi32, #tpu.memory_space<vmem>>)
      %scan3A_202 = arith.constant 0 : i32
      %scan3A_203 = arith.constant 0 : i32
      %scan3A_204 = arith.constant 80 : i32
      %scan3A_205 = arith.addi %scan3A_203, %scan3A_204 : i32
      %scan3A_206 = arith.constant 1 : i32
      scf.for %scan3A_224 = %scan3A_203 to %scan3A_205 step %scan3A_206  : i32 {
        %get3A_225 = arith.index_cast %scan3A_224 : i32 to index
        %get3A_226 = arith.constant 0 : index
        %get3A_227 = tpu.vector_load %arg9[%get3A_225, %get3A_226] {strides = array<i32>} : memref<80x64xi32, #tpu.memory_space<vmem>>, vector<16xi32>,
        %bitcast3A = vector.bitcast %get3A_227 : vector<16xi32> to vector<32xbf16>
        %unpack3A = tpu.unpack_subelements %bitcast3A, 0 {pack_format = #tpu.pack_format<interleaved>} : vector<32xbf16> -> vector<16xf32>
        %unpack3A_228 = tpu.unpack_subelements %bitcast3A, 1 {pack_format = #tpu.pack_format<interleaved>} : vector<32xbf16> -> vector<16xf32>
        %mul3A_229 = arith.mulf %get3A_19, %unpack3A : vector<16xf32>
        %add3A_230 = arith.addf %mul3A_229, %get3A_51 : vector<16xf32>
        %max3A = arith.constant 0.000000e+00 : f32
        %max3A_231 = vector.broadcast %max3A : f32 to vector<16xf32>
        %max3A_232 = arith.maximumf %add3A_230, %max3A_231 : vector<16xf32>
        %swap3A = arith.index_cast %scan3A_224 : i32 to index
        %swap3A_233 = arith.constant 0 : index
        %swap3A_234 = tpu.vector_load %arg11[%swap3A, %swap3A_233] {strides = array<i32>} : memref<80x128xf32, #tpu.memory_space<vmem>>, vector<16xf32>,
        tpu.vector_store %arg11[%swap3A, %swap3A_233], %max3A_232 {strides = array<i32>} : memref<80x128xf32, #tpu.memory_space<vmem>>, vector<16xf32>,
        %mul3A_235 = arith.mulf %get3A_23, %unpack3A_228 : vector<16xf32>
        %add3A_236 = arith.addf %mul3A_235, %get3A_55 : vector<16xf32>
        %max3A_237 = arith.constant 0.000000e+00 : f32
        %max3A_238 = vector.broadcast %max3A_237 : f32 to vector<16xf32>
        %max3A_239 = arith.maximumf %add3A_236, %max3A_238 : vector<16xf32>
        %swap3A_240 = arith.index_cast %scan3A_224 : i32 to index
        %swap3A_241 = arith.constant 16 : index
        %swap3A_242 = tpu.vector_load %arg11[%swap3A_240, %swap3A_241] {strides = array<i32>} : memref<80x128xf32, #tpu.memory_space<vmem>>, vector<16xf32>,
        tpu.vector_store %arg11[%swap3A_240, %swap3A_241], %max3A_239 {strides = array<i32>} : memref<80x128xf32, #tpu.memory_space<vmem>>, vector<16xf32>,
        %get3A_243 = arith.index_cast %scan3A_224 : i32 to index
        %get3A_244 = arith.constant 16 : index
        %get3A_245 = tpu.vector_load %arg9[%get3A_243, %get3A_244] {strides = array<i32>} : memref<80x64xi32, #tpu.memory_space<vmem>>, vector<16xi32>,
        %bitcast3A_246 = vector.bitcast %get3A_245 : vector<16xi32> to vector<32xbf16>
        %unpack3A_247 = tpu.unpack_subelements %bitcast3A_246, 0 {pack_format = #tpu.pack_format<interleaved>} : vector<32xbf16> -> vector<16xf32>
        %unpack3A_248 = tpu.unpack_subelements %bitcast3A_246, 1 {pack_format = #tpu.pack_format<interleaved>} : vector<32xbf16> -> vector<16xf32>
        %mul3A_249 = arith.mulf %get3A_27, %unpack3A_247 : vector<16xf32>
        %add3A_250 = arith.addf %mul3A_249, %get3A_59 : vector<16xf32>
        %max3A_251 = arith.constant 0.000000e+00 : f32
        %max3A_252 = vector.broadcast %max3A_251 : f32 to vector<16xf32>
        %max3A_253 = arith.maximumf %add3A_250, %max3A_252 : vector<16xf32>
        %swap3A_254 = arith.index_cast %scan3A_224 : i32 to index
        %swap3A_255 = arith.constant 32 : index
        %swap3A_256 = tpu.vector_load %arg11[%swap3A_254, %swap3A_255] {strides = array<i32>} : memref<80x128xf32, #tpu.memory_space<vmem>>, vector<16xf32>,
        tpu.vector_store %arg11[%swap3A_254, %swap3A_255], %max3A_253 {strides = array<i32>} : memref<80x128xf32, #tpu.memory_space<vmem>>, vector<16xf32>,
        %mul3A_257 = arith.mulf %get3A_31, %unpack3A_248 : vector<16xf32>
        %add3A_258 = arith.addf %mul3A_257, %get3A_63 : vector<16xf32>
        %max3A_259 = arith.constant 0.000000e+00 : f32
        %max3A_260 = vector.broadcast %max3A_259 : f32 to vector<16xf32>
        %max3A_261 = arith.maximumf %add3A_258, %max3A_260 : vector<16xf32>
        %swap3A_262 = arith.index_cast %scan3A_224 : i32 to index
        %swap3A_263 = arith.constant 48 : index
        %swap3A_264 = tpu.vector_load %arg11[%swap3A_262, %swap3A_263] {strides = array<i32>} : memref<80x128xf32, #tpu.memory_space<vmem>>, vector<16xf32>,
        tpu.vector_store %arg11[%swap3A_262, %swap3A_263], %max3A_261 {strides = array<i32>} : memref<80x128xf32, #tpu.memory_space<vmem>>, vector<16xf32>,
        %get3A_265 = arith.index_cast %scan3A_224 : i32 to index
        %get3A_266 = arith.constant 32 : index
        %get3A_267 = tpu.vector_load %arg9[%get3A_265, %get3A_266] {strides = array<i32>} : memref<80x64xi32, #tpu.memory_space<vmem>>, vector<16xi32>,
        %bitcast3A_268 = vector.bitcast %get3A_267 : vector<16xi32> to vector<32xbf16>
        %unpack3A_269 = tpu.unpack_subelements %bitcast3A_268, 0 {pack_format = #tpu.pack_format<interleaved>} : vector<32xbf16> -> vector<16xf32>
        %unpack3A_270 = tpu.unpack_subelements %bitcast3A_268, 1 {pack_format = #tpu.pack_format<interleaved>} : vector<32xbf16> -> vector<16xf32>
        %mul3A_271 = arith.mulf %get3A_35, %unpack3A_269 : vector<16xf32>
        %add3A_272 = arith.addf %mul3A_271, %get3A_67 : vector<16xf32>
        %max3A_273 = arith.constant 0.000000e+00 : f32
        %max3A_274 = vector.broadcast %max3A_273 : f32 to vector<16xf32>
        %max3A_275 = arith.maximumf %add3A_272, %max3A_274 : vector<16xf32>
        %swap3A_276 = arith.index_cast %scan3A_224 : i32 to index
        %swap3A_277 = arith.constant 64 : index
        %swap3A_278 = tpu.vector_load %arg11[%swap3A_276, %swap3A_277] {strides = array<i32>} : memref<80x128xf32, #tpu.memory_space<vmem>>, vector<16xf32>,
        tpu.vector_store %arg11[%swap3A_276, %swap3A_277], %max3A_275 {strides = array<i32>} : memref<80x128xf32, #tpu.memory_space<vmem>>, vector<16xf32>,
        %mul3A_279 = arith.mulf %get3A_39, %unpack3A_270 : vector<16xf32>
        %add3A_280 = arith.addf %mul3A_279, %get3A_71 : vector<16xf32>
        %max3A_281 = arith.constant 0.000000e+00 : f32
        %max3A_282 = vector.broadcast %max3A_281 : f32 to vector<16xf32>
        %max3A_283 = arith.maximumf %add3A_280, %max3A_282 : vector<16xf32>
        %swap3A_284 = arith.index_cast %scan3A_224 : i32 to index
        %swap3A_285 = arith.constant 80 : index
        %swap3A_286 = tpu.vector_load %arg11[%swap3A_284, %swap3A_285] {strides = array<i32>} : memref<80x128xf32, #tpu.memory_space<vmem>>, vector<16xf32>,
        tpu.vector_store %arg11[%swap3A_284, %swap3A_285], %max3A_283 {strides = array<i32>} : memref<80x128xf32, #tpu.memory_space<vmem>>, vector<16xf32>,
        %get3A_287 = arith.index_cast %scan3A_224 : i32 to index
        %get3A_288 = arith.constant 48 : index
        %get3A_289 = tpu.vector_load %arg9[%get3A_287, %get3A_288] {strides = array<i32>} : memref<80x64xi32, #tpu.memory_space<vmem>>, vector<16xi32>,
        %bitcast3A_290 = vector.bitcast %get3A_289 : vector<16xi32> to vector<32xbf16>
        %unpack3A_291 = tpu.unpack_subelements %bitcast3A_290, 0 {pack_format = #tpu.pack_format<interleaved>} : vector<32xbf16> -> vector<16xf32>
        %unpack3A_292 = tpu.unpack_subelements %bitcast3A_290, 1 {pack_format = #tpu.pack_format<interleaved>} : vector<32xbf16> -> vector<16xf32>
        %mul3A_293 = arith.mulf %get3A_43, %unpack3A_291 : vector<16xf32>
        %add3A_294 = arith.addf %mul3A_293, %get3A_75 : vector<16xf32>
        %max3A_295 = arith.constant 0.000000e+00 : f32
        %max3A_296 = vector.broadcast %max3A_295 : f32 to vector<16xf32>
        %max3A_297 = arith.maximumf %add3A_294, %max3A_296 : vector<16xf32>
        %swap3A_298 = arith.index_cast %scan3A_224 : i32 to index
        %swap3A_299 = arith.constant 96 : index
        %swap3A_300 = tpu.vector_load %arg11[%swap3A_298, %swap3A_299] {strides = array<i32>} : memref<80x128xf32, #tpu.memory_space<vmem>>, vector<16xf32>,
        tpu.vector_store %arg11[%swap3A_298, %swap3A_299], %max3A_297 {strides = array<i32>} : memref<80x128xf32, #tpu.memory_space<vmem>>, vector<16xf32>,
        %mul3A_301 = arith.mulf %get3A_47, %unpack3A_292 : vector<16xf32>
        %add3A_302 = arith.addf %mul3A_301, %get3A_79 : vector<16xf32>
        %max3A_303 = arith.constant 0.000000e+00 : f32
        %max3A_304 = vector.broadcast %max3A_303 : f32 to vector<16xf32>
        %max3A_305 = arith.maximumf %add3A_302, %max3A_304 : vector<16xf32>
        %swap3A_306 = arith.index_cast %scan3A_224 : i32 to index
        %swap3A_307 = arith.constant 112 : index
        %swap3A_308 = tpu.vector_load %arg11[%swap3A_306, %swap3A_307] {strides = array<i32>} : memref<80x128xf32, #tpu.memory_space<vmem>>, vector<16xf32>,
        tpu.vector_store %arg11[%swap3A_306, %swap3A_307], %max3A_305 {strides = array<i32>} : memref<80x128xf32, #tpu.memory_space<vmem>>, vector<16xf32>,
      }
      %scan3A_207 = arith.constant 80 : i32
      %add3A_208 = arith.constant 2 : i32
      %add3A_209 = arith.addi %add3A_182, %add3A_208 : i32
      %lt3A_210 = arith.constant 125 : i32
      %lt3A_211 = arith.cmpi slt, %add3A_209, %lt3A_210 : i32
      %convert_element_type3A_212 = arith.extui %lt3A_211 : i1 to i32
      %cond3A_213 = arith.constant 0 : i32
      %cond3A_214 = arith.cmpi ne, %convert_element_type3A_212, %cond3A_213 : i32
      scf.if %cond3A_214 {
        %add3A_224 = arith.constant 2 : i32
        %add3A_225 = arith.addi %add3A_182, %add3A_224 : i32
        %mul3A_226 = arith.constant 80 : i32
        %mul3A_227 = arith.muli %add3A_225, %mul3A_226 : i32
        %add3A_228 = arith.addi %multiple_of3A, %mul3A_227 : i32
        %multiple_of3A_229 = tpu.assume_multiple %add3A_228, 80 : i32
        %dma_start3A_230 = arith.constant 0 : i32
        %dma_start3A_231 = tpu.memref_slice %arg2[%multiple_of3A_229, %dma_start3A_230] : memref<320000x64xi32, #tpu.memory_space<hbm>> -> memref<80x64xi32, #tpu.memory_space<hbm>>
        %dma_start3A_232 = arith.constant 0 : i32
        %dma_start3A_233 = tpu.memref_slice %arg2[%multiple_of3A_229, %dma_start3A_232] : memref<320000x64xi32, #tpu.memory_space<hbm>> -> memref<80x64xi32, #tpu.memory_space<hbm>>
        tpu.enqueue_dma source(%dma_start3A_233 : memref<80x64xi32, #tpu.memory_space<hbm>>) target(%arg9 : memref<80x64xi32, #tpu.memory_space<vmem>>) target_semaphore(%arg16 : memref<!tpu.dma_semaphore, #tpu.memory_space<semaphore_mem>>)
      } else {
      }
      %mul3A_215 = arith.constant 80 : i32
      %mul3A_216 = arith.muli %add3A_182, %mul3A_215 : i32
      %add3A_217 = arith.addi %multiple_of3A, %mul3A_216 : i32
      %multiple_of3A_218 = tpu.assume_multiple %add3A_217, 80 : i32
      %dma_wait3A_219 = tpu.memref_slice %arg3[%multiple_of3A_218] : memref<320000xi32, #tpu.memory_space<hbm>> -> memref<80xi32, #tpu.memory_space<hbm>>
      %dma_wait3A_220 = tpu.memref_slice %arg3[%multiple_of3A_218] : memref<320000xi32, #tpu.memory_space<hbm>> -> memref<80xi32, #tpu.memory_space<hbm>>
      tpu.wait_dma2 semaphore(%arg20 : memref<!tpu.dma_semaphore, #tpu.memory_space<semaphore_mem>>) src(%dma_wait3A_220 : memref<80xi32, #tpu.memory_space<hbm>>) dst(%arg7 : memref<80xi32, #tpu.memory_space<vmem>>)
      %dma_start3A_221 = arith.constant 0 : i32
      %dma_start3A_222 = arith.constant 0 : i32
      %dma_start3A_223 = tpu.memref_slice %arg14[%dma_start3A_221, %dma_start3A_222] : memref<10240x128xf32, #tpu.memory_space<vmem_shared>> -> memref<10240x128xf32, #tpu.memory_space<vmem_shared>>
      tpu.enqueue_indirect_dma source(%arg11 : memref<80x128xf32, #tpu.memory_space<vmem>>) target(%dma_start3A_223 : memref<10240x128xf32, #tpu.memory_space<vmem_shared>>) offsets(%arg7 : memref<80xi32, #tpu.memory_space<vmem>>) semaphore(%arg18 : memref<!tpu.dma_semaphore, #tpu.memory_space<semaphore_mem>>) {add = true}
    }
    %scan3A_98 = arith.constant 62 : i32
    %dma_wait3A = arith.constant 0 : i32
    %dma_wait3A_99 = arith.constant 0 : i32
    %dma_wait3A_100 = tpu.memref_slice %arg14[%dma_wait3A, %dma_wait3A_99] : memref<10240x128xf32, #tpu.memory_space<vmem_shared>> -> memref<10240x128xf32, #tpu.memory_space<vmem_shared>>
    tpu.wait_indirect_dma semaphore(%arg17 : memref<!tpu.dma_semaphore, #tpu.memory_space<semaphore_mem>>) src(%arg10 : memref<80x128xf32, #tpu.memory_space<vmem>>) dst(%dma_wait3A_100 : memref<10240x128xf32, #tpu.memory_space<vmem_shared>>)
    %add3A_101 = arith.constant 9920 : i32
    %add3A_102 = arith.addi %multiple_of3A, %add3A_101 : i32
    %multiple_of3A_103 = tpu.assume_multiple %add3A_102, 80 : i32
    %dma_start3A_104 = tpu.memref_slice %arg3[%multiple_of3A_103] : memref<320000xi32, #tpu.memory_space<hbm>> -> memref<80xi32, #tpu.memory_space<hbm>>
    %dma_start3A_105 = tpu.memref_slice %arg3[%multiple_of3A_103] : memref<320000xi32, #tpu.memory_space<hbm>> -> memref<80xi32, #tpu.memory_space<hbm>>
    tpu.enqueue_dma source(%dma_start3A_105 : memref<80xi32, #tpu.memory_space<hbm>>) target(%arg6 : memref<80xi32, #tpu.memory_space<vmem>>) target_semaphore(%arg19 : memref<!tpu.dma_semaphore, #tpu.memory_space<semaphore_mem>>)
    %add3A_106 = arith.constant 9920 : i32
    %add3A_107 = arith.addi %multiple_of3A, %add3A_106 : i32
    %multiple_of3A_108 = tpu.assume_multiple %add3A_107, 80 : i32
    %dma_wait3A_109 = arith.constant 0 : i32
    %dma_wait3A_110 = tpu.memref_slice %arg2[%multiple_of3A_108, %dma_wait3A_109] : memref<320000x64xi32, #tpu.memory_space<hbm>> -> memref<80x64xi32, #tpu.memory_space<hbm>>
    %dma_wait3A_111 = arith.constant 0 : i32
    %dma_wait3A_112 = tpu.memref_slice %arg2[%multiple_of3A_108, %dma_wait3A_111] : memref<320000x64xi32, #tpu.memory_space<hbm>> -> memref<80x64xi32, #tpu.memory_space<hbm>>
    tpu.wait_dma2 semaphore(%arg15 : memref<!tpu.dma_semaphore, #tpu.memory_space<semaphore_mem>>) src(%dma_wait3A_112 : memref<80x64xi32, #tpu.memory_space<hbm>>) dst(%arg8 : memref<80x64xi32, #tpu.memory_space<vmem>>)
    %scan3A_113 = arith.constant 0 : i32
    %scan3A_114 = arith.constant 0 : i32
    %scan3A_115 = arith.constant 80 : i32
    %scan3A_116 = arith.addi %scan3A_114, %scan3A_115 : i32
    %scan3A_117 = arith.constant 1 : i32
    scf.for %scan3A_137 = %scan3A_114 to %scan3A_116 step %scan3A_117  : i32 {
      %get3A_138 = arith.index_cast %scan3A_137 : i32 to index
      %get3A_139 = arith.constant 0 : index
      %get3A_140 = tpu.vector_load %arg8[%get3A_138, %get3A_139] {strides = array<i32>} : memref<80x64xi32, #tpu.memory_space<vmem>>, vector<16xi32>,
      %bitcast3A = vector.bitcast %get3A_140 : vector<16xi32> to vector<32xbf16>
      %unpack3A = tpu.unpack_subelements %bitcast3A, 0 {pack_format = #tpu.pack_format<interleaved>} : vector<32xbf16> -> vector<16xf32>
      %unpack3A_141 = tpu.unpack_subelements %bitcast3A, 1 {pack_format = #tpu.pack_format<interleaved>} : vector<32xbf16> -> vector<16xf32>
      %mul3A_142 = arith.mulf %get3A_19, %unpack3A : vector<16xf32>
      %add3A_143 = arith.addf %mul3A_142, %get3A_51 : vector<16xf32>
      %max3A = arith.constant 0.000000e+00 : f32
      %max3A_144 = vector.broadcast %max3A : f32 to vector<16xf32>
      %max3A_145 = arith.maximumf %add3A_143, %max3A_144 : vector<16xf32>
      %swap3A = arith.index_cast %scan3A_137 : i32 to index
      %swap3A_146 = arith.constant 0 : index
      %swap3A_147 = tpu.vector_load %arg10[%swap3A, %swap3A_146] {strides = array<i32>} : memref<80x128xf32, #tpu.memory_space<vmem>>, vector<16xf32>,
      tpu.vector_store %arg10[%swap3A, %swap3A_146], %max3A_145 {strides = array<i32>} : memref<80x128xf32, #tpu.memory_space<vmem>>, vector<16xf32>,
      %mul3A_148 = arith.mulf %get3A_23, %unpack3A_141 : vector<16xf32>
      %add3A_149 = arith.addf %mul3A_148, %get3A_55 : vector<16xf32>
      %max3A_150 = arith.constant 0.000000e+00 : f32
      %max3A_151 = vector.broadcast %max3A_150 : f32 to vector<16xf32>
      %max3A_152 = arith.maximumf %add3A_149, %max3A_151 : vector<16xf32>
      %swap3A_153 = arith.index_cast %scan3A_137 : i32 to index
      %swap3A_154 = arith.constant 16 : index
      %swap3A_155 = tpu.vector_load %arg10[%swap3A_153, %swap3A_154] {strides = array<i32>} : memref<80x128xf32, #tpu.memory_space<vmem>>, vector<16xf32>,
      tpu.vector_store %arg10[%swap3A_153, %swap3A_154], %max3A_152 {strides = array<i32>} : memref<80x128xf32, #tpu.memory_space<vmem>>, vector<16xf32>,
      %get3A_156 = arith.index_cast %scan3A_137 : i32 to index
      %get3A_157 = arith.constant 16 : index
      %get3A_158 = tpu.vector_load %arg8[%get3A_156, %get3A_157] {strides = array<i32>} : memref<80x64xi32, #tpu.memory_space<vmem>>, vector<16xi32>,
      %bitcast3A_159 = vector.bitcast %get3A_158 : vector<16xi32> to vector<32xbf16>
      %unpack3A_160 = tpu.unpack_subelements %bitcast3A_159, 0 {pack_format = #tpu.pack_format<interleaved>} : vector<32xbf16> -> vector<16xf32>
      %unpack3A_161 = tpu.unpack_subelements %bitcast3A_159, 1 {pack_format = #tpu.pack_format<interleaved>} : vector<32xbf16> -> vector<16xf32>
      %mul3A_162 = arith.mulf %get3A_27, %unpack3A_160 : vector<16xf32>
      %add3A_163 = arith.addf %mul3A_162, %get3A_59 : vector<16xf32>
      %max3A_164 = arith.constant 0.000000e+00 : f32
      %max3A_165 = vector.broadcast %max3A_164 : f32 to vector<16xf32>
      %max3A_166 = arith.maximumf %add3A_163, %max3A_165 : vector<16xf32>
      %swap3A_167 = arith.index_cast %scan3A_137 : i32 to index
      %swap3A_168 = arith.constant 32 : index
      %swap3A_169 = tpu.vector_load %arg10[%swap3A_167, %swap3A_168] {strides = array<i32>} : memref<80x128xf32, #tpu.memory_space<vmem>>, vector<16xf32>,
      tpu.vector_store %arg10[%swap3A_167, %swap3A_168], %max3A_166 {strides = array<i32>} : memref<80x128xf32, #tpu.memory_space<vmem>>, vector<16xf32>,
      %mul3A_170 = arith.mulf %get3A_31, %unpack3A_161 : vector<16xf32>
      %add3A_171 = arith.addf %mul3A_170, %get3A_63 : vector<16xf32>
      %max3A_172 = arith.constant 0.000000e+00 : f32
      %max3A_173 = vector.broadcast %max3A_172 : f32 to vector<16xf32>
      %max3A_174 = arith.maximumf %add3A_171, %max3A_173 : vector<16xf32>
      %swap3A_175 = arith.index_cast %scan3A_137 : i32 to index
      %swap3A_176 = arith.constant 48 : index
      %swap3A_177 = tpu.vector_load %arg10[%swap3A_175, %swap3A_176] {strides = array<i32>} : memref<80x128xf32, #tpu.memory_space<vmem>>, vector<16xf32>,
      tpu.vector_store %arg10[%swap3A_175, %swap3A_176], %max3A_174 {strides = array<i32>} : memref<80x128xf32, #tpu.memory_space<vmem>>, vector<16xf32>,
      %get3A_178 = arith.index_cast %scan3A_137 : i32 to index
      %get3A_179 = arith.constant 32 : index
      %get3A_180 = tpu.vector_load %arg8[%get3A_178, %get3A_179] {strides = array<i32>} : memref<80x64xi32, #tpu.memory_space<vmem>>, vector<16xi32>,
      %bitcast3A_181 = vector.bitcast %get3A_180 : vector<16xi32> to vector<32xbf16>
      %unpack3A_182 = tpu.unpack_subelements %bitcast3A_181, 0 {pack_format = #tpu.pack_format<interleaved>} : vector<32xbf16> -> vector<16xf32>
      %unpack3A_183 = tpu.unpack_subelements %bitcast3A_181, 1 {pack_format = #tpu.pack_format<interleaved>} : vector<32xbf16> -> vector<16xf32>
      %mul3A_184 = arith.mulf %get3A_35, %unpack3A_182 : vector<16xf32>
      %add3A_185 = arith.addf %mul3A_184, %get3A_67 : vector<16xf32>
      %max3A_186 = arith.constant 0.000000e+00 : f32
      %max3A_187 = vector.broadcast %max3A_186 : f32 to vector<16xf32>
      %max3A_188 = arith.maximumf %add3A_185, %max3A_187 : vector<16xf32>
      %swap3A_189 = arith.index_cast %scan3A_137 : i32 to index
      %swap3A_190 = arith.constant 64 : index
      %swap3A_191 = tpu.vector_load %arg10[%swap3A_189, %swap3A_190] {strides = array<i32>} : memref<80x128xf32, #tpu.memory_space<vmem>>, vector<16xf32>,
      tpu.vector_store %arg10[%swap3A_189, %swap3A_190], %max3A_188 {strides = array<i32>} : memref<80x128xf32, #tpu.memory_space<vmem>>, vector<16xf32>,
      %mul3A_192 = arith.mulf %get3A_39, %unpack3A_183 : vector<16xf32>
      %add3A_193 = arith.addf %mul3A_192, %get3A_71 : vector<16xf32>
      %max3A_194 = arith.constant 0.000000e+00 : f32
      %max3A_195 = vector.broadcast %max3A_194 : f32 to vector<16xf32>
      %max3A_196 = arith.maximumf %add3A_193, %max3A_195 : vector<16xf32>
      %swap3A_197 = arith.index_cast %scan3A_137 : i32 to index
      %swap3A_198 = arith.constant 80 : index
      %swap3A_199 = tpu.vector_load %arg10[%swap3A_197, %swap3A_198] {strides = array<i32>} : memref<80x128xf32, #tpu.memory_space<vmem>>, vector<16xf32>,
      tpu.vector_store %arg10[%swap3A_197, %swap3A_198], %max3A_196 {strides = array<i32>} : memref<80x128xf32, #tpu.memory_space<vmem>>, vector<16xf32>,
      %get3A_200 = arith.index_cast %scan3A_137 : i32 to index
      %get3A_201 = arith.constant 48 : index
      %get3A_202 = tpu.vector_load %arg8[%get3A_200, %get3A_201] {strides = array<i32>} : memref<80x64xi32, #tpu.memory_space<vmem>>, vector<16xi32>,
      %bitcast3A_203 = vector.bitcast %get3A_202 : vector<16xi32> to vector<32xbf16>
      %unpack3A_204 = tpu.unpack_subelements %bitcast3A_203, 0 {pack_format = #tpu.pack_format<interleaved>} : vector<32xbf16> -> vector<16xf32>
      %unpack3A_205 = tpu.unpack_subelements %bitcast3A_203, 1 {pack_format = #tpu.pack_format<interleaved>} : vector<32xbf16> -> vector<16xf32>
      %mul3A_206 = arith.mulf %get3A_43, %unpack3A_204 : vector<16xf32>
      %add3A_207 = arith.addf %mul3A_206, %get3A_75 : vector<16xf32>
      %max3A_208 = arith.constant 0.000000e+00 : f32
      %max3A_209 = vector.broadcast %max3A_208 : f32 to vector<16xf32>
      %max3A_210 = arith.maximumf %add3A_207, %max3A_209 : vector<16xf32>
      %swap3A_211 = arith.index_cast %scan3A_137 : i32 to index
      %swap3A_212 = arith.constant 96 : index
      %swap3A_213 = tpu.vector_load %arg10[%swap3A_211, %swap3A_212] {strides = array<i32>} : memref<80x128xf32, #tpu.memory_space<vmem>>, vector<16xf32>,
      tpu.vector_store %arg10[%swap3A_211, %swap3A_212], %max3A_210 {strides = array<i32>} : memref<80x128xf32, #tpu.memory_space<vmem>>, vector<16xf32>,
      %mul3A_214 = arith.mulf %get3A_47, %unpack3A_205 : vector<16xf32>
      %add3A_215 = arith.addf %mul3A_214, %get3A_79 : vector<16xf32>
      %max3A_216 = arith.constant 0.000000e+00 : f32
      %max3A_217 = vector.broadcast %max3A_216 : f32 to vector<16xf32>
      %max3A_218 = arith.maximumf %add3A_215, %max3A_217 : vector<16xf32>
      %swap3A_219 = arith.index_cast %scan3A_137 : i32 to index
      %swap3A_220 = arith.constant 112 : index
      %swap3A_221 = tpu.vector_load %arg10[%swap3A_219, %swap3A_220] {strides = array<i32>} : memref<80x128xf32, #tpu.memory_space<vmem>>, vector<16xf32>,
      tpu.vector_store %arg10[%swap3A_219, %swap3A_220], %max3A_218 {strides = array<i32>} : memref<80x128xf32, #tpu.memory_space<vmem>>, vector<16xf32>,
    }
    %scan3A_118 = arith.constant 80 : i32
    %add3A_119 = arith.constant 9920 : i32
    %add3A_120 = arith.addi %multiple_of3A, %add3A_119 : i32
    %multiple_of3A_121 = tpu.assume_multiple %add3A_120, 80 : i32
    %dma_wait3A_122 = tpu.memref_slice %arg3[%multiple_of3A_121] : memref<320000xi32, #tpu.memory_space<hbm>> -> memref<80xi32, #tpu.memory_space<hbm>>
    %dma_wait3A_123 = tpu.memref_slice %arg3[%multiple_of3A_121] : memref<320000xi32, #tpu.memory_space<hbm>> -> memref<80xi32, #tpu.memory_space<hbm>>
    tpu.wait_dma2 semaphore(%arg19 : memref<!tpu.dma_semaphore, #tpu.memory_space<semaphore_mem>>) src(%dma_wait3A_123 : memref<80xi32, #tpu.memory_space<hbm>>) dst(%arg6 : memref<80xi32, #tpu.memory_space<vmem>>)
    %dma_start3A_124 = arith.constant 0 : i32
    %dma_start3A_125 = arith.constant 0 : i32
    %dma_start3A_126 = tpu.memref_slice %arg14[%dma_start3A_124, %dma_start3A_125] : memref<10240x128xf32, #tpu.memory_space<vmem_shared>> -> memref<10240x128xf32, #tpu.memory_space<vmem_shared>>
    tpu.enqueue_indirect_dma source(%arg10 : memref<80x128xf32, #tpu.memory_space<vmem>>) target(%dma_start3A_126 : memref<10240x128xf32, #tpu.memory_space<vmem_shared>>) offsets(%arg6 : memref<80xi32, #tpu.memory_space<vmem>>) semaphore(%arg17 : memref<!tpu.dma_semaphore, #tpu.memory_space<semaphore_mem>>) {add = true}
    %dma_wait3A_127 = arith.constant 0 : i32
    %dma_wait3A_128 = arith.constant 0 : i32
    %dma_wait3A_129 = tpu.memref_slice %arg14[%dma_wait3A_127, %dma_wait3A_128] : memref<10240x128xf32, #tpu.memory_space<vmem_shared>> -> memref<10240x128xf32, #tpu.memory_space<vmem_shared>>
    tpu.wait_indirect_dma semaphore(%arg17 : memref<!tpu.dma_semaphore, #tpu.memory_space<semaphore_mem>>) src(%arg10 : memref<80x128xf32, #tpu.memory_space<vmem>>) dst(%dma_wait3A_129 : memref<10240x128xf32, #tpu.memory_space<vmem_shared>>)
    %dma_wait3A_130 = arith.constant 0 : i32
    %dma_wait3A_131 = arith.constant 0 : i32
    %dma_wait3A_132 = tpu.memref_slice %arg14[%dma_wait3A_130, %dma_wait3A_131] : memref<10240x128xf32, #tpu.memory_space<vmem_shared>> -> memref<10240x128xf32, #tpu.memory_space<vmem_shared>>
    tpu.wait_indirect_dma semaphore(%arg18 : memref<!tpu.dma_semaphore, #tpu.memory_space<semaphore_mem>>) src(%arg11 : memref<80x128xf32, #tpu.memory_space<vmem>>) dst(%dma_wait3A_132 : memref<10240x128xf32, #tpu.memory_space<vmem_shared>>)
    %barrier3A_133 = arith.constant 0 : index
    tpu.barrier barrier_id(%barrier3A_133)
    %mul3A_134 = arith.constant 640 : i32
    %mul3A_135 = arith.muli %arg1, %mul3A_134 : i32
    %multiple_of3A_136 = tpu.assume_multiple %mul3A_135, 640 : i32
    "tpu.region"() ({
      %run_scoped3A = tpu.sem_alloc : memref<!tpu.dma_semaphore, #tpu.memory_space<semaphore_mem>>
      %dma_start3A_137 = arith.constant 0 : i32
      %dma_start3A_138 = tpu.memref_slice %arg5[%arg0, %multiple_of3A_136, %dma_start3A_137] : memref<2x10240x128xf32, #tpu.memory_space<hbm>> -> memref<1x640x128xf32, #tpu.memory_space<hbm>>
      %dma_start3A_139 = tpu.memref_squeeze %dma_start3A_138 : memref<1x640x128xf32, #tpu.memory_space<hbm>> -> memref<640x128xf32, #tpu.memory_space<hbm>>
      %dma_start3A_140 = arith.constant 0 : i32
      %dma_start3A_141 = tpu.memref_slice %arg14[%multiple_of3A_136, %dma_start3A_140] : memref<10240x128xf32, #tpu.memory_space<vmem_shared>> -> memref<640x128xf32, #tpu.memory_space<vmem_shared>>
      tpu.enqueue_dma source(%dma_start3A_141 : memref<640x128xf32, #tpu.memory_space<vmem_shared>>) target(%dma_start3A_139 : memref<640x128xf32, #tpu.memory_space<hbm>>) target_semaphore(%run_scoped3A : memref<!tpu.dma_semaphore, #tpu.memory_space<semaphore_mem>>)
      %dma_wait3A_142 = arith.constant 0 : i32
      %dma_wait3A_143 = tpu.memref_slice %arg5[%arg0, %multiple_of3A_136, %dma_wait3A_142] : memref<2x10240x128xf32, #tpu.memory_space<hbm>> -> memref<1x640x128xf32, #tpu.memory_space<hbm>>
      %dma_wait3A_144 = tpu.memref_squeeze %dma_wait3A_143 : memref<1x640x128xf32, #tpu.memory_space<hbm>> -> memref<640x128xf32, #tpu.memory_space<hbm>>
      %dma_wait3A_145 = arith.constant 0 : i32
      %dma_wait3A_146 = tpu.memref_slice %arg14[%multiple_of3A_136, %dma_wait3A_145] : memref<10240x128xf32, #tpu.memory_space<vmem_shared>> -> memref<640x128xf32, #tpu.memory_space<vmem_shared>>
      tpu.wait_dma2 semaphore(%run_scoped3A : memref<!tpu.dma_semaphore, #tpu.memory_space<semaphore_mem>>) src(%dma_wait3A_146 : memref<640x128xf32, #tpu.memory_space<vmem_shared>>) dst(%dma_wait3A_144 : memref<640x128xf32, #tpu.memory_space<hbm>>)
      tpu.yield
    }) : () -> ()
    return
  }
}

#map = affine_map<(d0, d1) -> (0, 0)>
#map1 = affine_map<(d0, d1) -> (0)>
#map2 = affine_map<(d0, d1) -> (0, 0, 0)>
module attributes {stable_mosaic.version = 14 : i64} {
  func.func @_edge_stats(%arg0: i32, %arg1: i32, %arg2: memref<10000x128xf32, #tpu.memory_space<hbm>>, %arg3: memref<320000x128xf32, #tpu.memory_space<hbm>>, %arg4: memref<320000xi32, #tpu.memory_space<hbm>>, %arg5: memref<320000xi32, #tpu.memory_space<hbm>>, %arg6: memref<32x2x128xf32, #tpu.memory_space<hbm>>, %arg7: memref<32x10240xf32, #tpu.memory_space<hbm>>, %arg8: memref<320000x64xi32, #tpu.memory_space<hbm>>, %arg9: memref<10000xi32, #tpu.memory_space<vmem>>, %arg10: memref<10000xi32, #tpu.memory_space<vmem>>, %arg11: memref<80x128xf32, #tpu.memory_space<vmem>>, %arg12: memref<80x128xf32, #tpu.memory_space<vmem>>, %arg13: memref<80x128xf32, #tpu.memory_space<vmem>>, %arg14: memref<80x128xf32, #tpu.memory_space<vmem>>, %arg15: memref<80x64xi32, #tpu.memory_space<vmem>>, %arg16: memref<80x64xi32, #tpu.memory_space<vmem>>, %arg17: memref<2x128xf32, #tpu.memory_space<vmem>>, %arg18: memref<10240xf32, #tpu.memory_space<vmem>>, %arg19: memref<!tpu.dma_semaphore, #tpu.memory_space<semaphore_mem>>, %arg20: memref<!tpu.dma_semaphore, #tpu.memory_space<semaphore_mem>>, %arg21: memref<!tpu.dma_semaphore, #tpu.memory_space<semaphore_mem>>, %arg22: memref<!tpu.dma_semaphore, #tpu.memory_space<semaphore_mem>>, %arg23: memref<!tpu.dma_semaphore, #tpu.memory_space<semaphore_mem>>, %arg24: memref<!tpu.dma_semaphore, #tpu.memory_space<semaphore_mem>>) attributes {dimension_semantics = [#tpu.dimension_semantics<core_parallel>, #tpu.dimension_semantics<subcore_parallel>], iteration_bounds = array<i64: 2, 16>, scalar_prefetch = 0 : i64, scratch_operands = 16 : i64, tpu.core_type = #tpu.core_type<sc_vector_subcore>, window_params = [{transform_indices = #map}, {transform_indices = #map}, {transform_indices = #map1}, {transform_indices = #map1}, {transform_indices = #map2}, {transform_indices = #map}, {transform_indices = #map}]} {
    %mul3A = arith.constant 2 : i32
    %mul3A_0 = arith.muli %arg1, %mul3A : i32
    %add3A = arith.addi %mul3A_0, %arg0 : i32
    %mul3A_1 = arith.constant 10000 : i32
    %mul3A_2 = arith.muli %add3A, %mul3A_1 : i32
    %multiple_of3A = tpu.assume_multiple %mul3A_2, 10000 : i32
    %broadcast_in_dim3A = arith.constant 0.000000e+00 : f32
    %broadcast_in_dim3A_3 = vector.broadcast %broadcast_in_dim3A : f32 to vector<16xf32>
    %broadcast_in_dim3A_4 = arith.constant 1.000000e+00 : f32
    %broadcast_in_dim3A_5 = vector.broadcast %broadcast_in_dim3A_4 : f32 to vector<16xf32>
    %scan3A = arith.constant 0 : i32
    %scan3A_6 = arith.constant 0 : i32
    %scan3A_7 = arith.constant 640 : i32
    %scan3A_8 = arith.addi %scan3A_6, %scan3A_7 : i32
    %scan3A_9 = arith.constant 1 : i32
    %scan3A_10 = scf.for %scan3A_170 = %scan3A_6 to %scan3A_8 step %scan3A_9 iter_args(%scan3A_171 = %scan3A) -> (i32)  : i32 {
      %mul3A_172 = arith.constant 16 : i32
      %mul3A_173 = arith.muli %scan3A_170, %mul3A_172 : i32
      %multiple_of3A_174 = tpu.assume_multiple %mul3A_173, 16 : i32
      %swap3A_175 = arith.index_cast %multiple_of3A_174 : i32 to index
      %swap3A_176 = tpu.vector_load %arg18[%swap3A_175] {strides = array<i32>} : memref<10240xf32, #tpu.memory_space<vmem>>, vector<16xf32>,
      tpu.vector_store %arg18[%swap3A_175], %broadcast_in_dim3A_3 {strides = array<i32>} : memref<10240xf32, #tpu.memory_space<vmem>>, vector<16xf32>,
      %scan3A_177 = arith.constant 0 : i32
      scf.yield %scan3A_177 : i32
    }
    %scan3A_11 = arith.constant 640 : i32
    "tpu.region"() ({
      %run_scoped3A = tpu.sem_alloc : memref<!tpu.dma_semaphore, #tpu.memory_space<semaphore_mem>>
      %dma_start3A_170 = tpu.memref_slice %arg4[%multiple_of3A] : memref<320000xi32, #tpu.memory_space<hbm>> -> memref<10000xi32, #tpu.memory_space<hbm>>
      %dma_start3A_171 = tpu.memref_slice %arg4[%multiple_of3A] : memref<320000xi32, #tpu.memory_space<hbm>> -> memref<10000xi32, #tpu.memory_space<hbm>>
      tpu.enqueue_dma source(%dma_start3A_171 : memref<10000xi32, #tpu.memory_space<hbm>>) target(%arg9 : memref<10000xi32, #tpu.memory_space<vmem>>) target_semaphore(%run_scoped3A : memref<!tpu.dma_semaphore, #tpu.memory_space<semaphore_mem>>)
      %dma_wait3A_172 = tpu.memref_slice %arg4[%multiple_of3A] : memref<320000xi32, #tpu.memory_space<hbm>> -> memref<10000xi32, #tpu.memory_space<hbm>>
      %dma_wait3A_173 = tpu.memref_slice %arg4[%multiple_of3A] : memref<320000xi32, #tpu.memory_space<hbm>> -> memref<10000xi32, #tpu.memory_space<hbm>>
      tpu.wait_dma2 semaphore(%run_scoped3A : memref<!tpu.dma_semaphore, #tpu.memory_space<semaphore_mem>>) src(%dma_wait3A_173 : memref<10000xi32, #tpu.memory_space<hbm>>) dst(%arg9 : memref<10000xi32, #tpu.memory_space<vmem>>)
      tpu.yield
    }) : () -> ()
    "tpu.region"() ({
      %run_scoped3A = tpu.sem_alloc : memref<!tpu.dma_semaphore, #tpu.memory_space<semaphore_mem>>
      %dma_start3A_170 = tpu.memref_slice %arg5[%multiple_of3A] : memref<320000xi32, #tpu.memory_space<hbm>> -> memref<10000xi32, #tpu.memory_space<hbm>>
      %dma_start3A_171 = tpu.memref_slice %arg5[%multiple_of3A] : memref<320000xi32, #tpu.memory_space<hbm>> -> memref<10000xi32, #tpu.memory_space<hbm>>
      tpu.enqueue_dma source(%dma_start3A_171 : memref<10000xi32, #tpu.memory_space<hbm>>) target(%arg10 : memref<10000xi32, #tpu.memory_space<vmem>>) target_semaphore(%run_scoped3A : memref<!tpu.dma_semaphore, #tpu.memory_space<semaphore_mem>>)
      %dma_wait3A_172 = tpu.memref_slice %arg5[%multiple_of3A] : memref<320000xi32, #tpu.memory_space<hbm>> -> memref<10000xi32, #tpu.memory_space<hbm>>
      %dma_wait3A_173 = tpu.memref_slice %arg5[%multiple_of3A] : memref<320000xi32, #tpu.memory_space<hbm>> -> memref<10000xi32, #tpu.memory_space<hbm>>
      tpu.wait_dma2 semaphore(%run_scoped3A : memref<!tpu.dma_semaphore, #tpu.memory_space<semaphore_mem>>) src(%dma_wait3A_173 : memref<10000xi32, #tpu.memory_space<hbm>>) dst(%arg10 : memref<10000xi32, #tpu.memory_space<vmem>>)
      tpu.yield
    }) : () -> ()
    %multiple_of3A_12 = arith.constant 0 : i32
    %multiple_of3A_13 = tpu.assume_multiple %multiple_of3A_12, 80 : i32
    %add3A_14 = arith.addi %multiple_of3A, %multiple_of3A_13 : i32
    %multiple_of3A_15 = tpu.assume_multiple %add3A_14, 80 : i32
    %dma_start3A = tpu.memref_slice %arg9[%multiple_of3A_13] : memref<10000xi32, #tpu.memory_space<vmem>> -> memref<80xi32, #tpu.memory_space<vmem>>
    %dma_start3A_16 = arith.constant 0 : i32
    %dma_start3A_17 = arith.constant 0 : i32
    %dma_start3A_18 = tpu.memref_slice %arg2[%dma_start3A_16, %dma_start3A_17] : memref<10000x128xf32, #tpu.memory_space<hbm>> -> memref<10000x128xf32, #tpu.memory_space<hbm>>
    tpu.enqueue_indirect_dma source(%dma_start3A_18 : memref<10000x128xf32, #tpu.memory_space<hbm>>) target(%arg11 : memref<80x128xf32, #tpu.memory_space<vmem>>) offsets(%dma_start3A : memref<80xi32, #tpu.memory_space<vmem>>) semaphore(%arg19 : memref<!tpu.dma_semaphore, #tpu.memory_space<semaphore_mem>>)
    %dma_start3A_19 = arith.constant 0 : i32
    %dma_start3A_20 = tpu.memref_slice %arg3[%multiple_of3A_15, %dma_start3A_19] : memref<320000x128xf32, #tpu.memory_space<hbm>> -> memref<80x128xf32, #tpu.memory_space<hbm>>
    %dma_start3A_21 = arith.constant 0 : i32
    %dma_start3A_22 = tpu.memref_slice %arg3[%multiple_of3A_15, %dma_start3A_21] : memref<320000x128xf32, #tpu.memory_space<hbm>> -> memref<80x128xf32, #tpu.memory_space<hbm>>
    tpu.enqueue_dma source(%dma_start3A_22 : memref<80x128xf32, #tpu.memory_space<hbm>>) target(%arg13 : memref<80x128xf32, #tpu.memory_space<vmem>>) target_semaphore(%arg21 : memref<!tpu.dma_semaphore, #tpu.memory_space<semaphore_mem>>)
    %multiple_of3A_23 = arith.constant 80 : i32
    %multiple_of3A_24 = tpu.assume_multiple %multiple_of3A_23, 80 : i32
    %add3A_25 = arith.addi %multiple_of3A, %multiple_of3A_24 : i32
    %multiple_of3A_26 = tpu.assume_multiple %add3A_25, 80 : i32
    %dma_start3A_27 = tpu.memref_slice %arg9[%multiple_of3A_24] : memref<10000xi32, #tpu.memory_space<vmem>> -> memref<80xi32, #tpu.memory_space<vmem>>
    %dma_start3A_28 = arith.constant 0 : i32
    %dma_start3A_29 = arith.constant 0 : i32
    %dma_start3A_30 = tpu.memref_slice %arg2[%dma_start3A_28, %dma_start3A_29] : memref<10000x128xf32, #tpu.memory_space<hbm>> -> memref<10000x128xf32, #tpu.memory_space<hbm>>
    tpu.enqueue_indirect_dma source(%dma_start3A_30 : memref<10000x128xf32, #tpu.memory_space<hbm>>) target(%arg12 : memref<80x128xf32, #tpu.memory_space<vmem>>) offsets(%dma_start3A_27 : memref<80xi32, #tpu.memory_space<vmem>>) semaphore(%arg20 : memref<!tpu.dma_semaphore, #tpu.memory_space<semaphore_mem>>)
    %dma_start3A_31 = arith.constant 0 : i32
    %dma_start3A_32 = tpu.memref_slice %arg3[%multiple_of3A_26, %dma_start3A_31] : memref<320000x128xf32, #tpu.memory_space<hbm>> -> memref<80x128xf32, #tpu.memory_space<hbm>>
    %dma_start3A_33 = arith.constant 0 : i32
    %dma_start3A_34 = tpu.memref_slice %arg3[%multiple_of3A_26, %dma_start3A_33] : memref<320000x128xf32, #tpu.memory_space<hbm>> -> memref<80x128xf32, #tpu.memory_space<hbm>>
    tpu.enqueue_dma source(%dma_start3A_34 : memref<80x128xf32, #tpu.memory_space<hbm>>) target(%arg14 : memref<80x128xf32, #tpu.memory_space<vmem>>) target_semaphore(%arg22 : memref<!tpu.dma_semaphore, #tpu.memory_space<semaphore_mem>>)
    %scan3A_35 = arith.constant 0 : i32
    %scan3A_36 = arith.constant 62 : i32
    %scan3A_37 = arith.addi %scan3A_35, %scan3A_36 : i32
    %scan3A_38 = arith.constant 1 : i32
    %scan3A_39:16 = scf.for %scan3A_170 = %scan3A_35 to %scan3A_37 step %scan3A_38 iter_args(%scan3A_171 = %broadcast_in_dim3A_3, %scan3A_172 = %broadcast_in_dim3A_3, %scan3A_173 = %broadcast_in_dim3A_3, %scan3A_174 = %broadcast_in_dim3A_3, %scan3A_175 = %broadcast_in_dim3A_3, %scan3A_176 = %broadcast_in_dim3A_3, %scan3A_177 = %broadcast_in_dim3A_3, %scan3A_178 = %broadcast_in_dim3A_3, %scan3A_179 = %broadcast_in_dim3A_3, %scan3A_180 = %broadcast_in_dim3A_3, %scan3A_181 = %broadcast_in_dim3A_3, %scan3A_182 = %broadcast_in_dim3A_3, %scan3A_183 = %broadcast_in_dim3A_3, %scan3A_184 = %broadcast_in_dim3A_3, %scan3A_185 = %broadcast_in_dim3A_3, %scan3A_186 = %broadcast_in_dim3A_3) -> (vector<16xf32>, vector<16xf32>, vector<16xf32>, vector<16xf32>, vector<16xf32>, vector<16xf32>, vector<16xf32>, vector<16xf32>, vector<16xf32>, vector<16xf32>, vector<16xf32>, vector<16xf32>, vector<16xf32>, vector<16xf32>, vector<16xf32>, vector<16xf32>)  : i32 {
      %mul3A_187 = arith.constant 2 : i32
      %mul3A_188 = arith.muli %mul3A_187, %scan3A_170 : i32
      %add3A_189 = arith.constant 0 : i32
      %add3A_190 = arith.addi %mul3A_188, %add3A_189 : i32
      %ge3A = arith.constant 2 : i32
      %ge3A_191 = arith.cmpi sge, %add3A_190, %ge3A : i32
      %convert_element_type3A = arith.extui %ge3A_191 : i1 to i32
      %cond3A = arith.constant 0 : i32
      %cond3A_192 = arith.cmpi ne, %convert_element_type3A, %cond3A : i32
      scf.if %cond3A_192 {
        %sub3A = arith.constant 2 : i32
        %sub3A_315 = arith.subi %add3A_190, %sub3A : i32
        %mul3A_316 = arith.constant 80 : i32
        %mul3A_317 = arith.muli %sub3A_315, %mul3A_316 : i32
        %add3A_318 = arith.addi %multiple_of3A, %mul3A_317 : i32
        %multiple_of3A_319 = tpu.assume_multiple %add3A_318, 80 : i32
        %dma_wait3A_320 = arith.constant 0 : i32
        %dma_wait3A_321 = tpu.memref_slice %arg8[%multiple_of3A_319, %dma_wait3A_320] : memref<320000x64xi32, #tpu.memory_space<hbm>> -> memref<80x64xi32, #tpu.memory_space<hbm>>
        %dma_wait3A_322 = arith.constant 0 : i32
        %dma_wait3A_323 = tpu.memref_slice %arg8[%multiple_of3A_319, %dma_wait3A_322] : memref<320000x64xi32, #tpu.memory_space<hbm>> -> memref<80x64xi32, #tpu.memory_space<hbm>>
        tpu.wait_dma2 semaphore(%arg23 : memref<!tpu.dma_semaphore, #tpu.memory_space<semaphore_mem>>) src(%arg15 : memref<80x64xi32, #tpu.memory_space<vmem>>) dst(%dma_wait3A_323 : memref<80x64xi32, #tpu.memory_space<hbm>>)
      } else {
      }
      %mul3A_193 = arith.constant 80 : i32
      %mul3A_194 = arith.muli %add3A_190, %mul3A_193 : i32
      %multiple_of3A_195 = tpu.assume_multiple %mul3A_194, 80 : i32
      %add3A_196 = arith.addi %multiple_of3A, %multiple_of3A_195 : i32
      %multiple_of3A_197 = tpu.assume_multiple %add3A_196, 80 : i32
      %dma_wait3A_198 = tpu.memref_slice %arg9[%multiple_of3A_195] : memref<10000xi32, #tpu.memory_space<vmem>> -> memref<80xi32, #tpu.memory_space<vmem>>
      %dma_wait3A_199 = arith.constant 0 : i32
      %dma_wait3A_200 = arith.constant 0 : i32
      %dma_wait3A_201 = tpu.memref_slice %arg2[%dma_wait3A_199, %dma_wait3A_200] : memref<10000x128xf32, #tpu.memory_space<hbm>> -> memref<10000x128xf32, #tpu.memory_space<hbm>>
      tpu.wait_indirect_dma semaphore(%arg19 : memref<!tpu.dma_semaphore, #tpu.memory_space<semaphore_mem>>) src(%dma_wait3A_201 : memref<10000x128xf32, #tpu.memory_space<hbm>>) dst(%arg11 : memref<80x128xf32, #tpu.memory_space<vmem>>)
      %dma_wait3A_202 = arith.constant 0 : i32
      %dma_wait3A_203 = tpu.memref_slice %arg3[%multiple_of3A_197, %dma_wait3A_202] : memref<320000x128xf32, #tpu.memory_space<hbm>> -> memref<80x128xf32, #tpu.memory_space<hbm>>
      %dma_wait3A_204 = arith.constant 0 : i32
      %dma_wait3A_205 = tpu.memref_slice %arg3[%multiple_of3A_197, %dma_wait3A_204] : memref<320000x128xf32, #tpu.memory_space<hbm>> -> memref<80x128xf32, #tpu.memory_space<hbm>>
      tpu.wait_dma2 semaphore(%arg21 : memref<!tpu.dma_semaphore, #tpu.memory_space<semaphore_mem>>) src(%dma_wait3A_205 : memref<80x128xf32, #tpu.memory_space<hbm>>) dst(%arg13 : memref<80x128xf32, #tpu.memory_space<vmem>>)
      %scan3A_206 = arith.constant 0 : i32
      %scan3A_207 = arith.constant 80 : i32
      %scan3A_208 = arith.addi %scan3A_206, %scan3A_207 : i32
      %scan3A_209 = arith.constant 1 : i32
      %scan3A_210:16 = scf.for %scan3A_315 = %scan3A_206 to %scan3A_208 step %scan3A_209 iter_args(%scan3A_316 = %scan3A_171, %scan3A_317 = %scan3A_172, %scan3A_318 = %scan3A_173, %scan3A_319 = %scan3A_174, %scan3A_320 = %scan3A_175, %scan3A_321 = %scan3A_176, %scan3A_322 = %scan3A_177, %scan3A_323 = %scan3A_178, %scan3A_324 = %scan3A_179, %scan3A_325 = %scan3A_180, %scan3A_326 = %scan3A_181, %scan3A_327 = %scan3A_182, %scan3A_328 = %scan3A_183, %scan3A_329 = %scan3A_184, %scan3A_330 = %scan3A_185, %scan3A_331 = %scan3A_186) -> (vector<16xf32>, vector<16xf32>, vector<16xf32>, vector<16xf32>, vector<16xf32>, vector<16xf32>, vector<16xf32>, vector<16xf32>, vector<16xf32>, vector<16xf32>, vector<16xf32>, vector<16xf32>, vector<16xf32>, vector<16xf32>, vector<16xf32>, vector<16xf32>)  : i32 {
        %get3A_332 = arith.index_cast %scan3A_315 : i32 to index
        %get3A_333 = arith.constant 0 : index
        %get3A_334 = tpu.vector_load %arg11[%get3A_332, %get3A_333] {strides = array<i32>} : memref<80x128xf32, #tpu.memory_space<vmem>>, vector<16xf32>,
        %get3A_335 = arith.index_cast %scan3A_315 : i32 to index
        %get3A_336 = arith.constant 0 : index
        %get3A_337 = tpu.vector_load %arg13[%get3A_335, %get3A_336] {strides = array<i32>} : memref<80x128xf32, #tpu.memory_space<vmem>>, vector<16xf32>,
        %add3A_338 = arith.addf %get3A_334, %get3A_337 : vector<16xf32>
        %add3A_339 = arith.addf %scan3A_316, %add3A_338 : vector<16xf32>
        %mul3A_340 = arith.mulf %add3A_338, %add3A_338 : vector<16xf32>
        %add3A_341 = arith.addf %scan3A_324, %mul3A_340 : vector<16xf32>
        %get3A_342 = arith.index_cast %scan3A_315 : i32 to index
        %get3A_343 = arith.constant 16 : index
        %get3A_344 = tpu.vector_load %arg11[%get3A_342, %get3A_343] {strides = array<i32>} : memref<80x128xf32, #tpu.memory_space<vmem>>, vector<16xf32>,
        %get3A_345 = arith.index_cast %scan3A_315 : i32 to index
        %get3A_346 = arith.constant 16 : index
        %get3A_347 = tpu.vector_load %arg13[%get3A_345, %get3A_346] {strides = array<i32>} : memref<80x128xf32, #tpu.memory_space<vmem>>, vector<16xf32>,
        %add3A_348 = arith.addf %get3A_344, %get3A_347 : vector<16xf32>
        %add3A_349 = arith.addf %scan3A_317, %add3A_348 : vector<16xf32>
        %mul3A_350 = arith.mulf %add3A_348, %add3A_348 : vector<16xf32>
        %add3A_351 = arith.addf %scan3A_325, %mul3A_350 : vector<16xf32>
        %get3A_352 = arith.index_cast %scan3A_315 : i32 to index
        %get3A_353 = arith.constant 32 : index
        %get3A_354 = tpu.vector_load %arg11[%get3A_352, %get3A_353] {strides = array<i32>} : memref<80x128xf32, #tpu.memory_space<vmem>>, vector<16xf32>,
        %get3A_355 = arith.index_cast %scan3A_315 : i32 to index
        %get3A_356 = arith.constant 32 : index
        %get3A_357 = tpu.vector_load %arg13[%get3A_355, %get3A_356] {strides = array<i32>} : memref<80x128xf32, #tpu.memory_space<vmem>>, vector<16xf32>,
        %add3A_358 = arith.addf %get3A_354, %get3A_357 : vector<16xf32>
        %add3A_359 = arith.addf %scan3A_318, %add3A_358 : vector<16xf32>
        %mul3A_360 = arith.mulf %add3A_358, %add3A_358 : vector<16xf32>
        %add3A_361 = arith.addf %scan3A_326, %mul3A_360 : vector<16xf32>
        %get3A_362 = arith.index_cast %scan3A_315 : i32 to index
        %get3A_363 = arith.constant 48 : index
        %get3A_364 = tpu.vector_load %arg11[%get3A_362, %get3A_363] {strides = array<i32>} : memref<80x128xf32, #tpu.memory_space<vmem>>, vector<16xf32>,
        %get3A_365 = arith.index_cast %scan3A_315 : i32 to index
        %get3A_366 = arith.constant 48 : index
        %get3A_367 = tpu.vector_load %arg13[%get3A_365, %get3A_366] {strides = array<i32>} : memref<80x128xf32, #tpu.memory_space<vmem>>, vector<16xf32>,
        %add3A_368 = arith.addf %get3A_364, %get3A_367 : vector<16xf32>
        %add3A_369 = arith.addf %scan3A_319, %add3A_368 : vector<16xf32>
        %mul3A_370 = arith.mulf %add3A_368, %add3A_368 : vector<16xf32>
        %add3A_371 = arith.addf %scan3A_327, %mul3A_370 : vector<16xf32>
        %get3A_372 = arith.index_cast %scan3A_315 : i32 to index
        %get3A_373 = arith.constant 64 : index
        %get3A_374 = tpu.vector_load %arg11[%get3A_372, %get3A_373] {strides = array<i32>} : memref<80x128xf32, #tpu.memory_space<vmem>>, vector<16xf32>,
        %get3A_375 = arith.index_cast %scan3A_315 : i32 to index
        %get3A_376 = arith.constant 64 : index
        %get3A_377 = tpu.vector_load %arg13[%get3A_375, %get3A_376] {strides = array<i32>} : memref<80x128xf32, #tpu.memory_space<vmem>>, vector<16xf32>,
        %add3A_378 = arith.addf %get3A_374, %get3A_377 : vector<16xf32>
        %add3A_379 = arith.addf %scan3A_320, %add3A_378 : vector<16xf32>
        %mul3A_380 = arith.mulf %add3A_378, %add3A_378 : vector<16xf32>
        %add3A_381 = arith.addf %scan3A_328, %mul3A_380 : vector<16xf32>
        %get3A_382 = arith.index_cast %scan3A_315 : i32 to index
        %get3A_383 = arith.constant 80 : index
        %get3A_384 = tpu.vector_load %arg11[%get3A_382, %get3A_383] {strides = array<i32>} : memref<80x128xf32, #tpu.memory_space<vmem>>, vector<16xf32>,
        %get3A_385 = arith.index_cast %scan3A_315 : i32 to index
        %get3A_386 = arith.constant 80 : index
        %get3A_387 = tpu.vector_load %arg13[%get3A_385, %get3A_386] {strides = array<i32>} : memref<80x128xf32, #tpu.memory_space<vmem>>, vector<16xf32>,
        %add3A_388 = arith.addf %get3A_384, %get3A_387 : vector<16xf32>
        %add3A_389 = arith.addf %scan3A_321, %add3A_388 : vector<16xf32>
        %mul3A_390 = arith.mulf %add3A_388, %add3A_388 : vector<16xf32>
        %add3A_391 = arith.addf %scan3A_329, %mul3A_390 : vector<16xf32>
        %get3A_392 = arith.index_cast %scan3A_315 : i32 to index
        %get3A_393 = arith.constant 96 : index
        %get3A_394 = tpu.vector_load %arg11[%get3A_392, %get3A_393] {strides = array<i32>} : memref<80x128xf32, #tpu.memory_space<vmem>>, vector<16xf32>,
        %get3A_395 = arith.index_cast %scan3A_315 : i32 to index
        %get3A_396 = arith.constant 96 : index
        %get3A_397 = tpu.vector_load %arg13[%get3A_395, %get3A_396] {strides = array<i32>} : memref<80x128xf32, #tpu.memory_space<vmem>>, vector<16xf32>,
        %add3A_398 = arith.addf %get3A_394, %get3A_397 : vector<16xf32>
        %add3A_399 = arith.addf %scan3A_322, %add3A_398 : vector<16xf32>
        %mul3A_400 = arith.mulf %add3A_398, %add3A_398 : vector<16xf32>
        %add3A_401 = arith.addf %scan3A_330, %mul3A_400 : vector<16xf32>
        %get3A_402 = arith.index_cast %scan3A_315 : i32 to index
        %get3A_403 = arith.constant 112 : index
        %get3A_404 = tpu.vector_load %arg11[%get3A_402, %get3A_403] {strides = array<i32>} : memref<80x128xf32, #tpu.memory_space<vmem>>, vector<16xf32>,
        %get3A_405 = arith.index_cast %scan3A_315 : i32 to index
        %get3A_406 = arith.constant 112 : index
        %get3A_407 = tpu.vector_load %arg13[%get3A_405, %get3A_406] {strides = array<i32>} : memref<80x128xf32, #tpu.memory_space<vmem>>, vector<16xf32>,
        %add3A_408 = arith.addf %get3A_404, %get3A_407 : vector<16xf32>
        %add3A_409 = arith.addf %scan3A_323, %add3A_408 : vector<16xf32>
        %mul3A_410 = arith.mulf %add3A_408, %add3A_408 : vector<16xf32>
        %add3A_411 = arith.addf %scan3A_331, %mul3A_410 : vector<16xf32>
        %pack3A = tpu.pack_subelements %add3A_338, %add3A_348 {pack_format = #tpu.pack_format<interleaved>, positions = array<i32: 0, 1>} : vector<16xf32>, vector<16xf32> -> vector<32xbf16>
        %bitcast3A = vector.bitcast %pack3A : vector<32xbf16> to vector<16xi32>
        %swap3A_412 = arith.index_cast %scan3A_315 : i32 to index
        %swap3A_413 = arith.constant 0 : index
        %swap3A_414 = tpu.vector_load %arg15[%swap3A_412, %swap3A_413] {strides = array<i32>} : memref<80x64xi32, #tpu.memory_space<vmem>>, vector<16xi32>,
        tpu.vector_store %arg15[%swap3A_412, %swap3A_413], %bitcast3A {strides = array<i32>} : memref<80x64xi32, #tpu.memory_space<vmem>>, vector<16xi32>,
        %pack3A_415 = tpu.pack_subelements %add3A_358, %add3A_368 {pack_format = #tpu.pack_format<interleaved>, positions = array<i32: 0, 1>} : vector<16xf32>, vector<16xf32> -> vector<32xbf16>
        %bitcast3A_416 = vector.bitcast %pack3A_415 : vector<32xbf16> to vector<16xi32>
        %swap3A_417 = arith.index_cast %scan3A_315 : i32 to index
        %swap3A_418 = arith.constant 16 : index
        %swap3A_419 = tpu.vector_load %arg15[%swap3A_417, %swap3A_418] {strides = array<i32>} : memref<80x64xi32, #tpu.memory_space<vmem>>, vector<16xi32>,
        tpu.vector_store %arg15[%swap3A_417, %swap3A_418], %bitcast3A_416 {strides = array<i32>} : memref<80x64xi32, #tpu.memory_space<vmem>>, vector<16xi32>,
        %pack3A_420 = tpu.pack_subelements %add3A_378, %add3A_388 {pack_format = #tpu.pack_format<interleaved>, positions = array<i32: 0, 1>} : vector<16xf32>, vector<16xf32> -> vector<32xbf16>
        %bitcast3A_421 = vector.bitcast %pack3A_420 : vector<32xbf16> to vector<16xi32>
        %swap3A_422 = arith.index_cast %scan3A_315 : i32 to index
        %swap3A_423 = arith.constant 32 : index
        %swap3A_424 = tpu.vector_load %arg15[%swap3A_422, %swap3A_423] {strides = array<i32>} : memref<80x64xi32, #tpu.memory_space<vmem>>, vector<16xi32>,
        tpu.vector_store %arg15[%swap3A_422, %swap3A_423], %bitcast3A_421 {strides = array<i32>} : memref<80x64xi32, #tpu.memory_space<vmem>>, vector<16xi32>,
        %pack3A_425 = tpu.pack_subelements %add3A_398, %add3A_408 {pack_format = #tpu.pack_format<interleaved>, positions = array<i32: 0, 1>} : vector<16xf32>, vector<16xf32> -> vector<32xbf16>
        %bitcast3A_426 = vector.bitcast %pack3A_425 : vector<32xbf16> to vector<16xi32>
        %swap3A_427 = arith.index_cast %scan3A_315 : i32 to index
        %swap3A_428 = arith.constant 48 : index
        %swap3A_429 = tpu.vector_load %arg15[%swap3A_427, %swap3A_428] {strides = array<i32>} : memref<80x64xi32, #tpu.memory_space<vmem>>, vector<16xi32>,
        tpu.vector_store %arg15[%swap3A_427, %swap3A_428], %bitcast3A_426 {strides = array<i32>} : memref<80x64xi32, #tpu.memory_space<vmem>>, vector<16xi32>,
        scf.yield %add3A_339, %add3A_349, %add3A_359, %add3A_369, %add3A_379, %add3A_389, %add3A_399, %add3A_409, %add3A_341, %add3A_351, %add3A_361, %add3A_371, %add3A_381, %add3A_391, %add3A_401, %add3A_411 : vector<16xf32>, vector<16xf32>, vector<16xf32>, vector<16xf32>, vector<16xf32>, vector<16xf32>, vector<16xf32>, vector<16xf32>, vector<16xf32>, vector<16xf32>, vector<16xf32>, vector<16xf32>, vector<16xf32>, vector<16xf32>, vector<16xf32>, vector<16xf32>
      }
      %scan3A_211 = arith.constant 80 : i32
      %mul3A_212 = arith.constant 80 : i32
      %mul3A_213 = arith.muli %add3A_190, %mul3A_212 : i32
      %multiple_of3A_214 = tpu.assume_multiple %mul3A_213, 16 : i32
      %add3A_215 = arith.constant 0 : i32
      %add3A_216 = arith.addi %multiple_of3A_214, %add3A_215 : i32
      %get3A_217 = arith.index_cast %add3A_216 : i32 to index
      %get3A_218 = tpu.vector_load %arg10[%get3A_217] {strides = array<i32>} : memref<10000xi32, #tpu.memory_space<vmem>>, vector<16xi32>,
      tpu.vector_store_idx %arg18[%get3A_218], %broadcast_in_dim3A_5 {add = true} : memref<10240xf32, #tpu.memory_space<vmem>>[vector<16xi32>], vector<16xf32>,
      %add3A_219 = arith.constant 16 : i32
      %add3A_220 = arith.addi %multiple_of3A_214, %add3A_219 : i32
      %get3A_221 = arith.index_cast %add3A_220 : i32 to index
      %get3A_222 = tpu.vector_load %arg10[%get3A_221] {strides = array<i32>} : memref<10000xi32, #tpu.memory_space<vmem>>, vector<16xi32>,
      tpu.vector_store_idx %arg18[%get3A_222], %broadcast_in_dim3A_5 {add = true} : memref<10240xf32, #tpu.memory_space<vmem>>[vector<16xi32>], vector<16xf32>,
      %add3A_223 = arith.constant 32 : i32
      %add3A_224 = arith.addi %multiple_of3A_214, %add3A_223 : i32
      %get3A_225 = arith.index_cast %add3A_224 : i32 to index
      %get3A_226 = tpu.vector_load %arg10[%get3A_225] {strides = array<i32>} : memref<10000xi32, #tpu.memory_space<vmem>>, vector<16xi32>,
      tpu.vector_store_idx %arg18[%get3A_226], %broadcast_in_dim3A_5 {add = true} : memref<10240xf32, #tpu.memory_space<vmem>>[vector<16xi32>], vector<16xf32>,
      %add3A_227 = arith.constant 48 : i32
      %add3A_228 = arith.addi %multiple_of3A_214, %add3A_227 : i32
      %get3A_229 = arith.index_cast %add3A_228 : i32 to index
      %get3A_230 = tpu.vector_load %arg10[%get3A_229] {strides = array<i32>} : memref<10000xi32, #tpu.memory_space<vmem>>, vector<16xi32>,
      tpu.vector_store_idx %arg18[%get3A_230], %broadcast_in_dim3A_5 {add = true} : memref<10240xf32, #tpu.memory_space<vmem>>[vector<16xi32>], vector<16xf32>,
      %add3A_231 = arith.constant 64 : i32
      %add3A_232 = arith.addi %multiple_of3A_214, %add3A_231 : i32
      %get3A_233 = arith.index_cast %add3A_232 : i32 to index
      %get3A_234 = tpu.vector_load %arg10[%get3A_233] {strides = array<i32>} : memref<10000xi32, #tpu.memory_space<vmem>>, vector<16xi32>,
      tpu.vector_store_idx %arg18[%get3A_234], %broadcast_in_dim3A_5 {add = true} : memref<10240xf32, #tpu.memory_space<vmem>>[vector<16xi32>], vector<16xf32>,
      %mul3A_235 = arith.constant 80 : i32
      %mul3A_236 = arith.muli %add3A_190, %mul3A_235 : i32
      %add3A_237 = arith.addi %multiple_of3A, %mul3A_236 : i32
      %multiple_of3A_238 = tpu.assume_multiple %add3A_237, 80 : i32
      %dma_start3A_239 = arith.constant 0 : i32
      %dma_start3A_240 = tpu.memref_slice %arg8[%multiple_of3A_238, %dma_start3A_239] : memref<320000x64xi32, #tpu.memory_space<hbm>> -> memref<80x64xi32, #tpu.memory_space<hbm>>
      %dma_start3A_241 = arith.constant 0 : i32
      %dma_start3A_242 = tpu.memref_slice %arg8[%multiple_of3A_238, %dma_start3A_241] : memref<320000x64xi32, #tpu.memory_space<hbm>> -> memref<80x64xi32, #tpu.memory_space<hbm>>
      tpu.enqueue_dma source(%arg15 : memref<80x64xi32, #tpu.memory_space<vmem>>) target(%dma_start3A_242 : memref<80x64xi32, #tpu.memory_space<hbm>>) target_semaphore(%arg23 : memref<!tpu.dma_semaphore, #tpu.memory_space<semaphore_mem>>)
      %add3A_243 = arith.constant 2 : i32
      %add3A_244 = arith.addi %add3A_190, %add3A_243 : i32
      %lt3A = arith.constant 125 : i32
      %lt3A_245 = arith.cmpi slt, %add3A_244, %lt3A : i32
      %convert_element_type3A_246 = arith.extui %lt3A_245 : i1 to i32
      %cond3A_247 = arith.constant 0 : i32
      %cond3A_248 = arith.cmpi ne, %convert_element_type3A_246, %cond3A_247 : i32
      scf.if %cond3A_248 {
        %add3A_315 = arith.constant 2 : i32
        %add3A_316 = arith.addi %add3A_190, %add3A_315 : i32
        %mul3A_317 = arith.constant 80 : i32
        %mul3A_318 = arith.muli %add3A_316, %mul3A_317 : i32
        %multiple_of3A_319 = tpu.assume_multiple %mul3A_318, 80 : i32
        %add3A_320 = arith.addi %multiple_of3A, %multiple_of3A_319 : i32
        %multiple_of3A_321 = tpu.assume_multiple %add3A_320, 80 : i32
        %dma_start3A_322 = tpu.memref_slice %arg9[%multiple_of3A_319] : memref<10000xi32, #tpu.memory_space<vmem>> -> memref<80xi32, #tpu.memory_space<vmem>>
        %dma_start3A_323 = arith.constant 0 : i32
        %dma_start3A_324 = arith.constant 0 : i32
        %dma_start3A_325 = tpu.memref_slice %arg2[%dma_start3A_323, %dma_start3A_324] : memref<10000x128xf32, #tpu.memory_space<hbm>> -> memref<10000x128xf32, #tpu.memory_space<hbm>>
        tpu.enqueue_indirect_dma source(%dma_start3A_325 : memref<10000x128xf32, #tpu.memory_space<hbm>>) target(%arg11 : memref<80x128xf32, #tpu.memory_space<vmem>>) offsets(%dma_start3A_322 : memref<80xi32, #tpu.memory_space<vmem>>) semaphore(%arg19 : memref<!tpu.dma_semaphore, #tpu.memory_space<semaphore_mem>>)
        %dma_start3A_326 = arith.constant 0 : i32
        %dma_start3A_327 = tpu.memref_slice %arg3[%multiple_of3A_321, %dma_start3A_326] : memref<320000x128xf32, #tpu.memory_space<hbm>> -> memref<80x128xf32, #tpu.memory_space<hbm>>
        %dma_start3A_328 = arith.constant 0 : i32
        %dma_start3A_329 = tpu.memref_slice %arg3[%multiple_of3A_321, %dma_start3A_328] : memref<320000x128xf32, #tpu.memory_space<hbm>> -> memref<80x128xf32, #tpu.memory_space<hbm>>
        tpu.enqueue_dma source(%dma_start3A_329 : memref<80x128xf32, #tpu.memory_space<hbm>>) target(%arg13 : memref<80x128xf32, #tpu.memory_space<vmem>>) target_semaphore(%arg21 : memref<!tpu.dma_semaphore, #tpu.memory_space<semaphore_mem>>)
      } else {
      }
      %mul3A_249 = arith.constant 2 : i32
      %mul3A_250 = arith.muli %mul3A_249, %scan3A_170 : i32
      %add3A_251 = arith.constant 1 : i32
      %add3A_252 = arith.addi %mul3A_250, %add3A_251 : i32
      %ge3A_253 = arith.constant 2 : i32
      %ge3A_254 = arith.cmpi sge, %add3A_252, %ge3A_253 : i32
      %convert_element_type3A_255 = arith.extui %ge3A_254 : i1 to i32
      %cond3A_256 = arith.constant 0 : i32
      %cond3A_257 = arith.cmpi ne, %convert_element_type3A_255, %cond3A_256 : i32
      scf.if %cond3A_257 {
        %sub3A = arith.constant 2 : i32
        %sub3A_315 = arith.subi %add3A_252, %sub3A : i32
        %mul3A_316 = arith.constant 80 : i32
        %mul3A_317 = arith.muli %sub3A_315, %mul3A_316 : i32
        %add3A_318 = arith.addi %multiple_of3A, %mul3A_317 : i32
        %multiple_of3A_319 = tpu.assume_multiple %add3A_318, 80 : i32
        %dma_wait3A_320 = arith.constant 0 : i32
        %dma_wait3A_321 = tpu.memref_slice %arg8[%multiple_of3A_319, %dma_wait3A_320] : memref<320000x64xi32, #tpu.memory_space<hbm>> -> memref<80x64xi32, #tpu.memory_space<hbm>>
        %dma_wait3A_322 = arith.constant 0 : i32
        %dma_wait3A_323 = tpu.memref_slice %arg8[%multiple_of3A_319, %dma_wait3A_322] : memref<320000x64xi32, #tpu.memory_space<hbm>> -> memref<80x64xi32, #tpu.memory_space<hbm>>
        tpu.wait_dma2 semaphore(%arg24 : memref<!tpu.dma_semaphore, #tpu.memory_space<semaphore_mem>>) src(%arg16 : memref<80x64xi32, #tpu.memory_space<vmem>>) dst(%dma_wait3A_323 : memref<80x64xi32, #tpu.memory_space<hbm>>)
      } else {
      }
      %mul3A_258 = arith.constant 80 : i32
      %mul3A_259 = arith.muli %add3A_252, %mul3A_258 : i32
      %multiple_of3A_260 = tpu.assume_multiple %mul3A_259, 80 : i32
      %add3A_261 = arith.addi %multiple_of3A, %multiple_of3A_260 : i32
      %multiple_of3A_262 = tpu.assume_multiple %add3A_261, 80 : i32
      %dma_wait3A_263 = tpu.memref_slice %arg9[%multiple_of3A_260] : memref<10000xi32, #tpu.memory_space<vmem>> -> memref<80xi32, #tpu.memory_space<vmem>>
      %dma_wait3A_264 = arith.constant 0 : i32
      %dma_wait3A_265 = arith.constant 0 : i32
      %dma_wait3A_266 = tpu.memref_slice %arg2[%dma_wait3A_264, %dma_wait3A_265] : memref<10000x128xf32, #tpu.memory_space<hbm>> -> memref<10000x128xf32, #tpu.memory_space<hbm>>
      tpu.wait_indirect_dma semaphore(%arg20 : memref<!tpu.dma_semaphore, #tpu.memory_space<semaphore_mem>>) src(%dma_wait3A_266 : memref<10000x128xf32, #tpu.memory_space<hbm>>) dst(%arg12 : memref<80x128xf32, #tpu.memory_space<vmem>>)
      %dma_wait3A_267 = arith.constant 0 : i32
      %dma_wait3A_268 = tpu.memref_slice %arg3[%multiple_of3A_262, %dma_wait3A_267] : memref<320000x128xf32, #tpu.memory_space<hbm>> -> memref<80x128xf32, #tpu.memory_space<hbm>>
      %dma_wait3A_269 = arith.constant 0 : i32
      %dma_wait3A_270 = tpu.memref_slice %arg3[%multiple_of3A_262, %dma_wait3A_269] : memref<320000x128xf32, #tpu.memory_space<hbm>> -> memref<80x128xf32, #tpu.memory_space<hbm>>
      tpu.wait_dma2 semaphore(%arg22 : memref<!tpu.dma_semaphore, #tpu.memory_space<semaphore_mem>>) src(%dma_wait3A_270 : memref<80x128xf32, #tpu.memory_space<hbm>>) dst(%arg14 : memref<80x128xf32, #tpu.memory_space<vmem>>)
      %scan3A_271 = arith.constant 0 : i32
      %scan3A_272 = arith.constant 80 : i32
      %scan3A_273 = arith.addi %scan3A_271, %scan3A_272 : i32
      %scan3A_274 = arith.constant 1 : i32
      %scan3A_275:16 = scf.for %scan3A_315 = %scan3A_271 to %scan3A_273 step %scan3A_274 iter_args(%scan3A_316 = %scan3A_210#0, %scan3A_317 = %scan3A_210#1, %scan3A_318 = %scan3A_210#2, %scan3A_319 = %scan3A_210#3, %scan3A_320 = %scan3A_210#4, %scan3A_321 = %scan3A_210#5, %scan3A_322 = %scan3A_210#6, %scan3A_323 = %scan3A_210#7, %scan3A_324 = %scan3A_210#8, %scan3A_325 = %scan3A_210#9, %scan3A_326 = %scan3A_210#10, %scan3A_327 = %scan3A_210#11, %scan3A_328 = %scan3A_210#12, %scan3A_329 = %scan3A_210#13, %scan3A_330 = %scan3A_210#14, %scan3A_331 = %scan3A_210#15) -> (vector<16xf32>, vector<16xf32>, vector<16xf32>, vector<16xf32>, vector<16xf32>, vector<16xf32>, vector<16xf32>, vector<16xf32>, vector<16xf32>, vector<16xf32>, vector<16xf32>, vector<16xf32>, vector<16xf32>, vector<16xf32>, vector<16xf32>, vector<16xf32>)  : i32 {
        %get3A_332 = arith.index_cast %scan3A_315 : i32 to index
        %get3A_333 = arith.constant 0 : index
        %get3A_334 = tpu.vector_load %arg12[%get3A_332, %get3A_333] {strides = array<i32>} : memref<80x128xf32, #tpu.memory_space<vmem>>, vector<16xf32>,
        %get3A_335 = arith.index_cast %scan3A_315 : i32 to index
        %get3A_336 = arith.constant 0 : index
        %get3A_337 = tpu.vector_load %arg14[%get3A_335, %get3A_336] {strides = array<i32>} : memref<80x128xf32, #tpu.memory_space<vmem>>, vector<16xf32>,
        %add3A_338 = arith.addf %get3A_334, %get3A_337 : vector<16xf32>
        %add3A_339 = arith.addf %scan3A_316, %add3A_338 : vector<16xf32>
        %mul3A_340 = arith.mulf %add3A_338, %add3A_338 : vector<16xf32>
        %add3A_341 = arith.addf %scan3A_324, %mul3A_340 : vector<16xf32>
        %get3A_342 = arith.index_cast %scan3A_315 : i32 to index
        %get3A_343 = arith.constant 16 : index
        %get3A_344 = tpu.vector_load %arg12[%get3A_342, %get3A_343] {strides = array<i32>} : memref<80x128xf32, #tpu.memory_space<vmem>>, vector<16xf32>,
        %get3A_345 = arith.index_cast %scan3A_315 : i32 to index
        %get3A_346 = arith.constant 16 : index
        %get3A_347 = tpu.vector_load %arg14[%get3A_345, %get3A_346] {strides = array<i32>} : memref<80x128xf32, #tpu.memory_space<vmem>>, vector<16xf32>,
        %add3A_348 = arith.addf %get3A_344, %get3A_347 : vector<16xf32>
        %add3A_349 = arith.addf %scan3A_317, %add3A_348 : vector<16xf32>
        %mul3A_350 = arith.mulf %add3A_348, %add3A_348 : vector<16xf32>
        %add3A_351 = arith.addf %scan3A_325, %mul3A_350 : vector<16xf32>
        %get3A_352 = arith.index_cast %scan3A_315 : i32 to index
        %get3A_353 = arith.constant 32 : index
        %get3A_354 = tpu.vector_load %arg12[%get3A_352, %get3A_353] {strides = array<i32>} : memref<80x128xf32, #tpu.memory_space<vmem>>, vector<16xf32>,
        %get3A_355 = arith.index_cast %scan3A_315 : i32 to index
        %get3A_356 = arith.constant 32 : index
        %get3A_357 = tpu.vector_load %arg14[%get3A_355, %get3A_356] {strides = array<i32>} : memref<80x128xf32, #tpu.memory_space<vmem>>, vector<16xf32>,
        %add3A_358 = arith.addf %get3A_354, %get3A_357 : vector<16xf32>
        %add3A_359 = arith.addf %scan3A_318, %add3A_358 : vector<16xf32>
        %mul3A_360 = arith.mulf %add3A_358, %add3A_358 : vector<16xf32>
        %add3A_361 = arith.addf %scan3A_326, %mul3A_360 : vector<16xf32>
        %get3A_362 = arith.index_cast %scan3A_315 : i32 to index
        %get3A_363 = arith.constant 48 : index
        %get3A_364 = tpu.vector_load %arg12[%get3A_362, %get3A_363] {strides = array<i32>} : memref<80x128xf32, #tpu.memory_space<vmem>>, vector<16xf32>,
        %get3A_365 = arith.index_cast %scan3A_315 : i32 to index
        %get3A_366 = arith.constant 48 : index
        %get3A_367 = tpu.vector_load %arg14[%get3A_365, %get3A_366] {strides = array<i32>} : memref<80x128xf32, #tpu.memory_space<vmem>>, vector<16xf32>,
        %add3A_368 = arith.addf %get3A_364, %get3A_367 : vector<16xf32>
        %add3A_369 = arith.addf %scan3A_319, %add3A_368 : vector<16xf32>
        %mul3A_370 = arith.mulf %add3A_368, %add3A_368 : vector<16xf32>
        %add3A_371 = arith.addf %scan3A_327, %mul3A_370 : vector<16xf32>
        %get3A_372 = arith.index_cast %scan3A_315 : i32 to index
        %get3A_373 = arith.constant 64 : index
        %get3A_374 = tpu.vector_load %arg12[%get3A_372, %get3A_373] {strides = array<i32>} : memref<80x128xf32, #tpu.memory_space<vmem>>, vector<16xf32>,
        %get3A_375 = arith.index_cast %scan3A_315 : i32 to index
        %get3A_376 = arith.constant 64 : index
        %get3A_377 = tpu.vector_load %arg14[%get3A_375, %get3A_376] {strides = array<i32>} : memref<80x128xf32, #tpu.memory_space<vmem>>, vector<16xf32>,
        %add3A_378 = arith.addf %get3A_374, %get3A_377 : vector<16xf32>
        %add3A_379 = arith.addf %scan3A_320, %add3A_378 : vector<16xf32>
        %mul3A_380 = arith.mulf %add3A_378, %add3A_378 : vector<16xf32>
        %add3A_381 = arith.addf %scan3A_328, %mul3A_380 : vector<16xf32>
        %get3A_382 = arith.index_cast %scan3A_315 : i32 to index
        %get3A_383 = arith.constant 80 : index
        %get3A_384 = tpu.vector_load %arg12[%get3A_382, %get3A_383] {strides = array<i32>} : memref<80x128xf32, #tpu.memory_space<vmem>>, vector<16xf32>,
        %get3A_385 = arith.index_cast %scan3A_315 : i32 to index
        %get3A_386 = arith.constant 80 : index
        %get3A_387 = tpu.vector_load %arg14[%get3A_385, %get3A_386] {strides = array<i32>} : memref<80x128xf32, #tpu.memory_space<vmem>>, vector<16xf32>,
        %add3A_388 = arith.addf %get3A_384, %get3A_387 : vector<16xf32>
        %add3A_389 = arith.addf %scan3A_321, %add3A_388 : vector<16xf32>
        %mul3A_390 = arith.mulf %add3A_388, %add3A_388 : vector<16xf32>
        %add3A_391 = arith.addf %scan3A_329, %mul3A_390 : vector<16xf32>
        %get3A_392 = arith.index_cast %scan3A_315 : i32 to index
        %get3A_393 = arith.constant 96 : index
        %get3A_394 = tpu.vector_load %arg12[%get3A_392, %get3A_393] {strides = array<i32>} : memref<80x128xf32, #tpu.memory_space<vmem>>, vector<16xf32>,
        %get3A_395 = arith.index_cast %scan3A_315 : i32 to index
        %get3A_396 = arith.constant 96 : index
        %get3A_397 = tpu.vector_load %arg14[%get3A_395, %get3A_396] {strides = array<i32>} : memref<80x128xf32, #tpu.memory_space<vmem>>, vector<16xf32>,
        %add3A_398 = arith.addf %get3A_394, %get3A_397 : vector<16xf32>
        %add3A_399 = arith.addf %scan3A_322, %add3A_398 : vector<16xf32>
        %mul3A_400 = arith.mulf %add3A_398, %add3A_398 : vector<16xf32>
        %add3A_401 = arith.addf %scan3A_330, %mul3A_400 : vector<16xf32>
        %get3A_402 = arith.index_cast %scan3A_315 : i32 to index
        %get3A_403 = arith.constant 112 : index
        %get3A_404 = tpu.vector_load %arg12[%get3A_402, %get3A_403] {strides = array<i32>} : memref<80x128xf32, #tpu.memory_space<vmem>>, vector<16xf32>,
        %get3A_405 = arith.index_cast %scan3A_315 : i32 to index
        %get3A_406 = arith.constant 112 : index
        %get3A_407 = tpu.vector_load %arg14[%get3A_405, %get3A_406] {strides = array<i32>} : memref<80x128xf32, #tpu.memory_space<vmem>>, vector<16xf32>,
        %add3A_408 = arith.addf %get3A_404, %get3A_407 : vector<16xf32>
        %add3A_409 = arith.addf %scan3A_323, %add3A_408 : vector<16xf32>
        %mul3A_410 = arith.mulf %add3A_408, %add3A_408 : vector<16xf32>
        %add3A_411 = arith.addf %scan3A_331, %mul3A_410 : vector<16xf32>
        %pack3A = tpu.pack_subelements %add3A_338, %add3A_348 {pack_format = #tpu.pack_format<interleaved>, positions = array<i32: 0, 1>} : vector<16xf32>, vector<16xf32> -> vector<32xbf16>
        %bitcast3A = vector.bitcast %pack3A : vector<32xbf16> to vector<16xi32>
        %swap3A_412 = arith.index_cast %scan3A_315 : i32 to index
        %swap3A_413 = arith.constant 0 : index
        %swap3A_414 = tpu.vector_load %arg16[%swap3A_412, %swap3A_413] {strides = array<i32>} : memref<80x64xi32, #tpu.memory_space<vmem>>, vector<16xi32>,
        tpu.vector_store %arg16[%swap3A_412, %swap3A_413], %bitcast3A {strides = array<i32>} : memref<80x64xi32, #tpu.memory_space<vmem>>, vector<16xi32>,
        %pack3A_415 = tpu.pack_subelements %add3A_358, %add3A_368 {pack_format = #tpu.pack_format<interleaved>, positions = array<i32: 0, 1>} : vector<16xf32>, vector<16xf32> -> vector<32xbf16>
        %bitcast3A_416 = vector.bitcast %pack3A_415 : vector<32xbf16> to vector<16xi32>
        %swap3A_417 = arith.index_cast %scan3A_315 : i32 to index
        %swap3A_418 = arith.constant 16 : index
        %swap3A_419 = tpu.vector_load %arg16[%swap3A_417, %swap3A_418] {strides = array<i32>} : memref<80x64xi32, #tpu.memory_space<vmem>>, vector<16xi32>,
        tpu.vector_store %arg16[%swap3A_417, %swap3A_418], %bitcast3A_416 {strides = array<i32>} : memref<80x64xi32, #tpu.memory_space<vmem>>, vector<16xi32>,
        %pack3A_420 = tpu.pack_subelements %add3A_378, %add3A_388 {pack_format = #tpu.pack_format<interleaved>, positions = array<i32: 0, 1>} : vector<16xf32>, vector<16xf32> -> vector<32xbf16>
        %bitcast3A_421 = vector.bitcast %pack3A_420 : vector<32xbf16> to vector<16xi32>
        %swap3A_422 = arith.index_cast %scan3A_315 : i32 to index
        %swap3A_423 = arith.constant 32 : index
        %swap3A_424 = tpu.vector_load %arg16[%swap3A_422, %swap3A_423] {strides = array<i32>} : memref<80x64xi32, #tpu.memory_space<vmem>>, vector<16xi32>,
        tpu.vector_store %arg16[%swap3A_422, %swap3A_423], %bitcast3A_421 {strides = array<i32>} : memref<80x64xi32, #tpu.memory_space<vmem>>, vector<16xi32>,
        %pack3A_425 = tpu.pack_subelements %add3A_398, %add3A_408 {pack_format = #tpu.pack_format<interleaved>, positions = array<i32: 0, 1>} : vector<16xf32>, vector<16xf32> -> vector<32xbf16>
        %bitcast3A_426 = vector.bitcast %pack3A_425 : vector<32xbf16> to vector<16xi32>
        %swap3A_427 = arith.index_cast %scan3A_315 : i32 to index
        %swap3A_428 = arith.constant 48 : index
        %swap3A_429 = tpu.vector_load %arg16[%swap3A_427, %swap3A_428] {strides = array<i32>} : memref<80x64xi32, #tpu.memory_space<vmem>>, vector<16xi32>,
        tpu.vector_store %arg16[%swap3A_427, %swap3A_428], %bitcast3A_426 {strides = array<i32>} : memref<80x64xi32, #tpu.memory_space<vmem>>, vector<16xi32>,
        scf.yield %add3A_339, %add3A_349, %add3A_359, %add3A_369, %add3A_379, %add3A_389, %add3A_399, %add3A_409, %add3A_341, %add3A_351, %add3A_361, %add3A_371, %add3A_381, %add3A_391, %add3A_401, %add3A_411 : vector<16xf32>, vector<16xf32>, vector<16xf32>, vector<16xf32>, vector<16xf32>, vector<16xf32>, vector<16xf32>, vector<16xf32>, vector<16xf32>, vector<16xf32>, vector<16xf32>, vector<16xf32>, vector<16xf32>, vector<16xf32>, vector<16xf32>, vector<16xf32>
      }
      %scan3A_276 = arith.constant 80 : i32
      %mul3A_277 = arith.constant 80 : i32
      %mul3A_278 = arith.muli %add3A_252, %mul3A_277 : i32
      %multiple_of3A_279 = tpu.assume_multiple %mul3A_278, 16 : i32
      %add3A_280 = arith.constant 0 : i32
      %add3A_281 = arith.addi %multiple_of3A_279, %add3A_280 : i32
      %get3A_282 = arith.index_cast %add3A_281 : i32 to index
      %get3A_283 = tpu.vector_load %arg10[%get3A_282] {strides = array<i32>} : memref<10000xi32, #tpu.memory_space<vmem>>, vector<16xi32>,
      tpu.vector_store_idx %arg18[%get3A_283], %broadcast_in_dim3A_5 {add = true} : memref<10240xf32, #tpu.memory_space<vmem>>[vector<16xi32>], vector<16xf32>,
      %add3A_284 = arith.constant 16 : i32
      %add3A_285 = arith.addi %multiple_of3A_279, %add3A_284 : i32
      %get3A_286 = arith.index_cast %add3A_285 : i32 to index
      %get3A_287 = tpu.vector_load %arg10[%get3A_286] {strides = array<i32>} : memref<10000xi32, #tpu.memory_space<vmem>>, vector<16xi32>,
      tpu.vector_store_idx %arg18[%get3A_287], %broadcast_in_dim3A_5 {add = true} : memref<10240xf32, #tpu.memory_space<vmem>>[vector<16xi32>], vector<16xf32>,
      %add3A_288 = arith.constant 32 : i32
      %add3A_289 = arith.addi %multiple_of3A_279, %add3A_288 : i32
      %get3A_290 = arith.index_cast %add3A_289 : i32 to index
      %get3A_291 = tpu.vector_load %arg10[%get3A_290] {strides = array<i32>} : memref<10000xi32, #tpu.memory_space<vmem>>, vector<16xi32>,
      tpu.vector_store_idx %arg18[%get3A_291], %broadcast_in_dim3A_5 {add = true} : memref<10240xf32, #tpu.memory_space<vmem>>[vector<16xi32>], vector<16xf32>,
      %add3A_292 = arith.constant 48 : i32
      %add3A_293 = arith.addi %multiple_of3A_279, %add3A_292 : i32
      %get3A_294 = arith.index_cast %add3A_293 : i32 to index
      %get3A_295 = tpu.vector_load %arg10[%get3A_294] {strides = array<i32>} : memref<10000xi32, #tpu.memory_space<vmem>>, vector<16xi32>,
      tpu.vector_store_idx %arg18[%get3A_295], %broadcast_in_dim3A_5 {add = true} : memref<10240xf32, #tpu.memory_space<vmem>>[vector<16xi32>], vector<16xf32>,
      %add3A_296 = arith.constant 64 : i32
      %add3A_297 = arith.addi %multiple_of3A_279, %add3A_296 : i32
      %get3A_298 = arith.index_cast %add3A_297 : i32 to index
      %get3A_299 = tpu.vector_load %arg10[%get3A_298] {strides = array<i32>} : memref<10000xi32, #tpu.memory_space<vmem>>, vector<16xi32>,
      tpu.vector_store_idx %arg18[%get3A_299], %broadcast_in_dim3A_5 {add = true} : memref<10240xf32, #tpu.memory_space<vmem>>[vector<16xi32>], vector<16xf32>,
      %mul3A_300 = arith.constant 80 : i32
      %mul3A_301 = arith.muli %add3A_252, %mul3A_300 : i32
      %add3A_302 = arith.addi %multiple_of3A, %mul3A_301 : i32
      %multiple_of3A_303 = tpu.assume_multiple %add3A_302, 80 : i32
      %dma_start3A_304 = arith.constant 0 : i32
      %dma_start3A_305 = tpu.memref_slice %arg8[%multiple_of3A_303, %dma_start3A_304] : memref<320000x64xi32, #tpu.memory_space<hbm>> -> memref<80x64xi32, #tpu.memory_space<hbm>>
      %dma_start3A_306 = arith.constant 0 : i32
      %dma_start3A_307 = tpu.memref_slice %arg8[%multiple_of3A_303, %dma_start3A_306] : memref<320000x64xi32, #tpu.memory_space<hbm>> -> memref<80x64xi32, #tpu.memory_space<hbm>>
      tpu.enqueue_dma source(%arg16 : memref<80x64xi32, #tpu.memory_space<vmem>>) target(%dma_start3A_307 : memref<80x64xi32, #tpu.memory_space<hbm>>) target_semaphore(%arg24 : memref<!tpu.dma_semaphore, #tpu.memory_space<semaphore_mem>>)
      %add3A_308 = arith.constant 2 : i32
      %add3A_309 = arith.addi %add3A_252, %add3A_308 : i32
      %lt3A_310 = arith.constant 125 : i32
      %lt3A_311 = arith.cmpi slt, %add3A_309, %lt3A_310 : i32
      %convert_element_type3A_312 = arith.extui %lt3A_311 : i1 to i32
      %cond3A_313 = arith.constant 0 : i32
      %cond3A_314 = arith.cmpi ne, %convert_element_type3A_312, %cond3A_313 : i32
      scf.if %cond3A_314 {
        %add3A_315 = arith.constant 2 : i32
        %add3A_316 = arith.addi %add3A_252, %add3A_315 : i32
        %mul3A_317 = arith.constant 80 : i32
        %mul3A_318 = arith.muli %add3A_316, %mul3A_317 : i32
        %multiple_of3A_319 = tpu.assume_multiple %mul3A_318, 80 : i32
        %add3A_320 = arith.addi %multiple_of3A, %multiple_of3A_319 : i32
        %multiple_of3A_321 = tpu.assume_multiple %add3A_320, 80 : i32
        %dma_start3A_322 = tpu.memref_slice %arg9[%multiple_of3A_319] : memref<10000xi32, #tpu.memory_space<vmem>> -> memref<80xi32, #tpu.memory_space<vmem>>
        %dma_start3A_323 = arith.constant 0 : i32
        %dma_start3A_324 = arith.constant 0 : i32
        %dma_start3A_325 = tpu.memref_slice %arg2[%dma_start3A_323, %dma_start3A_324] : memref<10000x128xf32, #tpu.memory_space<hbm>> -> memref<10000x128xf32, #tpu.memory_space<hbm>>
        tpu.enqueue_indirect_dma source(%dma_start3A_325 : memref<10000x128xf32, #tpu.memory_space<hbm>>) target(%arg12 : memref<80x128xf32, #tpu.memory_space<vmem>>) offsets(%dma_start3A_322 : memref<80xi32, #tpu.memory_space<vmem>>) semaphore(%arg20 : memref<!tpu.dma_semaphore, #tpu.memory_space<semaphore_mem>>)
        %dma_start3A_326 = arith.constant 0 : i32
        %dma_start3A_327 = tpu.memref_slice %arg3[%multiple_of3A_321, %dma_start3A_326] : memref<320000x128xf32, #tpu.memory_space<hbm>> -> memref<80x128xf32, #tpu.memory_space<hbm>>
        %dma_start3A_328 = arith.constant 0 : i32
        %dma_start3A_329 = tpu.memref_slice %arg3[%multiple_of3A_321, %dma_start3A_328] : memref<320000x128xf32, #tpu.memory_space<hbm>> -> memref<80x128xf32, #tpu.memory_space<hbm>>
        tpu.enqueue_dma source(%dma_start3A_329 : memref<80x128xf32, #tpu.memory_space<hbm>>) target(%arg14 : memref<80x128xf32, #tpu.memory_space<vmem>>) target_semaphore(%arg22 : memref<!tpu.dma_semaphore, #tpu.memory_space<semaphore_mem>>)
      } else {
      }
      scf.yield %scan3A_275#0, %scan3A_275#1, %scan3A_275#2, %scan3A_275#3, %scan3A_275#4, %scan3A_275#5, %scan3A_275#6, %scan3A_275#7, %scan3A_275#8, %scan3A_275#9, %scan3A_275#10, %scan3A_275#11, %scan3A_275#12, %scan3A_275#13, %scan3A_275#14, %scan3A_275#15 : vector<16xf32>, vector<16xf32>, vector<16xf32>, vector<16xf32>, vector<16xf32>, vector<16xf32>, vector<16xf32>, vector<16xf32>, vector<16xf32>, vector<16xf32>, vector<16xf32>, vector<16xf32>, vector<16xf32>, vector<16xf32>, vector<16xf32>, vector<16xf32>
    }
    %scan3A_40 = arith.constant 62 : i32
    %add3A_41 = arith.constant 9760 : i32
    %add3A_42 = arith.addi %multiple_of3A, %add3A_41 : i32
    %multiple_of3A_43 = tpu.assume_multiple %add3A_42, 80 : i32
    %dma_wait3A = arith.constant 0 : i32
    %dma_wait3A_44 = tpu.memref_slice %arg8[%multiple_of3A_43, %dma_wait3A] : memref<320000x64xi32, #tpu.memory_space<hbm>> -> memref<80x64xi32, #tpu.memory_space<hbm>>
    %dma_wait3A_45 = arith.constant 0 : i32
    %dma_wait3A_46 = tpu.memref_slice %arg8[%multiple_of3A_43, %dma_wait3A_45] : memref<320000x64xi32, #tpu.memory_space<hbm>> -> memref<80x64xi32, #tpu.memory_space<hbm>>
    tpu.wait_dma2 semaphore(%arg23 : memref<!tpu.dma_semaphore, #tpu.memory_space<semaphore_mem>>) src(%arg15 : memref<80x64xi32, #tpu.memory_space<vmem>>) dst(%dma_wait3A_46 : memref<80x64xi32, #tpu.memory_space<hbm>>)
    %multiple_of3A_47 = arith.constant 9920 : i32
    %multiple_of3A_48 = tpu.assume_multiple %multiple_of3A_47, 80 : i32
    %add3A_49 = arith.addi %multiple_of3A, %multiple_of3A_48 : i32
    %multiple_of3A_50 = tpu.assume_multiple %add3A_49, 80 : i32
    %dma_wait3A_51 = tpu.memref_slice %arg9[%multiple_of3A_48] : memref<10000xi32, #tpu.memory_space<vmem>> -> memref<80xi32, #tpu.memory_space<vmem>>
    %dma_wait3A_52 = arith.constant 0 : i32
    %dma_wait3A_53 = arith.constant 0 : i32
    %dma_wait3A_54 = tpu.memref_slice %arg2[%dma_wait3A_52, %dma_wait3A_53] : memref<10000x128xf32, #tpu.memory_space<hbm>> -> memref<10000x128xf32, #tpu.memory_space<hbm>>
    tpu.wait_indirect_dma semaphore(%arg19 : memref<!tpu.dma_semaphore, #tpu.memory_space<semaphore_mem>>) src(%dma_wait3A_54 : memref<10000x128xf32, #tpu.memory_space<hbm>>) dst(%arg11 : memref<80x128xf32, #tpu.memory_space<vmem>>)
    %dma_wait3A_55 = arith.constant 0 : i32
    %dma_wait3A_56 = tpu.memref_slice %arg3[%multiple_of3A_50, %dma_wait3A_55] : memref<320000x128xf32, #tpu.memory_space<hbm>> -> memref<80x128xf32, #tpu.memory_space<hbm>>
    %dma_wait3A_57 = arith.constant 0 : i32
    %dma_wait3A_58 = tpu.memref_slice %arg3[%multiple_of3A_50, %dma_wait3A_57] : memref<320000x128xf32, #tpu.memory_space<hbm>> -> memref<80x128xf32, #tpu.memory_space<hbm>>
    tpu.wait_dma2 semaphore(%arg21 : memref<!tpu.dma_semaphore, #tpu.memory_space<semaphore_mem>>) src(%dma_wait3A_58 : memref<80x128xf32, #tpu.memory_space<hbm>>) dst(%arg13 : memref<80x128xf32, #tpu.memory_space<vmem>>)
    %scan3A_59 = arith.constant 0 : i32
    %scan3A_60 = arith.constant 80 : i32
    %scan3A_61 = arith.addi %scan3A_59, %scan3A_60 : i32
    %scan3A_62 = arith.constant 1 : i32
    %scan3A_63:16 = scf.for %scan3A_170 = %scan3A_59 to %scan3A_61 step %scan3A_62 iter_args(%scan3A_171 = %scan3A_39#0, %scan3A_172 = %scan3A_39#1, %scan3A_173 = %scan3A_39#2, %scan3A_174 = %scan3A_39#3, %scan3A_175 = %scan3A_39#4, %scan3A_176 = %scan3A_39#5, %scan3A_177 = %scan3A_39#6, %scan3A_178 = %scan3A_39#7, %scan3A_179 = %scan3A_39#8, %scan3A_180 = %scan3A_39#9, %scan3A_181 = %scan3A_39#10, %scan3A_182 = %scan3A_39#11, %scan3A_183 = %scan3A_39#12, %scan3A_184 = %scan3A_39#13, %scan3A_185 = %scan3A_39#14, %scan3A_186 = %scan3A_39#15) -> (vector<16xf32>, vector<16xf32>, vector<16xf32>, vector<16xf32>, vector<16xf32>, vector<16xf32>, vector<16xf32>, vector<16xf32>, vector<16xf32>, vector<16xf32>, vector<16xf32>, vector<16xf32>, vector<16xf32>, vector<16xf32>, vector<16xf32>, vector<16xf32>)  : i32 {
      %get3A_187 = arith.index_cast %scan3A_170 : i32 to index
      %get3A_188 = arith.constant 0 : index
      %get3A_189 = tpu.vector_load %arg11[%get3A_187, %get3A_188] {strides = array<i32>} : memref<80x128xf32, #tpu.memory_space<vmem>>, vector<16xf32>,
      %get3A_190 = arith.index_cast %scan3A_170 : i32 to index
      %get3A_191 = arith.constant 0 : index
      %get3A_192 = tpu.vector_load %arg13[%get3A_190, %get3A_191] {strides = array<i32>} : memref<80x128xf32, #tpu.memory_space<vmem>>, vector<16xf32>,
      %add3A_193 = arith.addf %get3A_189, %get3A_192 : vector<16xf32>
      %add3A_194 = arith.addf %scan3A_171, %add3A_193 : vector<16xf32>
      %mul3A_195 = arith.mulf %add3A_193, %add3A_193 : vector<16xf32>
      %add3A_196 = arith.addf %scan3A_179, %mul3A_195 : vector<16xf32>
      %get3A_197 = arith.index_cast %scan3A_170 : i32 to index
      %get3A_198 = arith.constant 16 : index
      %get3A_199 = tpu.vector_load %arg11[%get3A_197, %get3A_198] {strides = array<i32>} : memref<80x128xf32, #tpu.memory_space<vmem>>, vector<16xf32>,
      %get3A_200 = arith.index_cast %scan3A_170 : i32 to index
      %get3A_201 = arith.constant 16 : index
      %get3A_202 = tpu.vector_load %arg13[%get3A_200, %get3A_201] {strides = array<i32>} : memref<80x128xf32, #tpu.memory_space<vmem>>, vector<16xf32>,
      %add3A_203 = arith.addf %get3A_199, %get3A_202 : vector<16xf32>
      %add3A_204 = arith.addf %scan3A_172, %add3A_203 : vector<16xf32>
      %mul3A_205 = arith.mulf %add3A_203, %add3A_203 : vector<16xf32>
      %add3A_206 = arith.addf %scan3A_180, %mul3A_205 : vector<16xf32>
      %get3A_207 = arith.index_cast %scan3A_170 : i32 to index
      %get3A_208 = arith.constant 32 : index
      %get3A_209 = tpu.vector_load %arg11[%get3A_207, %get3A_208] {strides = array<i32>} : memref<80x128xf32, #tpu.memory_space<vmem>>, vector<16xf32>,
      %get3A_210 = arith.index_cast %scan3A_170 : i32 to index
      %get3A_211 = arith.constant 32 : index
      %get3A_212 = tpu.vector_load %arg13[%get3A_210, %get3A_211] {strides = array<i32>} : memref<80x128xf32, #tpu.memory_space<vmem>>, vector<16xf32>,
      %add3A_213 = arith.addf %get3A_209, %get3A_212 : vector<16xf32>
      %add3A_214 = arith.addf %scan3A_173, %add3A_213 : vector<16xf32>
      %mul3A_215 = arith.mulf %add3A_213, %add3A_213 : vector<16xf32>
      %add3A_216 = arith.addf %scan3A_181, %mul3A_215 : vector<16xf32>
      %get3A_217 = arith.index_cast %scan3A_170 : i32 to index
      %get3A_218 = arith.constant 48 : index
      %get3A_219 = tpu.vector_load %arg11[%get3A_217, %get3A_218] {strides = array<i32>} : memref<80x128xf32, #tpu.memory_space<vmem>>, vector<16xf32>,
      %get3A_220 = arith.index_cast %scan3A_170 : i32 to index
      %get3A_221 = arith.constant 48 : index
      %get3A_222 = tpu.vector_load %arg13[%get3A_220, %get3A_221] {strides = array<i32>} : memref<80x128xf32, #tpu.memory_space<vmem>>, vector<16xf32>,
      %add3A_223 = arith.addf %get3A_219, %get3A_222 : vector<16xf32>
      %add3A_224 = arith.addf %scan3A_174, %add3A_223 : vector<16xf32>
      %mul3A_225 = arith.mulf %add3A_223, %add3A_223 : vector<16xf32>
      %add3A_226 = arith.addf %scan3A_182, %mul3A_225 : vector<16xf32>
      %get3A_227 = arith.index_cast %scan3A_170 : i32 to index
      %get3A_228 = arith.constant 64 : index
      %get3A_229 = tpu.vector_load %arg11[%get3A_227, %get3A_228] {strides = array<i32>} : memref<80x128xf32, #tpu.memory_space<vmem>>, vector<16xf32>,
      %get3A_230 = arith.index_cast %scan3A_170 : i32 to index
      %get3A_231 = arith.constant 64 : index
      %get3A_232 = tpu.vector_load %arg13[%get3A_230, %get3A_231] {strides = array<i32>} : memref<80x128xf32, #tpu.memory_space<vmem>>, vector<16xf32>,
      %add3A_233 = arith.addf %get3A_229, %get3A_232 : vector<16xf32>
      %add3A_234 = arith.addf %scan3A_175, %add3A_233 : vector<16xf32>
      %mul3A_235 = arith.mulf %add3A_233, %add3A_233 : vector<16xf32>
      %add3A_236 = arith.addf %scan3A_183, %mul3A_235 : vector<16xf32>
      %get3A_237 = arith.index_cast %scan3A_170 : i32 to index
      %get3A_238 = arith.constant 80 : index
      %get3A_239 = tpu.vector_load %arg11[%get3A_237, %get3A_238] {strides = array<i32>} : memref<80x128xf32, #tpu.memory_space<vmem>>, vector<16xf32>,
      %get3A_240 = arith.index_cast %scan3A_170 : i32 to index
      %get3A_241 = arith.constant 80 : index
      %get3A_242 = tpu.vector_load %arg13[%get3A_240, %get3A_241] {strides = array<i32>} : memref<80x128xf32, #tpu.memory_space<vmem>>, vector<16xf32>,
      %add3A_243 = arith.addf %get3A_239, %get3A_242 : vector<16xf32>
      %add3A_244 = arith.addf %scan3A_176, %add3A_243 : vector<16xf32>
      %mul3A_245 = arith.mulf %add3A_243, %add3A_243 : vector<16xf32>
      %add3A_246 = arith.addf %scan3A_184, %mul3A_245 : vector<16xf32>
      %get3A_247 = arith.index_cast %scan3A_170 : i32 to index
      %get3A_248 = arith.constant 96 : index
      %get3A_249 = tpu.vector_load %arg11[%get3A_247, %get3A_248] {strides = array<i32>} : memref<80x128xf32, #tpu.memory_space<vmem>>, vector<16xf32>,
      %get3A_250 = arith.index_cast %scan3A_170 : i32 to index
      %get3A_251 = arith.constant 96 : index
      %get3A_252 = tpu.vector_load %arg13[%get3A_250, %get3A_251] {strides = array<i32>} : memref<80x128xf32, #tpu.memory_space<vmem>>, vector<16xf32>,
      %add3A_253 = arith.addf %get3A_249, %get3A_252 : vector<16xf32>
      %add3A_254 = arith.addf %scan3A_177, %add3A_253 : vector<16xf32>
      %mul3A_255 = arith.mulf %add3A_253, %add3A_253 : vector<16xf32>
      %add3A_256 = arith.addf %scan3A_185, %mul3A_255 : vector<16xf32>
      %get3A_257 = arith.index_cast %scan3A_170 : i32 to index
      %get3A_258 = arith.constant 112 : index
      %get3A_259 = tpu.vector_load %arg11[%get3A_257, %get3A_258] {strides = array<i32>} : memref<80x128xf32, #tpu.memory_space<vmem>>, vector<16xf32>,
      %get3A_260 = arith.index_cast %scan3A_170 : i32 to index
      %get3A_261 = arith.constant 112 : index
      %get3A_262 = tpu.vector_load %arg13[%get3A_260, %get3A_261] {strides = array<i32>} : memref<80x128xf32, #tpu.memory_space<vmem>>, vector<16xf32>,
      %add3A_263 = arith.addf %get3A_259, %get3A_262 : vector<16xf32>
      %add3A_264 = arith.addf %scan3A_178, %add3A_263 : vector<16xf32>
      %mul3A_265 = arith.mulf %add3A_263, %add3A_263 : vector<16xf32>
      %add3A_266 = arith.addf %scan3A_186, %mul3A_265 : vector<16xf32>
      %pack3A = tpu.pack_subelements %add3A_193, %add3A_203 {pack_format = #tpu.pack_format<interleaved>, positions = array<i32: 0, 1>} : vector<16xf32>, vector<16xf32> -> vector<32xbf16>
      %bitcast3A = vector.bitcast %pack3A : vector<32xbf16> to vector<16xi32>
      %swap3A_267 = arith.index_cast %scan3A_170 : i32 to index
      %swap3A_268 = arith.constant 0 : index
      %swap3A_269 = tpu.vector_load %arg15[%swap3A_267, %swap3A_268] {strides = array<i32>} : memref<80x64xi32, #tpu.memory_space<vmem>>, vector<16xi32>,
      tpu.vector_store %arg15[%swap3A_267, %swap3A_268], %bitcast3A {strides = array<i32>} : memref<80x64xi32, #tpu.memory_space<vmem>>, vector<16xi32>,
      %pack3A_270 = tpu.pack_subelements %add3A_213, %add3A_223 {pack_format = #tpu.pack_format<interleaved>, positions = array<i32: 0, 1>} : vector<16xf32>, vector<16xf32> -> vector<32xbf16>
      %bitcast3A_271 = vector.bitcast %pack3A_270 : vector<32xbf16> to vector<16xi32>
      %swap3A_272 = arith.index_cast %scan3A_170 : i32 to index
      %swap3A_273 = arith.constant 16 : index
      %swap3A_274 = tpu.vector_load %arg15[%swap3A_272, %swap3A_273] {strides = array<i32>} : memref<80x64xi32, #tpu.memory_space<vmem>>, vector<16xi32>,
      tpu.vector_store %arg15[%swap3A_272, %swap3A_273], %bitcast3A_271 {strides = array<i32>} : memref<80x64xi32, #tpu.memory_space<vmem>>, vector<16xi32>,
      %pack3A_275 = tpu.pack_subelements %add3A_233, %add3A_243 {pack_format = #tpu.pack_format<interleaved>, positions = array<i32: 0, 1>} : vector<16xf32>, vector<16xf32> -> vector<32xbf16>
      %bitcast3A_276 = vector.bitcast %pack3A_275 : vector<32xbf16> to vector<16xi32>
      %swap3A_277 = arith.index_cast %scan3A_170 : i32 to index
      %swap3A_278 = arith.constant 32 : index
      %swap3A_279 = tpu.vector_load %arg15[%swap3A_277, %swap3A_278] {strides = array<i32>} : memref<80x64xi32, #tpu.memory_space<vmem>>, vector<16xi32>,
      tpu.vector_store %arg15[%swap3A_277, %swap3A_278], %bitcast3A_276 {strides = array<i32>} : memref<80x64xi32, #tpu.memory_space<vmem>>, vector<16xi32>,
      %pack3A_280 = tpu.pack_subelements %add3A_253, %add3A_263 {pack_format = #tpu.pack_format<interleaved>, positions = array<i32: 0, 1>} : vector<16xf32>, vector<16xf32> -> vector<32xbf16>
      %bitcast3A_281 = vector.bitcast %pack3A_280 : vector<32xbf16> to vector<16xi32>
      %swap3A_282 = arith.index_cast %scan3A_170 : i32 to index
      %swap3A_283 = arith.constant 48 : index
      %swap3A_284 = tpu.vector_load %arg15[%swap3A_282, %swap3A_283] {strides = array<i32>} : memref<80x64xi32, #tpu.memory_space<vmem>>, vector<16xi32>,
      tpu.vector_store %arg15[%swap3A_282, %swap3A_283], %bitcast3A_281 {strides = array<i32>} : memref<80x64xi32, #tpu.memory_space<vmem>>, vector<16xi32>,
      scf.yield %add3A_194, %add3A_204, %add3A_214, %add3A_224, %add3A_234, %add3A_244, %add3A_254, %add3A_264, %add3A_196, %add3A_206, %add3A_216, %add3A_226, %add3A_236, %add3A_246, %add3A_256, %add3A_266 : vector<16xf32>, vector<16xf32>, vector<16xf32>, vector<16xf32>, vector<16xf32>, vector<16xf32>, vector<16xf32>, vector<16xf32>, vector<16xf32>, vector<16xf32>, vector<16xf32>, vector<16xf32>, vector<16xf32>, vector<16xf32>, vector<16xf32>, vector<16xf32>
    }
    %scan3A_64 = arith.constant 80 : i32
    %multiple_of3A_65 = arith.constant 9920 : i32
    %multiple_of3A_66 = tpu.assume_multiple %multiple_of3A_65, 16 : i32
    %add3A_67 = arith.constant 0 : i32
    %add3A_68 = arith.addi %multiple_of3A_66, %add3A_67 : i32
    %get3A = arith.index_cast %add3A_68 : i32 to index
    %get3A_69 = tpu.vector_load %arg10[%get3A] {strides = array<i32>} : memref<10000xi32, #tpu.memory_space<vmem>>, vector<16xi32>,
    tpu.vector_store_idx %arg18[%get3A_69], %broadcast_in_dim3A_5 {add = true} : memref<10240xf32, #tpu.memory_space<vmem>>[vector<16xi32>], vector<16xf32>,
    %add3A_70 = arith.constant 16 : i32
    %add3A_71 = arith.addi %multiple_of3A_66, %add3A_70 : i32
    %get3A_72 = arith.index_cast %add3A_71 : i32 to index
    %get3A_73 = tpu.vector_load %arg10[%get3A_72] {strides = array<i32>} : memref<10000xi32, #tpu.memory_space<vmem>>, vector<16xi32>,
    tpu.vector_store_idx %arg18[%get3A_73], %broadcast_in_dim3A_5 {add = true} : memref<10240xf32, #tpu.memory_space<vmem>>[vector<16xi32>], vector<16xf32>,
    %add3A_74 = arith.constant 32 : i32
    %add3A_75 = arith.addi %multiple_of3A_66, %add3A_74 : i32
    %get3A_76 = arith.index_cast %add3A_75 : i32 to index
    %get3A_77 = tpu.vector_load %arg10[%get3A_76] {strides = array<i32>} : memref<10000xi32, #tpu.memory_space<vmem>>, vector<16xi32>,
    tpu.vector_store_idx %arg18[%get3A_77], %broadcast_in_dim3A_5 {add = true} : memref<10240xf32, #tpu.memory_space<vmem>>[vector<16xi32>], vector<16xf32>,
    %add3A_78 = arith.constant 48 : i32
    %add3A_79 = arith.addi %multiple_of3A_66, %add3A_78 : i32
    %get3A_80 = arith.index_cast %add3A_79 : i32 to index
    %get3A_81 = tpu.vector_load %arg10[%get3A_80] {strides = array<i32>} : memref<10000xi32, #tpu.memory_space<vmem>>, vector<16xi32>,
    tpu.vector_store_idx %arg18[%get3A_81], %broadcast_in_dim3A_5 {add = true} : memref<10240xf32, #tpu.memory_space<vmem>>[vector<16xi32>], vector<16xf32>,
    %add3A_82 = arith.constant 64 : i32
    %add3A_83 = arith.addi %multiple_of3A_66, %add3A_82 : i32
    %get3A_84 = arith.index_cast %add3A_83 : i32 to index
    %get3A_85 = tpu.vector_load %arg10[%get3A_84] {strides = array<i32>} : memref<10000xi32, #tpu.memory_space<vmem>>, vector<16xi32>,
    tpu.vector_store_idx %arg18[%get3A_85], %broadcast_in_dim3A_5 {add = true} : memref<10240xf32, #tpu.memory_space<vmem>>[vector<16xi32>], vector<16xf32>,
    %add3A_86 = arith.constant 9920 : i32
    %add3A_87 = arith.addi %multiple_of3A, %add3A_86 : i32
    %multiple_of3A_88 = tpu.assume_multiple %add3A_87, 80 : i32
    %dma_start3A_89 = arith.constant 0 : i32
    %dma_start3A_90 = tpu.memref_slice %arg8[%multiple_of3A_88, %dma_start3A_89] : memref<320000x64xi32, #tpu.memory_space<hbm>> -> memref<80x64xi32, #tpu.memory_space<hbm>>
    %dma_start3A_91 = arith.constant 0 : i32
    %dma_start3A_92 = tpu.memref_slice %arg8[%multiple_of3A_88, %dma_start3A_91] : memref<320000x64xi32, #tpu.memory_space<hbm>> -> memref<80x64xi32, #tpu.memory_space<hbm>>
    tpu.enqueue_dma source(%arg15 : memref<80x64xi32, #tpu.memory_space<vmem>>) target(%dma_start3A_92 : memref<80x64xi32, #tpu.memory_space<hbm>>) target_semaphore(%arg23 : memref<!tpu.dma_semaphore, #tpu.memory_space<semaphore_mem>>)
    %add3A_93 = arith.constant 9840 : i32
    %add3A_94 = arith.addi %multiple_of3A, %add3A_93 : i32
    %multiple_of3A_95 = tpu.assume_multiple %add3A_94, 80 : i32
    %dma_wait3A_96 = arith.constant 0 : i32
    %dma_wait3A_97 = tpu.memref_slice %arg8[%multiple_of3A_95, %dma_wait3A_96] : memref<320000x64xi32, #tpu.memory_space<hbm>> -> memref<80x64xi32, #tpu.memory_space<hbm>>
    %dma_wait3A_98 = arith.constant 0 : i32
    %dma_wait3A_99 = tpu.memref_slice %arg8[%multiple_of3A_95, %dma_wait3A_98] : memref<320000x64xi32, #tpu.memory_space<hbm>> -> memref<80x64xi32, #tpu.memory_space<hbm>>
    tpu.wait_dma2 semaphore(%arg24 : memref<!tpu.dma_semaphore, #tpu.memory_space<semaphore_mem>>) src(%arg16 : memref<80x64xi32, #tpu.memory_space<vmem>>) dst(%dma_wait3A_99 : memref<80x64xi32, #tpu.memory_space<hbm>>)
    %add3A_100 = arith.constant 9920 : i32
    %add3A_101 = arith.addi %multiple_of3A, %add3A_100 : i32
    %multiple_of3A_102 = tpu.assume_multiple %add3A_101, 80 : i32
    %dma_wait3A_103 = arith.constant 0 : i32
    %dma_wait3A_104 = tpu.memref_slice %arg8[%multiple_of3A_102, %dma_wait3A_103] : memref<320000x64xi32, #tpu.memory_space<hbm>> -> memref<80x64xi32, #tpu.memory_space<hbm>>
    %dma_wait3A_105 = arith.constant 0 : i32
    %dma_wait3A_106 = tpu.memref_slice %arg8[%multiple_of3A_102, %dma_wait3A_105] : memref<320000x64xi32, #tpu.memory_space<hbm>> -> memref<80x64xi32, #tpu.memory_space<hbm>>
    tpu.wait_dma2 semaphore(%arg23 : memref<!tpu.dma_semaphore, #tpu.memory_space<semaphore_mem>>) src(%arg15 : memref<80x64xi32, #tpu.memory_space<vmem>>) dst(%dma_wait3A_106 : memref<80x64xi32, #tpu.memory_space<hbm>>)
    %swap3A = arith.constant 0 : i32
    %swap3A_107 = arith.index_cast %swap3A : i32 to index
    %swap3A_108 = arith.constant 0 : index
    %swap3A_109 = tpu.vector_load %arg17[%swap3A_107, %swap3A_108] {strides = array<i32>} : memref<2x128xf32, #tpu.memory_space<vmem>>, vector<16xf32>,
    tpu.vector_store %arg17[%swap3A_107, %swap3A_108], %scan3A_63#0 {strides = array<i32>} : memref<2x128xf32, #tpu.memory_space<vmem>>, vector<16xf32>,
    %swap3A_110 = arith.constant 1 : i32
    %swap3A_111 = arith.index_cast %swap3A_110 : i32 to index
    %swap3A_112 = arith.constant 0 : index
    %swap3A_113 = tpu.vector_load %arg17[%swap3A_111, %swap3A_112] {strides = array<i32>} : memref<2x128xf32, #tpu.memory_space<vmem>>, vector<16xf32>,
    tpu.vector_store %arg17[%swap3A_111, %swap3A_112], %scan3A_63#8 {strides = array<i32>} : memref<2x128xf32, #tpu.memory_space<vmem>>, vector<16xf32>,
    %swap3A_114 = arith.constant 0 : i32
    %swap3A_115 = arith.index_cast %swap3A_114 : i32 to index
    %swap3A_116 = arith.constant 16 : index
    %swap3A_117 = tpu.vector_load %arg17[%swap3A_115, %swap3A_116] {strides = array<i32>} : memref<2x128xf32, #tpu.memory_space<vmem>>, vector<16xf32>,
    tpu.vector_store %arg17[%swap3A_115, %swap3A_116], %scan3A_63#1 {strides = array<i32>} : memref<2x128xf32, #tpu.memory_space<vmem>>, vector<16xf32>,
    %swap3A_118 = arith.constant 1 : i32
    %swap3A_119 = arith.index_cast %swap3A_118 : i32 to index
    %swap3A_120 = arith.constant 16 : index
    %swap3A_121 = tpu.vector_load %arg17[%swap3A_119, %swap3A_120] {strides = array<i32>} : memref<2x128xf32, #tpu.memory_space<vmem>>, vector<16xf32>,
    tpu.vector_store %arg17[%swap3A_119, %swap3A_120], %scan3A_63#9 {strides = array<i32>} : memref<2x128xf32, #tpu.memory_space<vmem>>, vector<16xf32>,
    %swap3A_122 = arith.constant 0 : i32
    %swap3A_123 = arith.index_cast %swap3A_122 : i32 to index
    %swap3A_124 = arith.constant 32 : index
    %swap3A_125 = tpu.vector_load %arg17[%swap3A_123, %swap3A_124] {strides = array<i32>} : memref<2x128xf32, #tpu.memory_space<vmem>>, vector<16xf32>,
    tpu.vector_store %arg17[%swap3A_123, %swap3A_124], %scan3A_63#2 {strides = array<i32>} : memref<2x128xf32, #tpu.memory_space<vmem>>, vector<16xf32>,
    %swap3A_126 = arith.constant 1 : i32
    %swap3A_127 = arith.index_cast %swap3A_126 : i32 to index
    %swap3A_128 = arith.constant 32 : index
    %swap3A_129 = tpu.vector_load %arg17[%swap3A_127, %swap3A_128] {strides = array<i32>} : memref<2x128xf32, #tpu.memory_space<vmem>>, vector<16xf32>,
    tpu.vector_store %arg17[%swap3A_127, %swap3A_128], %scan3A_63#10 {strides = array<i32>} : memref<2x128xf32, #tpu.memory_space<vmem>>, vector<16xf32>,
    %swap3A_130 = arith.constant 0 : i32
    %swap3A_131 = arith.index_cast %swap3A_130 : i32 to index
    %swap3A_132 = arith.constant 48 : index
    %swap3A_133 = tpu.vector_load %arg17[%swap3A_131, %swap3A_132] {strides = array<i32>} : memref<2x128xf32, #tpu.memory_space<vmem>>, vector<16xf32>,
    tpu.vector_store %arg17[%swap3A_131, %swap3A_132], %scan3A_63#3 {strides = array<i32>} : memref<2x128xf32, #tpu.memory_space<vmem>>, vector<16xf32>,
    %swap3A_134 = arith.constant 1 : i32
    %swap3A_135 = arith.index_cast %swap3A_134 : i32 to index
    %swap3A_136 = arith.constant 48 : index
    %swap3A_137 = tpu.vector_load %arg17[%swap3A_135, %swap3A_136] {strides = array<i32>} : memref<2x128xf32, #tpu.memory_space<vmem>>, vector<16xf32>,
    tpu.vector_store %arg17[%swap3A_135, %swap3A_136], %scan3A_63#11 {strides = array<i32>} : memref<2x128xf32, #tpu.memory_space<vmem>>, vector<16xf32>,
    %swap3A_138 = arith.constant 0 : i32
    %swap3A_139 = arith.index_cast %swap3A_138 : i32 to index
    %swap3A_140 = arith.constant 64 : index
    %swap3A_141 = tpu.vector_load %arg17[%swap3A_139, %swap3A_140] {strides = array<i32>} : memref<2x128xf32, #tpu.memory_space<vmem>>, vector<16xf32>,
    tpu.vector_store %arg17[%swap3A_139, %swap3A_140], %scan3A_63#4 {strides = array<i32>} : memref<2x128xf32, #tpu.memory_space<vmem>>, vector<16xf32>,
    %swap3A_142 = arith.constant 1 : i32
    %swap3A_143 = arith.index_cast %swap3A_142 : i32 to index
    %swap3A_144 = arith.constant 64 : index
    %swap3A_145 = tpu.vector_load %arg17[%swap3A_143, %swap3A_144] {strides = array<i32>} : memref<2x128xf32, #tpu.memory_space<vmem>>, vector<16xf32>,
    tpu.vector_store %arg17[%swap3A_143, %swap3A_144], %scan3A_63#12 {strides = array<i32>} : memref<2x128xf32, #tpu.memory_space<vmem>>, vector<16xf32>,
    %swap3A_146 = arith.constant 0 : i32
    %swap3A_147 = arith.index_cast %swap3A_146 : i32 to index
    %swap3A_148 = arith.constant 80 : index
    %swap3A_149 = tpu.vector_load %arg17[%swap3A_147, %swap3A_148] {strides = array<i32>} : memref<2x128xf32, #tpu.memory_space<vmem>>, vector<16xf32>,
    tpu.vector_store %arg17[%swap3A_147, %swap3A_148], %scan3A_63#5 {strides = array<i32>} : memref<2x128xf32, #tpu.memory_space<vmem>>, vector<16xf32>,
    %swap3A_150 = arith.constant 1 : i32
    %swap3A_151 = arith.index_cast %swap3A_150 : i32 to index
    %swap3A_152 = arith.constant 80 : index
    %swap3A_153 = tpu.vector_load %arg17[%swap3A_151, %swap3A_152] {strides = array<i32>} : memref<2x128xf32, #tpu.memory_space<vmem>>, vector<16xf32>,
    tpu.vector_store %arg17[%swap3A_151, %swap3A_152], %scan3A_63#13 {strides = array<i32>} : memref<2x128xf32, #tpu.memory_space<vmem>>, vector<16xf32>,
    %swap3A_154 = arith.constant 0 : i32
    %swap3A_155 = arith.index_cast %swap3A_154 : i32 to index
    %swap3A_156 = arith.constant 96 : index
    %swap3A_157 = tpu.vector_load %arg17[%swap3A_155, %swap3A_156] {strides = array<i32>} : memref<2x128xf32, #tpu.memory_space<vmem>>, vector<16xf32>,
    tpu.vector_store %arg17[%swap3A_155, %swap3A_156], %scan3A_63#6 {strides = array<i32>} : memref<2x128xf32, #tpu.memory_space<vmem>>, vector<16xf32>,
    %swap3A_158 = arith.constant 1 : i32
    %swap3A_159 = arith.index_cast %swap3A_158 : i32 to index
    %swap3A_160 = arith.constant 96 : index
    %swap3A_161 = tpu.vector_load %arg17[%swap3A_159, %swap3A_160] {strides = array<i32>} : memref<2x128xf32, #tpu.memory_space<vmem>>, vector<16xf32>,
    tpu.vector_store %arg17[%swap3A_159, %swap3A_160], %scan3A_63#14 {strides = array<i32>} : memref<2x128xf32, #tpu.memory_space<vmem>>, vector<16xf32>,
    %swap3A_162 = arith.constant 0 : i32
    %swap3A_163 = arith.index_cast %swap3A_162 : i32 to index
    %swap3A_164 = arith.constant 112 : index
    %swap3A_165 = tpu.vector_load %arg17[%swap3A_163, %swap3A_164] {strides = array<i32>} : memref<2x128xf32, #tpu.memory_space<vmem>>, vector<16xf32>,
    tpu.vector_store %arg17[%swap3A_163, %swap3A_164], %scan3A_63#7 {strides = array<i32>} : memref<2x128xf32, #tpu.memory_space<vmem>>, vector<16xf32>,
    %swap3A_166 = arith.constant 1 : i32
    %swap3A_167 = arith.index_cast %swap3A_166 : i32 to index
    %swap3A_168 = arith.constant 112 : index
    %swap3A_169 = tpu.vector_load %arg17[%swap3A_167, %swap3A_168] {strides = array<i32>} : memref<2x128xf32, #tpu.memory_space<vmem>>, vector<16xf32>,
    tpu.vector_store %arg17[%swap3A_167, %swap3A_168], %scan3A_63#15 {strides = array<i32>} : memref<2x128xf32, #tpu.memory_space<vmem>>, vector<16xf32>,
    "tpu.region"() ({
      %run_scoped3A = tpu.sem_alloc : memref<!tpu.dma_semaphore, #tpu.memory_space<semaphore_mem>>
      %dma_start3A_170 = arith.constant 0 : i32
      %dma_start3A_171 = arith.constant 0 : i32
      %dma_start3A_172 = tpu.memref_slice %arg6[%add3A, %dma_start3A_170, %dma_start3A_171] : memref<32x2x128xf32, #tpu.memory_space<hbm>> -> memref<1x2x128xf32, #tpu.memory_space<hbm>>
      %dma_start3A_173 = tpu.memref_squeeze %dma_start3A_172 : memref<1x2x128xf32, #tpu.memory_space<hbm>> -> memref<2x128xf32, #tpu.memory_space<hbm>>
      %dma_start3A_174 = arith.constant 0 : i32
      %dma_start3A_175 = arith.constant 0 : i32
      %dma_start3A_176 = tpu.memref_slice %arg6[%add3A, %dma_start3A_174, %dma_start3A_175] : memref<32x2x128xf32, #tpu.memory_space<hbm>> -> memref<1x2x128xf32, #tpu.memory_space<hbm>>
      %dma_start3A_177 = tpu.memref_squeeze %dma_start3A_176 : memref<1x2x128xf32, #tpu.memory_space<hbm>> -> memref<2x128xf32, #tpu.memory_space<hbm>>
      tpu.enqueue_dma source(%arg17 : memref<2x128xf32, #tpu.memory_space<vmem>>) target(%dma_start3A_177 : memref<2x128xf32, #tpu.memory_space<hbm>>) target_semaphore(%run_scoped3A : memref<!tpu.dma_semaphore, #tpu.memory_space<semaphore_mem>>)
      %dma_wait3A_178 = arith.constant 0 : i32
      %dma_wait3A_179 = arith.constant 0 : i32
      %dma_wait3A_180 = tpu.memref_slice %arg6[%add3A, %dma_wait3A_178, %dma_wait3A_179] : memref<32x2x128xf32, #tpu.memory_space<hbm>> -> memref<1x2x128xf32, #tpu.memory_space<hbm>>
      %dma_wait3A_181 = tpu.memref_squeeze %dma_wait3A_180 : memref<1x2x128xf32, #tpu.memory_space<hbm>> -> memref<2x128xf32, #tpu.memory_space<hbm>>
      %dma_wait3A_182 = arith.constant 0 : i32
      %dma_wait3A_183 = arith.constant 0 : i32
      %dma_wait3A_184 = tpu.memref_slice %arg6[%add3A, %dma_wait3A_182, %dma_wait3A_183] : memref<32x2x128xf32, #tpu.memory_space<hbm>> -> memref<1x2x128xf32, #tpu.memory_space<hbm>>
      %dma_wait3A_185 = tpu.memref_squeeze %dma_wait3A_184 : memref<1x2x128xf32, #tpu.memory_space<hbm>> -> memref<2x128xf32, #tpu.memory_space<hbm>>
      tpu.wait_dma2 semaphore(%run_scoped3A : memref<!tpu.dma_semaphore, #tpu.memory_space<semaphore_mem>>) src(%arg17 : memref<2x128xf32, #tpu.memory_space<vmem>>) dst(%dma_wait3A_185 : memref<2x128xf32, #tpu.memory_space<hbm>>)
      tpu.yield
    }) : () -> ()
    "tpu.region"() ({
      %run_scoped3A = tpu.sem_alloc : memref<!tpu.dma_semaphore, #tpu.memory_space<semaphore_mem>>
      %dma_start3A_170 = arith.constant 0 : i32
      %dma_start3A_171 = tpu.memref_slice %arg7[%add3A, %dma_start3A_170] : memref<32x10240xf32, #tpu.memory_space<hbm>> -> memref<1x10240xf32, #tpu.memory_space<hbm>>
      %dma_start3A_172 = tpu.memref_squeeze %dma_start3A_171 : memref<1x10240xf32, #tpu.memory_space<hbm>> -> memref<10240xf32, #tpu.memory_space<hbm>>
      %dma_start3A_173 = arith.constant 0 : i32
      %dma_start3A_174 = tpu.memref_slice %arg7[%add3A, %dma_start3A_173] : memref<32x10240xf32, #tpu.memory_space<hbm>> -> memref<1x10240xf32, #tpu.memory_space<hbm>>
      %dma_start3A_175 = tpu.memref_squeeze %dma_start3A_174 : memref<1x10240xf32, #tpu.memory_space<hbm>> -> memref<10240xf32, #tpu.memory_space<hbm>>
      tpu.enqueue_dma source(%arg18 : memref<10240xf32, #tpu.memory_space<vmem>>) target(%dma_start3A_175 : memref<10240xf32, #tpu.memory_space<hbm>>) target_semaphore(%run_scoped3A : memref<!tpu.dma_semaphore, #tpu.memory_space<semaphore_mem>>)
      %dma_wait3A_176 = arith.constant 0 : i32
      %dma_wait3A_177 = tpu.memref_slice %arg7[%add3A, %dma_wait3A_176] : memref<32x10240xf32, #tpu.memory_space<hbm>> -> memref<1x10240xf32, #tpu.memory_space<hbm>>
      %dma_wait3A_178 = tpu.memref_squeeze %dma_wait3A_177 : memref<1x10240xf32, #tpu.memory_space<hbm>> -> memref<10240xf32, #tpu.memory_space<hbm>>
      %dma_wait3A_179 = arith.constant 0 : i32
      %dma_wait3A_180 = tpu.memref_slice %arg7[%add3A, %dma_wait3A_179] : memref<32x10240xf32, #tpu.memory_space<hbm>> -> memref<1x10240xf32, #tpu.memory_space<hbm>>
      %dma_wait3A_181 = tpu.memref_squeeze %dma_wait3A_180 : memref<1x10240xf32, #tpu.memory_space<hbm>> -> memref<10240xf32, #tpu.memory_space<hbm>>
      tpu.wait_dma2 semaphore(%run_scoped3A : memref<!tpu.dma_semaphore, #tpu.memory_space<semaphore_mem>>) src(%arg18 : memref<10240xf32, #tpu.memory_space<vmem>>) dst(%dma_wait3A_181 : memref<10240xf32, #tpu.memory_space<hbm>>)
      tpu.yield
    }) : () -> ()
    return
  }
}

module attributes {stable_mosaic.version = 14 : i64} {
  func.func @_xa_body(%arg0: memref<10000x128xf32, #tpu.memory_space<vmem>>, %arg1: memref<144x128xf32, #tpu.memory_space<vmem>>, %arg2: memref<10000x128xf32, #tpu.memory_space<vmem>>) attributes {dimension_semantics = [], scalar_prefetch = 0 : i64, scratch_operands = 0 : i64, tpu.core_type = #tpu.core_type<tc>} {
    %get3A = arith.constant 0 : index
    %get3A_0 = arith.constant 0 : index
    %get3A_1 = vector.load %arg0[%get3A, %get3A_0] : memref<10000x128xf32, #tpu.memory_space<vmem>>, vector<10000x128xf32>
    %get3A_2 = arith.constant 0 : index
    %get3A_3 = arith.constant 0 : index
    %get3A_4 = vector.load %arg1[%get3A_2, %get3A_3] : memref<144x128xf32, #tpu.memory_space<vmem>>, vector<128x128xf32>
    %dot_general3A = arith.constant dense<0.000000e+00> : vector<10000x128xf32>
    %dot_general3A_5 = tpu.matmul %get3A_1, %get3A_4, %dot_general3A {dimension_numbers = #tpu.dot_dimension_numbers<[1], [0], [0], [1], [0, 0, 1, 1], [], []>, transpose_lhs_hint = false} : vector<10000x128xf32>, vector<128x128xf32>, vector<10000x128xf32> -> vector<10000x128xf32>
    %swap3A = arith.constant 0 : index
    %swap3A_6 = arith.constant 0 : index
    %swap3A_7 = vector.load %arg2[%swap3A, %swap3A_6] : memref<10000x128xf32, #tpu.memory_space<vmem>>, vector<10000x128xf32>
    tpu.vector_store %arg2[%swap3A, %swap3A_6], %dot_general3A_5 {strides = array<i32>} : memref<10000x128xf32, #tpu.memory_space<vmem>>, vector<10000x128xf32>,
    return
  }
}

module attributes {stable_mosaic.version = 14 : i64} {
  func.func @_eb_body(%arg0: i32, %arg1: memref<8000x16xf32, #tpu.memory_space<vmem>>, %arg2: memref<144x128xf32, #tpu.memory_space<vmem>>, %arg3: memref<1x128xf32, #tpu.memory_space<vmem>>, %arg4: memref<8000x128xf32, #tpu.memory_space<vmem>>) attributes {dimension_semantics = [#tpu.dimension_semantics<arbitrary>], iteration_bounds = array<i64: 40>, scalar_prefetch = 0 : i64, scratch_operands = 0 : i64, tpu.core_type = #tpu.core_type<tc>, window_params = [{transform_indices = @transform_0, window_bounds = array<i64: 8000, 16>}, {pipeline_mode = #tpu.pipeline_mode<synchronous>, transform_indices = @transform_1, window_bounds = array<i64: 144, 128>}, {pipeline_mode = #tpu.pipeline_mode<synchronous>, transform_indices = @transform_2, window_bounds = array<i64: 1, 128>}, {transform_indices = @transform_3, window_bounds = array<i64: 8000, 128>}]} {
    %get3A = arith.constant 0 : index
    %get3A_0 = arith.constant 0 : index
    %get3A_1 = vector.load %arg1[%get3A, %get3A_0] : memref<8000x16xf32, #tpu.memory_space<vmem>>, vector<8000x16xf32>
    %get3A_2 = arith.constant 128 : index
    %get3A_3 = arith.constant 0 : index
    %get3A_4 = vector.load %arg2[%get3A_2, %get3A_3] : memref<144x128xf32, #tpu.memory_space<vmem>>, vector<16x128xf32>
    %dot_general3A = arith.constant dense<0.000000e+00> : vector<8000x128xf32>
    %dot_general3A_5 = tpu.matmul %get3A_1, %get3A_4, %dot_general3A {dimension_numbers = #tpu.dot_dimension_numbers<[1], [0], [0], [1], [0, 0, 1, 1], [], []>, transpose_lhs_hint = false} : vector<8000x16xf32>, vector<16x128xf32>, vector<8000x128xf32> -> vector<8000x128xf32>
    %get3A_6 = arith.constant 0 : index
    %get3A_7 = arith.constant 0 : index
    %get3A_8 = vector.load %arg3[%get3A_6, %get3A_7] : memref<1x128xf32, #tpu.memory_space<vmem>>, vector<1x128xf32>
    %add3A = vector.broadcast %get3A_8 : vector<1x128xf32> to vector<8000x128xf32>
    %add3A_9 = arith.addf %dot_general3A_5, %add3A : vector<8000x128xf32>
    %swap3A = arith.constant 0 : index
    %swap3A_10 = arith.constant 0 : index
    %swap3A_11 = vector.load %arg4[%swap3A, %swap3A_10] : memref<8000x128xf32, #tpu.memory_space<vmem>>, vector<8000x128xf32>
    tpu.vector_store %arg4[%swap3A, %swap3A_10], %add3A_9 {strides = array<i32>} : memref<8000x128xf32, #tpu.memory_space<vmem>>, vector<8000x128xf32>,
    return
  }
  func.func @transform_0(%arg0: i32) -> (i32, i32) {
    %c0_i32 = arith.constant 0 : i32
    %c0_i32_0 = arith.constant 0 : i32
    return %arg0, %c0_i32 : i32, i32
  }
  func.func @transform_1(%arg0: i32) -> (i32, i32) {
    %c0_i32 = arith.constant 0 : i32
    %c0_i32_0 = arith.constant 0 : i32
    %c0_i32_1 = arith.constant 0 : i32
    return %c0_i32, %c0_i32_0 : i32, i32
  }
  func.func @transform_2(%arg0: i32) -> (i32, i32) {
    %c0_i32 = arith.constant 0 : i32
    %c0_i32_0 = arith.constant 0 : i32
    %c0_i32_1 = arith.constant 0 : i32
    return %c0_i32, %c0_i32_0 : i32, i32
  }
  func.func @transform_3(%arg0: i32) -> (i32, i32) {
    %c0_i32 = arith.constant 0 : i32
    %c0_i32_0 = arith.constant 0 : i32
    return %arg0, %c0_i32 : i32, i32
  }
}

module attributes {stable_mosaic.version = 14 : i64} {
  func.func @_aff_body(%arg0: memref<32x2x128xf32, #tpu.memory_space<vmem>>, %arg1: memref<1x128xf32, #tpu.memory_space<vmem>>, %arg2: memref<1x128xf32, #tpu.memory_space<vmem>>, %arg3: memref<2x128xf32, #tpu.memory_space<vmem>>) attributes {dimension_semantics = [], scalar_prefetch = 0 : i64, scratch_operands = 0 : i64, tpu.core_type = #tpu.core_type<tc>} {
    %get3A = arith.constant 0 : index
    %get3A_0 = arith.constant 0 : index
    %get3A_1 = arith.constant 0 : index
    %get3A_2 = vector.load %arg0[%get3A, %get3A_0, %get3A_1] : memref<32x2x128xf32, #tpu.memory_space<vmem>>, vector<32x2x128xf32>
    %reduce_sum3A = arith.constant dense<0.000000e+00> : vector<2x128xf32>
    %reduce_sum3A_3 = vector.multi_reduction <add>, %get3A_2, %reduce_sum3A [0] : vector<32x2x128xf32> to vector<2x128xf32>
    %slice3A = vector.extract_strided_slice %reduce_sum3A_3 {offsets = [0, 0], sizes = [1, 128], strides = [1, 1]} : vector<2x128xf32> to vector<1x128xf32>
    %mul3A = arith.constant 3.125000e-06 : f32
    %mul3A_4 = vector.broadcast %mul3A : f32 to vector<1x128xf32>
    %mul3A_5 = arith.mulf %slice3A, %mul3A_4 : vector<1x128xf32>
    %slice3A_6 = vector.extract_strided_slice %reduce_sum3A_3 {offsets = [1, 0], sizes = [1, 128], strides = [1, 1]} : vector<2x128xf32> to vector<1x128xf32>
    %mul3A_7 = arith.constant 3.125000e-06 : f32
    %mul3A_8 = vector.broadcast %mul3A_7 : f32 to vector<1x128xf32>
    %mul3A_9 = arith.mulf %slice3A_6, %mul3A_8 : vector<1x128xf32>
    %mul3A_10 = arith.mulf %mul3A_5, %mul3A_5 : vector<1x128xf32>
    %sub3A = arith.subf %mul3A_9, %mul3A_10 : vector<1x128xf32>
    %max3A = arith.constant 0.000000e+00 : f32
    %max3A_11 = vector.broadcast %max3A : f32 to vector<1x128xf32>
    %max3A_12 = arith.maximumf %sub3A, %max3A_11 : vector<1x128xf32>
    %get3A_13 = arith.constant 0 : index
    %get3A_14 = arith.constant 0 : index
    %get3A_15 = vector.load %arg1[%get3A_13, %get3A_14] : memref<1x128xf32, #tpu.memory_space<vmem>>, vector<1x128xf32>
    %add3A = arith.constant 9.99999974E-6 : f32
    %add3A_16 = vector.broadcast %add3A : f32 to vector<1x128xf32>
    %add3A_17 = arith.addf %max3A_12, %add3A_16 : vector<1x128xf32>
    %rsqrt3A = math.rsqrt %add3A_17 : vector<1x128xf32>
    %mul3A_18 = arith.mulf %get3A_15, %rsqrt3A : vector<1x128xf32>
    %get3A_19 = arith.constant 0 : index
    %get3A_20 = arith.constant 0 : index
    %get3A_21 = vector.load %arg2[%get3A_19, %get3A_20] : memref<1x128xf32, #tpu.memory_space<vmem>>, vector<1x128xf32>
    %mul3A_22 = arith.mulf %mul3A_5, %mul3A_18 : vector<1x128xf32>
    %sub3A_23 = arith.subf %get3A_21, %mul3A_22 : vector<1x128xf32>
    %concatenate3A = tpu.concatenate %mul3A_18, %sub3A_23 in 0 : vector<1x128xf32>, vector<1x128xf32> -> vector<2x128xf32>
    %swap3A = arith.constant 0 : index
    %swap3A_24 = arith.constant 0 : index
    %swap3A_25 = vector.load %arg3[%swap3A, %swap3A_24] : memref<2x128xf32, #tpu.memory_space<vmem>>, vector<2x128xf32>
    tpu.vector_store %arg3[%swap3A, %swap3A_24], %concatenate3A {strides = array<i32>} : memref<2x128xf32, #tpu.memory_space<vmem>>, vector<2x128xf32>,
    return
  }
}

module attributes {stable_mosaic.version = 14 : i64} {
  func.func @_final_body(%arg0: memref<10000x128xf32, #tpu.memory_space<vmem>>, %arg1: memref<2x10240x128xf32, #tpu.memory_space<vmem>>, %arg2: memref<32x10240xf32, #tpu.memory_space<vmem>>, %arg3: memref<256x256xf32, #tpu.memory_space<vmem>>, %arg4: memref<1x256xf32, #tpu.memory_space<vmem>>, %arg5: memref<1x256xf32, #tpu.memory_space<vmem>>, %arg6: memref<1x256xf32, #tpu.memory_space<vmem>>, %arg7: memref<256x128xf32, #tpu.memory_space<vmem>>, %arg8: memref<1x128xf32, #tpu.memory_space<vmem>>, %arg9: memref<10000x128xf32, #tpu.memory_space<vmem>>) attributes {dimension_semantics = [], scalar_prefetch = 0 : i64, scratch_operands = 0 : i64, tpu.core_type = #tpu.core_type<tc>} {
    %get3A = arith.constant 0 : index
    %get3A_0 = arith.constant 0 : index
    %get3A_1 = arith.constant 0 : index
    %get3A_2 = vector.load %arg1[%get3A, %get3A_0, %get3A_1] : memref<2x10240x128xf32, #tpu.memory_space<vmem>>, vector<1x10000x128xf32>
    %get3A_3 = vector.shape_cast %get3A_2 : vector<1x10000x128xf32> to vector<10000x128xf32>
    %get3A_4 = arith.constant 1 : index
    %get3A_5 = arith.constant 0 : index
    %get3A_6 = arith.constant 0 : index
    %get3A_7 = vector.load %arg1[%get3A_4, %get3A_5, %get3A_6] : memref<2x10240x128xf32, #tpu.memory_space<vmem>>, vector<1x10000x128xf32>
    %get3A_8 = vector.shape_cast %get3A_7 : vector<1x10000x128xf32> to vector<10000x128xf32>
    %add3A = arith.addf %get3A_3, %get3A_8 : vector<10000x128xf32>
    %get3A_9 = arith.constant 0 : index
    %get3A_10 = arith.constant 0 : index
    %get3A_11 = vector.load %arg2[%get3A_9, %get3A_10] : memref<32x10240xf32, #tpu.memory_space<vmem>>, vector<32x10240xf32>
    %reduce_sum3A = arith.constant dense<0.000000e+00> : vector<10240xf32>
    %reduce_sum3A_12 = vector.multi_reduction <add>, %get3A_11, %reduce_sum3A [0] : vector<32x10240xf32> to vector<10240xf32>
    %slice3A = vector.extract_strided_slice %reduce_sum3A_12 {offsets = [0], sizes = [10000], strides = [1]} : vector<10240xf32> to vector<10000xf32>
    %reshape3A = vector.shape_cast %slice3A : vector<10000xf32> to vector<10000x1xf32>
    %max3A = arith.constant 1.000000e+00 : f32
    %max3A_13 = vector.broadcast %max3A : f32 to vector<10000x1xf32>
    %max3A_14 = arith.maximumf %reshape3A, %max3A_13 : vector<10000x1xf32>
    %div3A = vector.broadcast %max3A_14 : vector<10000x1xf32> to vector<10000x128xf32>
    %div3A_15 = arith.divf %add3A, %div3A : vector<10000x128xf32>
    %get3A_16 = arith.constant 0 : index
    %get3A_17 = arith.constant 0 : index
    %get3A_18 = vector.load %arg0[%get3A_16, %get3A_17] : memref<10000x128xf32, #tpu.memory_space<vmem>>, vector<10000x128xf32>
    %get3A_19 = arith.constant 0 : index
    %get3A_20 = arith.constant 0 : index
    %get3A_21 = vector.load %arg3[%get3A_19, %get3A_20] : memref<256x256xf32, #tpu.memory_space<vmem>>, vector<128x256xf32>
    %dot_general3A = arith.constant dense<0.000000e+00> : vector<10000x256xf32>
    %dot_general3A_22 = tpu.matmul %get3A_18, %get3A_21, %dot_general3A {dimension_numbers = #tpu.dot_dimension_numbers<[1], [0], [0], [1], [0, 0, 1, 1], [], []>, transpose_lhs_hint = false} : vector<10000x128xf32>, vector<128x256xf32>, vector<10000x256xf32> -> vector<10000x256xf32>
    %get3A_23 = arith.constant 128 : index
    %get3A_24 = arith.constant 0 : index
    %get3A_25 = vector.load %arg3[%get3A_23, %get3A_24] : memref<256x256xf32, #tpu.memory_space<vmem>>, vector<128x256xf32>
    %dot_general3A_26 = arith.constant dense<0.000000e+00> : vector<10000x256xf32>
    %dot_general3A_27 = tpu.matmul %div3A_15, %get3A_25, %dot_general3A_26 {dimension_numbers = #tpu.dot_dimension_numbers<[1], [0], [0], [1], [0, 0, 1, 1], [], []>, transpose_lhs_hint = false} : vector<10000x128xf32>, vector<128x256xf32>, vector<10000x256xf32> -> vector<10000x256xf32>
    %add3A_28 = arith.addf %dot_general3A_22, %dot_general3A_27 : vector<10000x256xf32>
    %get3A_29 = arith.constant 0 : index
    %get3A_30 = arith.constant 0 : index
    %get3A_31 = vector.load %arg4[%get3A_29, %get3A_30] : memref<1x256xf32, #tpu.memory_space<vmem>>, vector<1x256xf32>
    %add3A_32 = vector.broadcast %get3A_31 : vector<1x256xf32> to vector<10000x256xf32>
    %add3A_33 = arith.addf %add3A_28, %add3A_32 : vector<10000x256xf32>
    %reduce_sum3A_34 = arith.constant dense<0.000000e+00> : vector<256xf32>
    %reduce_sum3A_35 = vector.multi_reduction <add>, %add3A_33, %reduce_sum3A_34 [0] : vector<10000x256xf32> to vector<256xf32>
    %broadcast_in_dim3A = vector.shape_cast %reduce_sum3A_35 : vector<256xf32> to vector<1x256xf32>
    %div3A_36 = arith.constant 1.000000e+04 : f32
    %div3A_37 = vector.broadcast %div3A_36 : f32 to vector<1x256xf32>
    %div3A_38 = arith.divf %broadcast_in_dim3A, %div3A_37 : vector<1x256xf32>
    %sub3A = vector.broadcast %div3A_38 : vector<1x256xf32> to vector<10000x256xf32>
    %sub3A_39 = arith.subf %add3A_33, %sub3A : vector<10000x256xf32>
    %integer_pow3A = arith.mulf %sub3A_39, %sub3A_39 : vector<10000x256xf32>
    %reduce_sum3A_40 = arith.constant dense<0.000000e+00> : vector<256xf32>
    %reduce_sum3A_41 = vector.multi_reduction <add>, %integer_pow3A, %reduce_sum3A_40 [0] : vector<10000x256xf32> to vector<256xf32>
    %broadcast_in_dim3A_42 = vector.shape_cast %reduce_sum3A_41 : vector<256xf32> to vector<1x256xf32>
    %div3A_43 = arith.constant 1.000000e+04 : f32
    %div3A_44 = vector.broadcast %div3A_43 : f32 to vector<1x256xf32>
    %div3A_45 = arith.divf %broadcast_in_dim3A_42, %div3A_44 : vector<1x256xf32>
    %sub3A_46 = vector.broadcast %div3A_38 : vector<1x256xf32> to vector<10000x256xf32>
    %sub3A_47 = arith.subf %add3A_33, %sub3A_46 : vector<10000x256xf32>
    %add3A_48 = arith.constant 9.99999974E-6 : f32
    %add3A_49 = vector.broadcast %add3A_48 : f32 to vector<1x256xf32>
    %add3A_50 = arith.addf %div3A_45, %add3A_49 : vector<1x256xf32>
    %rsqrt3A = math.rsqrt %add3A_50 : vector<1x256xf32>
    %mul3A = vector.broadcast %rsqrt3A : vector<1x256xf32> to vector<10000x256xf32>
    %mul3A_51 = arith.mulf %sub3A_47, %mul3A : vector<10000x256xf32>
    %get3A_52 = arith.constant 0 : index
    %get3A_53 = arith.constant 0 : index
    %get3A_54 = vector.load %arg5[%get3A_52, %get3A_53] : memref<1x256xf32, #tpu.memory_space<vmem>>, vector<1x256xf32>
    %mul3A_55 = vector.broadcast %get3A_54 : vector<1x256xf32> to vector<10000x256xf32>
    %mul3A_56 = arith.mulf %mul3A_51, %mul3A_55 : vector<10000x256xf32>
    %get3A_57 = arith.constant 0 : index
    %get3A_58 = arith.constant 0 : index
    %get3A_59 = vector.load %arg6[%get3A_57, %get3A_58] : memref<1x256xf32, #tpu.memory_space<vmem>>, vector<1x256xf32>
    %add3A_60 = vector.broadcast %get3A_59 : vector<1x256xf32> to vector<10000x256xf32>
    %add3A_61 = arith.addf %mul3A_56, %add3A_60 : vector<10000x256xf32>
    %max3A_62 = arith.constant 0.000000e+00 : f32
    %max3A_63 = vector.broadcast %max3A_62 : f32 to vector<10000x256xf32>
    %max3A_64 = arith.maximumf %add3A_61, %max3A_63 : vector<10000x256xf32>
    %get3A_65 = arith.constant 0 : index
    %get3A_66 = arith.constant 0 : index
    %get3A_67 = vector.load %arg7[%get3A_65, %get3A_66] : memref<256x128xf32, #tpu.memory_space<vmem>>, vector<256x128xf32>
    %dot_general3A_68 = arith.constant dense<0.000000e+00> : vector<10000x128xf32>
    %dot_general3A_69 = tpu.matmul %max3A_64, %get3A_67, %dot_general3A_68 {dimension_numbers = #tpu.dot_dimension_numbers<[1], [0], [0], [1], [0, 0, 1, 1], [], []>, transpose_lhs_hint = false} : vector<10000x256xf32>, vector<256x128xf32>, vector<10000x128xf32> -> vector<10000x128xf32>
    %get3A_70 = arith.constant 0 : index
    %get3A_71 = arith.constant 0 : index
    %get3A_72 = vector.load %arg8[%get3A_70, %get3A_71] : memref<1x128xf32, #tpu.memory_space<vmem>>, vector<1x128xf32>
    %add3A_73 = vector.broadcast %get3A_72 : vector<1x128xf32> to vector<10000x128xf32>
    %add3A_74 = arith.addf %dot_general3A_69, %add3A_73 : vector<10000x128xf32>
    %max3A_75 = arith.constant 0.000000e+00 : f32
    %max3A_76 = vector.broadcast %max3A_75 : f32 to vector<10000x128xf32>
    %max3A_77 = arith.maximumf %add3A_74, %max3A_76 : vector<10000x128xf32>
    %swap3A = arith.constant 0 : index
    %swap3A_78 = arith.constant 0 : index
    %swap3A_79 = vector.load %arg9[%swap3A, %swap3A_78] : memref<10000x128xf32, #tpu.memory_space<vmem>>, vector<10000x128xf32>
    tpu.vector_store %arg9[%swap3A, %swap3A_78], %max3A_77 {strides = array<i32>} : memref<10000x128xf32, #tpu.memory_space<vmem>>, vector<10000x128xf32>,
    return
  }
}

</mosaic_0001>

<sc_bundles>
// kernel: kernel.11.cloned.1.call-start
scs
__scs_entry_jumppad:
0x0: {  	(pc) =	sbr.rel $0x88, $3  }
0x1: {  	(tag) =	ssettag $0x0;
	lr =	simm.s32 $0x1  }
0x2: {  	[smem:$0x3F94] =	sst lr;
	_ =	strace $0xD0000000  }
0x3: {  	_ = 	snop  }
0x4: {  	_ = 	snop  }
0x5: {  	_ = 	snop  }
0x6: {  	_ = 	snop  }
0x7: {  	_ = 	snop  }
__scs_overlays_trampoline_lowered:
0x8: {  	[smem:$0x3FA3] =	sst s0  }
0x9: {  	[smem:$0x3FA4] =	sst s1  }
0xa: {  	[smem:$0x3FA5] =	sst s2  }
0xb: {  	[smem:$0x3FA6] =	sst s3  }
0xc: {  	[smem:$0x3FA7] =	sst s4  }
0xd: {  	[smem:$0x3FA8] =	sst s5  }
0xe: {  	[smem:$0x3FA9] =	sst s6  }
0xf: {  	[smem:$0x3FAA] =	sst s7  }
0x10: {  	[smem:$0x3FAB] =	sst s8  }
0x11: {  	[smem:$0x3FAC] =	sst s9;
	s0 =	simm.s32 @!p0 $0x0  }
0x12: {  	s1 =	sld [smem:$0x3F92];
	s0 =	simm.s32 @p0 $0x1  }
0x13: {  	[smem:$0x3FAD] =	sst s0;
	s0 =	simm.s32 @!p1 $0x0  }
0x14: {  	s2 =	sld [smem:$0x3F91];
	s0 =	simm.s32 @p1 $0x1  }
0x15: {  	[smem:$0x3FAE] =	sst s0;
	s0 =	simm.s32 @!p2 $0x0  }
0x16: {  	s3 =	sld [smem:$0x3FDB];
	s0 =	simm.s32 @p2 $0x1  }
0x17: {  	s4 =	simm.s32 $0x1BF5;
	[smem:$0x3FB0] =	sst s0  }
0x18: {  	s0 =	sld [smem:$0x3F93];
	_ =	swait.ge [sflag:s4], $0x0  }
0x19: {  	s7 =	sld [smem:$0x3F94]  }
0x1a: {  	s8 =	sadd.s32 $0xFFFFE003, lr  }
0x1b: {  	s9 =	sadd.s32 $0xFFFFFEF7, lr;
	s5 =	simm.s32 $0xFFFFFFFF;
	p2 =	slt.u32 s8, $0xFFFFF086  }
0x1c: {  	p1 =	slt.u32 s9, $0xF7A;
	s5 =	simm.s32 @!p2 $0x0  }
0x1d: {  	s5 =	simm.s32 @p1 $0x1;
	p0 =	seq.s32 s7, s2  }
0x1e: {  	s7 =	smul.u32 @!p0 $0xF7A, s2;
	p2 =	seq.s32 @!p0 s5, $0x0  }
0x1f: {  	s9 =	smul.u32 $0xF7A, s1;
	s8 =	simm.s32 @!p0 $0x1BF5;
	p2 =	por !p2, p0  }
0x20: {  	[sflag:s8] =	ssyncset.s32 @!p0 $0xFFFFF086;
	s6 =	sadd.s32 @!p0 s3, s7;
	s7 =	simm.s32 @!p0 $0x108  }
0x21: {  	s3 =	sadd.s32 s3, s9;
	s6 =	sadd.s32 @!p0 $0x88, s6;
	s7 =	simm.s32 @p2 $0x1082  }
0x22: {  	[simem:s7], [sflag:s8] =	dma.local @!p0 [hbm:s6], $0xF7A  }
0x23: {  	s9 =	sor.u32 $0xD0000000, s2;
	s6 =	simm.s32 $0x108;
	_ =	swait.ge @!p0 [sflag:s8], $0x0  }
0x24: {  	s3 =	sadd.s32 $0x88, s3;
	s6 =	simm.s32 @!p1 $0x1082;
	[sflag:s4] =	ssyncset.s32 $0xFFFFF086  }
0x25: {  	[simem:s6], [sflag:s4] =	dma.local [hbm:s3], $0xF7A  }
0x26: {  	[smem:$0x3F94] =	sst s1;
	(tag) =	ssettag s2;
	_ =	strace s9  }
0x27: {  	s1 =	sld [smem:$0x3FA4]  }
0x28: {  	s2 =	sld [smem:$0x3FA5]  }
0x29: {  	s4 =	sld [smem:$0x3FA7]  }
0x2a: {  	p0 =	seq.s32 s5, $0x0;
	s5 =	sld [smem:$0x3FA8]  }
0x2b: {  	s6 =	sld [smem:$0x3FA9]  }
0x2c: {  	s7 =	sld [smem:$0x3FAA]  }
0x2d: {  	s3 =	simm.s32 $0x108;
	s8 =	sld [smem:$0x3FAB]  }
0x2e: {  	s3 =	simm.s32 @!p0 $0x1082;
	s9 =	sld [smem:$0x3FAC]  }
0x2f: {  	lr =	sadd.s32 s0, s3;
	s0 =	sld [smem:$0x3FA3]  }
0x30: {  	s3 =	sld [smem:$0x3FA6]  }
0x31: {  	[smem:$0x3FAF] =	sst s10  }
0x32: {  	s10 =	sld [smem:$0x3FAD];
	_ =	sdelay $0x3  }
0x33: {  	p0 =	seq.s32 s10, $0x1;
	s10 =	sld [smem:$0x3FAF];
	_ =	sdelay $0x3  }
0x34: {  	[smem:$0x3FAF] =	sst s10  }
0x35: {  	s10 =	sld [smem:$0x3FAE];
	_ =	sdelay $0x3  }
0x36: {  	p1 =	seq.s32 s10, $0x1;
	s10 =	sld [smem:$0x3FAF];
	_ =	sdelay $0x3  }
0x37: {  	[smem:$0x3FAF] =	sst s10  }
0x38: {  	s10 =	sld [smem:$0x3FB0]  }
0x39: {  	_ = 	snop;
	(pc) =	sbr.ind lr, $3  }
0x3a: {  	_ = 	snop  }
0x3b: {  	_ = 	snop  }
0x3c: {  	p2 =	seq.s32 s10, $0x1;
	s10 =	sld [smem:$0x3FAF]  }
0x3d: {  	_ =	shalt  }
0x3e: {  	_ =	shalt  }
0x3f: {  	_ =	shalt  }
0x40: {  	_ =	shalt  }
0x41: {  	_ =	shalt  }
0x42: {  	_ =	shalt  }
0x43: {  	_ =	shalt  }
0x44: {  	_ =	shalt  }
0x45: {  	_ =	shalt  }
0x46: {  	_ =	shalt  }
0x47: {  	_ =	shalt  }
0x48: {  	_ =	shalt  }
0x49: {  	_ =	shalt  }
0x4a: {  	_ =	shalt  }
0x4b: {  	_ =	shalt  }
0x4c: {  	_ =	shalt  }
0x4d: {  	_ =	shalt  }
0x4e: {  	_ =	shalt  }
0x4f: {  	_ =	shalt  }
0x50: {  	_ =	shalt  }
0x51: {  	_ =	shalt  }
0x52: {  	_ =	shalt  }
0x53: {  	_ =	shalt  }
0x54: {  	_ =	shalt  }
0x55: {  	_ =	shalt  }
0x56: {  	_ =	shalt  }
0x57: {  	_ =	shalt  }
0x58: {  	_ =	shalt  }
0x59: {  	_ =	shalt  }
0x5a: {  	_ =	shalt  }
0x5b: {  	_ =	shalt  }
0x5c: {  	_ =	shalt  }
0x5d: {  	_ =	shalt  }
0x5e: {  	_ =	shalt  }
0x5f: {  	_ =	shalt  }
0x60: {  	_ =	shalt  }
0x61: {  	_ =	shalt  }
0x62: {  	_ =	shalt  }
0x63: {  	_ =	shalt  }
0x64: {  	_ =	shalt  }
0x65: {  	_ =	shalt  }
0x66: {  	_ =	shalt  }
0x67: {  	_ =	shalt  }
0x68: {  	_ =	shalt  }
0x69: {  	_ =	shalt  }
0x6a: {  	_ =	shalt  }
0x6b: {  	_ =	shalt  }
0x6c: {  	_ =	shalt  }
0x6d: {  	_ =	shalt  }
0x6e: {  	_ =	shalt  }
0x6f: {  	_ =	shalt  }
0x70: {  	_ =	shalt  }
0x71: {  	_ =	shalt  }
0x72: {  	_ =	shalt  }
0x73: {  	_ =	shalt  }
0x74: {  	_ =	shalt  }
0x75: {  	_ =	shalt  }
0x76: {  	_ =	shalt  }
0x77: {  	_ =	shalt  }
0x78: {  	_ =	shalt  }
0x79: {  	_ =	shalt  }
0x7a: {  	_ =	shalt  }
0x7b: {  	_ =	shalt  }
0x7c: {  	_ =	shalt  }
0x7d: {  	_ =	shalt  }
0x7e: {  	_ =	shalt  }
0x7f: {  	_ =	shalt  }
0x80: {  	_ =	shalt  }
0x81: {  	_ =	shalt  }
0x82: {  	_ =	shalt  }
0x83: {  	_ =	shalt  }
0x84: {  	_ =	shalt  }
0x85: {  	_ =	shalt  }
0x86: {  	_ =	shalt  }
0x87: {  	_ =	shalt  }
.Lfunc_end0:
.L_simem_size_0:
called_computation.1_lowered:
.L_overlay_start_0:
0x88: {  	s2 =	sld [smem:$0x3FD9]  }
0x89: {  	s3 =	sld [smem:$0x3FFE];
	_ =	sdelay $0x1  }
0x8a: {  	s1 =	srdreg.scid  }
0x8b: {  	s0 =	sand.u32 $0x1, s1  }
0x8c: {  	s17 =	sshll.u32 s0, $0xA;
	s2 =	sadd.s32 s3, s2  }
0x8d: {  	s2 =	sadd.s32 s2, s17  }
0x8e: {  	[smem:$0x3FBB] =	sst s2  }
0x8f: {  	_ = 	snop  }
0x90: {  	s2 =	sld [smem:$0x3FD0];
	(tm) =	ssettm $0x1  }
0x91: {  	s18 =	sld [smem:$0x3FFB];
	_ =	sdelay $0x3  }
0x92: {  	_ =	strace s18  }
0x93: {  	s3 =	sld [smem:$0x3FFC];
	_ =	sdelay $0x3  }
0x94: {  	_ =	strace s3  }
0x95: {  	s3 =	sld [smem:$0x3FFD];
	_ =	sdelay $0x3  }
0x96: {  	_ =	strace s3  }
0x97: {  	_ =	strace $0x8FFFFFFF  }
0x98: {  	s19 =	sld [smem:$0x3FDB];
	_ =	sdelay $0x1  }
0x99: {  	s4 =	simm.s32 $_scs_section_size  }
0x9a: {  	s5 =	simm.s32 $_size__tile_overlayer_lowered;
	s6 =	simm.s32 $_tile_overlayer_lowered  }
0x9b: {  	s22 =	simm.s32 $0x1BFF;
	s21 =	sshll.u32 s6, $0x1;
	s3 =	sadd.s32 s4, s19  }
0x9c: {  	s7 =	simm.s32 $0x0;
	s20 =	sshll.u32 s5, $0x1;
	s5 =	sadd.s32 s21, s3  }
0x9d: {  	[timem:s7], [sflag:s22] =	dma.local [hbm:s5], s20  }
0x9e: {  	_ =	swait.ge [sflag:s22], s20  }
0x9f: {  	s4 =	ssub.s32 $0x0, s20;
	[sflag:s22] =	ssyncset.done $0x0  }
0xa0: {  	[sflag:s22] =	ssyncadd.s32 s4;
	_ =	sdelay $0x1  }
0xa1: {  	s23 =	simm.s32 $0x1B8B  }
0xa2: {  	_ =	swait.ge [sflag:s23], $0x1  }
0xa3: {  	[sflag:s23] =	ssyncset.done $0x0  }
0xa4: {  	s25 =	simm.s32 $0x1B8E;
	s24 =	sld [smem:$0x3FFE];
	[sflag:s23] =	ssyncadd.s32 $0xFFFFFFFF  }
0xa5: {  	s26 =	simm.s32 $execute0_lowered;
	[smem:$0x3FD2] =	sst s25  }
0xa6: {  	s5 =	sshll.u32 s26, $0x1;
	_ =	strace $0x80000049;
	[dreg:$0x1] =	wrdreg $0xFFFFFFFF  }
0xa7: {  	s28 =	simm.s32 $_size_execute0_lowered;
	s3 =	sadd.s32 s3, s5;
	[dreg:$0x0] =	wrdreg $0x0  }
0xa8: {  	s5 =	sshll.u32 s28, $0x1;
	[dreg:$0x2] =	wrdreg s3  }
0xa9: {  	[dreg:$0x3] =	wrdreg s5  }
0xaa: {  	[dreg:$0x4] =	wrdreg $0xC0  }
0xab: {  	_ =	task [dreg:s7], $0x5FFFF  }
0xac: {  	[dreg:$0x1] =	wrdreg $0xFFFFFFFF  }
0xad: {  	[dreg:$0x0] =	wrdreg $0x60  }
0xae: {  	[dreg:$0x2] =	wrdreg s24  }
0xaf: {  	[dreg:$0x3] =	wrdreg s2  }
0xb0: {  	[dreg:$0x4] =	wrdreg $0xB2000  }
0xb1: {  	[dreg:$0x5] =	wrdreg $0x9  }
0xb2: {  	_ =	task.clear_ibuf [dreg:s7], $0x6FFFF;
	_ =	strace $0x90000049  }
0xb3: {  	s29 =	simm.s32 $0x9;
	_ =	strace $0x8000004B  }
0xb4: {  	_ =	swait.ge [sflag:s29], $0x1  }
0xb5: {  	[sflag:s29] =	ssyncadd.s32 $0xFFFFFFFF  }
0xb6: {  	_ =	strace $0x9000004B  }
0xb7: {  	_ =	sfence  }
0xb8: {  	s30 =	sld [smem:$0x0];
	_ =	sdelay $0x2  }
0xb9: {  	s31 =	sshll.u32 s1, $0xD;
	s1 =	sshrl.u32 s1, $0x2  }
0xba: {  	s3 =	sand.u32 $0x4000, s31;
	s1 =	sadd.s32 s1, s30  }
0xbb: {  	s0 =	sor.u32 s3, s0;
	s1 =	sshll.u32 s1, $0x11  }
0xbc: {  	s0 =	sor.u32 s1, s0  }
0xbd: {  	s0 =	sadd.s32 $0x8F2B, s0  }
0xbe: {  	[sflag:s0] =	ssyncadd.remote.s32 $0x1  }
0xbf: {  	_ =	sfence.sel $0xFFFF  }
0xc0: {  	[dreg:$0x0] =	wrdreg $0xFFFFFFFF;
	(pc) =	sbr.abs _section_cstart, $3  }
0xc1: {  	[dreg:$0x1] =	wrdreg $0xFFFFFFFF  }
0xc2: {  	_ =	task.clear_ibuf [dreg:s7], $0x2FFFF;
	_ =	strace $0x9FFFFFFF  }
0xc3: {  	(tm) =	ssettm $0x7FFFFFFF  }
tec
execute0_lowered:
.L_overlay_start_1:
0x0: {  	(tag) =	ssettag $0x1  }
0x1: {  	s0 =	rddreg [dreg:$0x0]  }
0x2: {  	s2 =	rddreg [dreg:$0x2];
	s9 =	stileid.u32  }
0x3: {  	s1 =	srdreg.scid;
	s7 =	smul.u32 $0x14000, s9  }
0x4: {  	s1 =	sand.u32 $0x1, s1;
	s23 =	sshll.u32 s9, $0x1;
	s9 =	smul.u32 $0x50000, s9  }
0x5: {  	s4 =	simm.s32 $0x0;
	s3 =	smul.u32 $0x140000, s1;
	s8 =	sor.u32 s1, s23  }
0x6: {  	[smem:$0x7FF] =	sst s4;
	s10 =	smul.u32 $0x27100, s8  }
0x7: {  	s5 =	sadd.s32 $0x9DA800, s0;
	s9 =	sshrl.u32 s9, $0x2;
	s3 =	sadd.s32 s7, s3  }
0x8: {  	s7 =	smul.u32 $0x2710, s8;
	s8 =	sadd.s32 s9, s2;
	s25 =	sadd.s32 s5, s10  }
0x9: {  	_ =	strace $0x8000004A;
	s10 =	sadd.s32 $0x1000, s8;
	[dreg:$0x4] =	wrdreg s25  }
0xa: {  	s11 =	sadd.s32 $0x2000, s8;
	[dreg:$0x9] =	wrdreg s10  }
0xb: {  	s14 =	sadd.s32 $0x3000, s8;
	[dreg:$0xa] =	wrdreg s11  }
0xc: {  	s28 =	simm.s32 $0x0;
	s15 =	sadd.s32 $0x4000, s8;
	[dreg:$0xb] =	wrdreg s14  }
0xd: {  	s29 =	simm.s32 $0x0;
	s16 =	sadd.s32 $0x5000, s8;
	[dreg:$0xc] =	wrdreg s15  }
0xe: {  	s6 =	sadd.s32 $0xCA00, s0;
	s17 =	sadd.s32 $0x6000, s8;
	[dreg:$0xd] =	wrdreg s16  }
0xf: {  	s1 =	ssub.s32 $0x2, s1;
	s18 =	sadd.s32 $0x7000, s8;
	[dreg:$0xe] =	wrdreg s17  }
0x10: {  	s24 =	sshrl.u32 s1, $0x1;
	s19 =	sadd.s32 $0x8000, s8;
	[dreg:$0xf] =	wrdreg s18  }
0x11: {  	s1 =	ssub.s32 s1, s24;
	s20 =	sadd.s32 $0x9000, s8;
	[dreg:$0x10] =	wrdreg s19  }
0x12: {  	s3 =	sshrl.u32 s3, $0x3;
	s21 =	sadd.s32 $0xA000, s8;
	[dreg:$0x11] =	wrdreg s20  }
0x13: {  	s22 =	sadd.s32 $0xB000, s8;
	s23 =	sadd.s32 $0xC000, s8;
	[dreg:$0x12] =	wrdreg s21  }
0x14: {  	s24 =	sadd.s32 $0xD000, s8;
	s0 =	sadd.s32 s3, s0;
	[dreg:$0x13] =	wrdreg s22  }
0x15: {  	s9 =	sadd.s32 $0x50, s7;
	s30 =	sshrl.u32 s7, $0x3;
	[dreg:$0x14] =	wrdreg s23  }
0x16: {  	s12 =	sadd.s32 $0xA0, s7;
	s13 =	sadd.s32 $0xF0, s7;
	[dreg:$0x15] =	wrdreg s24  }
0x17: {  	s25 =	sadd.s32 $0xE000, s8;
	s10 =	sadd.s32 $0x12000, s8;
	s11 =	sadd.s32 $0x13000, s8  }
0x18: {  	s14 =	simm.s32 $0xA200;
	s15 =	simm.s32 $0x7;
	s16 =	simm.s32 $0x100  }
0x19: {  	s17 =	simm.s32 $0x1;
	s18 =	simm.s32 $0x5;
	s19 =	simm.s32 $0x50  }
0x1a: {  	s26 =	sshll.u32 s9, $0x4;
	s0 =	sadd.s32 $0x20C00, s0;
	[dreg:$0x16] =	wrdreg s25  }
0x1b: {  	s31 =	sadd.s32 s6, s30;
	s30 =	sadd.s32 $0x10000, s8;
	[dreg:$0x7] =	wrdreg s0  }
0x1c: {  	s20 =	simm.s32 $0x5100;
	s3 =	sadd.s32 s5, s26;
	[dreg:$0x18] =	wrdreg s30  }
0x1d: {  	s21 =	simm.s32 $0x80;
	s26 =	sadd.s32 $0xF000, s8;
	[dreg:$0x5] =	wrdreg s3  }
0x1e: {  	s22 =	simm.s32 $0x2;
	s3 =	sadd.s32 $0x4D8, s31;
	[dreg:$0x17] =	wrdreg s26  }
0x1f: {  	s23 =	simm.s32 $0x6;
	s31 =	sadd.s32 $0x11000, s8;
	[dreg:$0x6] =	wrdreg s3  }
0x20: {  	s24 =	simm.s32 $0x7900;
	s3 =	smax.u32 s1, $0x1;
	[dreg:$0x19] =	wrdreg s31  }
0x21: {  	v0 =	vimm.f32 $0.0e+00;
	s25 =	simm.s32 $0x3;
	s26 =	simm.s32 $0x4;
	[dreg:$0x8] =	wrdreg s3  }
.LBB2_1:
0x22: {  	s0 =	simm.s32 $0x0;
	s1 =	simm.s32 $0x200  }
.LBB2_2:
0x23: {  	p0 =	sne.s32 s1, $0x3E00;
	[tilespmem:s0+$0xA270] =	vst v0  }
0x24: {  	[tilespmem:s0+$0xA200] =	vst v0  }
0x25: {  	[tilespmem:s0+$0xA210] =	vst v0  }
.Ltmp0:
0x26: {  	[tilespmem:s0+$0xA220] =	vst v0;
	(pc) =	sbr.rel @p0 .LBB2_2-.Ltmp0, $4  }
0x27: {  	[tilespmem:s0+$0xA230] =	vst v0  }
0x28: {  	[tilespmem:s0+$0xA240] =	vst v0  }
0x29: {  	[tilespmem:s0+$0xA250] =	vst v0  }
0x2a: {  	[tilespmem:s0+$0xA260] =	vst v0;
	s0 =	sshra.s32 s1, $0x2;
	s1 =	sadd.s32 $0x200, s1  }
0x2b: {  	[tilespmem:s0+$0xA270] =	vst v0  }
0x2c: {  	[tilespmem:s0+$0xA200] =	vst v0  }
0x2d: {  	[tilespmem:s0+$0xA210] =	vst v0  }
0x2e: {  	[tilespmem:s0+$0xA220] =	vst v0  }
0x2f: {  	[tilespmem:s0+$0xA230] =	vst v0  }
0x30: {  	[tilespmem:s0+$0xA240] =	vst v0  }
0x31: {  	[tilespmem:s0+$0xA250] =	vst v0  }
0x32: {  	[tilespmem:s0+$0xA260] =	vst v0  }
0x33: {  	[spmem:s8] =	stream.linear.scatter [tilespmem:s14], [sflag:$0x7], $0x1000, $0x38;
	[tilespmem:$0x1F200] =	vst v63  }
0x34: {  	_ =	swait.ge [sflag:s15], $0x1000  }
0x35: {  	[sflag:s15] =	ssyncset.done $0x0  }
0x36: {  	s1 =	rddreg [dreg:$0x9];
	[sflag:s15] =	ssyncadd.s32 $0xFFFFF000  }
0x37: {  	[spmem:s1] =	stream.linear.scatter [tilespmem:s14], [sflag:$0x7], $0x1000, $0x38;
	[tilespmem:$0x1F200] =	vst v63  }
0x38: {  	_ =	swait.ge [sflag:s15], $0x1000  }
0x39: {  	[sflag:s15] =	ssyncset.done $0x0  }
0x3a: {  	s3 =	rddreg [dreg:$0xa];
	[sflag:s15] =	ssyncadd.s32 $0xFFFFF000  }
0x3b: {  	[spmem:s3] =	stream.linear.scatter [tilespmem:s14], [sflag:$0x7], $0x1000, $0x38;
	[tilespmem:$0x1F200] =	vst v63  }
0x3c: {  	_ =	swait.ge [sflag:s15], $0x1000  }
0x3d: {  	[sflag:s15] =	ssyncset.done $0x0  }
0x3e: {  	s31 =	rddreg [dreg:$0xb];
	[sflag:s15] =	ssyncadd.s32 $0xFFFFF000  }
0x3f: {  	[spmem:s31] =	stream.linear.scatter [tilespmem:s14], [sflag:$0x7], $0x1000, $0x38;
	[tilespmem:$0x1F200] =	vst v63  }
0x40: {  	_ =	swait.ge [sflag:s15], $0x1000  }
0x41: {  	[sflag:s15] =	ssyncset.done $0x0  }
0x42: {  	s1 =	rddreg [dreg:$0xc];
	[sflag:s15] =	ssyncadd.s32 $0xFFFFF000  }
0x43: {  	[spmem:s1] =	stream.linear.scatter [tilespmem:s14], [sflag:$0x7], $0x1000, $0x38;
	[tilespmem:$0x1F200] =	vst v63  }
0x44: {  	_ =	swait.ge [sflag:s15], $0x1000  }
0x45: {  	[sflag:s15] =	ssyncset.done $0x0  }
0x46: {  	s3 =	rddreg [dreg:$0xd];
	[sflag:s15] =	ssyncadd.s32 $0xFFFFF000  }
0x47: {  	[spmem:s3] =	stream.linear.scatter [tilespmem:s14], [sflag:$0x7], $0x1000, $0x38;
	[tilespmem:$0x1F200] =	vst v63  }
0x48: {  	_ =	swait.ge [sflag:s15], $0x1000  }
0x49: {  	[sflag:s15] =	ssyncset.done $0x0  }
0x4a: {  	s31 =	rddreg [dreg:$0xe];
	[sflag:s15] =	ssyncadd.s32 $0xFFFFF000  }
0x4b: {  	[spmem:s31] =	stream.linear.scatter [tilespmem:s14], [sflag:$0x7], $0x1000, $0x38;
	[tilespmem:$0x1F200] =	vst v63  }
0x4c: {  	_ =	swait.ge [sflag:s15], $0x1000  }
0x4d: {  	[sflag:s15] =	ssyncset.done $0x0  }
0x4e: {  	s1 =	rddreg [dreg:$0xf];
	[sflag:s15] =	ssyncadd.s32 $0xFFFFF000  }
0x4f: {  	[spmem:s1] =	stream.linear.scatter [tilespmem:s14], [sflag:$0x7], $0x1000, $0x38;
	[tilespmem:$0x1F200] =	vst v63  }
0x50: {  	_ =	swait.ge [sflag:s15], $0x1000  }
0x51: {  	[sflag:s15] =	ssyncset.done $0x0  }
0x52: {  	s3 =	rddreg [dreg:$0x10];
	[sflag:s15] =	ssyncadd.s32 $0xFFFFF000  }
0x53: {  	[spmem:s3] =	stream.linear.scatter [tilespmem:s14], [sflag:$0x7], $0x1000, $0x38;
	[tilespmem:$0x1F200] =	vst v63  }
0x54: {  	_ =	swait.ge [sflag:s15], $0x1000  }
0x55: {  	[sflag:s15] =	ssyncset.done $0x0  }
0x56: {  	s31 =	rddreg [dreg:$0x11];
	[sflag:s15] =	ssyncadd.s32 $0xFFFFF000  }
0x57: {  	[spmem:s31] =	stream.linear.scatter [tilespmem:s14], [sflag:$0x7], $0x1000, $0x38;
	[tilespmem:$0x1F200] =	vst v63  }
0x58: {  	_ =	swait.ge [sflag:s15], $0x1000  }
0x59: {  	[sflag:s15] =	ssyncset.done $0x0  }
0x5a: {  	s1 =	rddreg [dreg:$0x12];
	[sflag:s15] =	ssyncadd.s32 $0xFFFFF000  }
0x5b: {  	[spmem:s1] =	stream.linear.scatter [tilespmem:s14], [sflag:$0x7], $0x1000, $0x38;
	[tilespmem:$0x1F200] =	vst v63  }
0x5c: {  	_ =	swait.ge [sflag:s15], $0x1000  }
0x5d: {  	[sflag:s15] =	ssyncset.done $0x0  }
0x5e: {  	s3 =	rddreg [dreg:$0x13];
	[sflag:s15] =	ssyncadd.s32 $0xFFFFF000  }
0x5f: {  	[spmem:s3] =	stream.linear.scatter [tilespmem:s14], [sflag:$0x7], $0x1000, $0x38;
	[tilespmem:$0x1F200] =	vst v63  }
0x60: {  	_ =	swait.ge [sflag:s15], $0x1000  }
0x61: {  	[sflag:s15] =	ssyncset.done $0x0  }
0x62: {  	s31 =	rddreg [dreg:$0x14];
	[sflag:s15] =	ssyncadd.s32 $0xFFFFF000  }
0x63: {  	[spmem:s31] =	stream.linear.scatter [tilespmem:s14], [sflag:$0x7], $0x1000, $0x38;
	[tilespmem:$0x1F200] =	vst v63  }
0x64: {  	_ =	swait.ge [sflag:s15], $0x1000  }
0x65: {  	[sflag:s15] =	ssyncset.done $0x0  }
0x66: {  	s1 =	rddreg [dreg:$0x15];
	[sflag:s15] =	ssyncadd.s32 $0xFFFFF000  }
0x67: {  	[spmem:s1] =	stream.linear.scatter [tilespmem:s14], [sflag:$0x7], $0x1000, $0x38;
	[tilespmem:$0x1F200] =	vst v63  }
0x68: {  	_ =	swait.ge [sflag:s15], $0x1000  }
0x69: {  	[sflag:s15] =	ssyncset.done $0x0  }
0x6a: {  	s3 =	rddreg [dreg:$0x16];
	[sflag:s15] =	ssyncadd.s32 $0xFFFFF000  }
0x6b: {  	[spmem:s3] =	stream.linear.scatter [tilespmem:s14], [sflag:$0x7], $0x1000, $0x38;
	[tilespmem:$0x1F200] =	vst v63  }
0x6c: {  	_ =	swait.ge [sflag:s15], $0x1000  }
0x6d: {  	[sflag:s15] =	ssyncset.done $0x0  }
0x6e: {  	s31 =	rddreg [dreg:$0x17];
	[sflag:s15] =	ssyncadd.s32 $0xFFFFF000  }
0x6f: {  	[spmem:s31] =	stream.linear.scatter [tilespmem:s14], [sflag:$0x7], $0x1000, $0x38;
	[tilespmem:$0x1F200] =	vst v63  }
0x70: {  	_ =	swait.ge [sflag:s15], $0x1000  }
0x71: {  	[sflag:s15] =	ssyncset.done $0x0  }
0x72: {  	s1 =	rddreg [dreg:$0x18];
	[sflag:s15] =	ssyncadd.s32 $0xFFFFF000  }
0x73: {  	[spmem:s1] =	stream.linear.scatter [tilespmem:s14], [sflag:$0x7], $0x1000, $0x38;
	[tilespmem:$0x1F200] =	vst v63  }
0x74: {  	_ =	swait.ge [sflag:s15], $0x1000  }
0x75: {  	[sflag:s15] =	ssyncset.done $0x0  }
0x76: {  	s3 =	rddreg [dreg:$0x19];
	[sflag:s15] =	ssyncadd.s32 $0xFFFFF000  }
0x77: {  	[spmem:s3] =	stream.linear.scatter [tilespmem:s14], [sflag:$0x7], $0x1000, $0x38;
	[tilespmem:$0x1F200] =	vst v63  }
0x78: {  	_ =	swait.ge [sflag:s15], $0x1000  }
0x79: {  	[sflag:s15] =	ssyncset.done $0x0  }
0x7a: {  	[sflag:s15] =	ssyncadd.s32 $0xFFFFF000  }
0x7b: {  	[spmem:s10] =	stream.linear.scatter [tilespmem:s14], [sflag:$0x7], $0x1000, $0x38;
	[tilespmem:$0x1F200] =	vst v63  }
0x7c: {  	_ =	swait.ge [sflag:s15], $0x1000  }
0x7d: {  	[sflag:s15] =	ssyncset.done $0x0  }
0x7e: {  	[sflag:s15] =	ssyncadd.s32 $0xFFFFF000  }
0x7f: {  	[spmem:s11] =	stream.linear.scatter [tilespmem:s14], [sflag:$0x7], $0x1000, $0x38;
	[tilespmem:$0x1F200] =	vst v63  }
0x80: {  	_ =	swait.ge [sflag:s15], $0x1000  }
0x81: {  	[sflag:s15] =	ssyncset.done $0x0  }
0x82: {  	[sflag:s15] =	ssyncadd.s32 $0xFFFFF000  }
0x83: {  	s1 =	simm.s32 $0xA100;
	s31 =	rddreg [dreg:$0x1]  }
0x84: {  	[tilespmem:s1], [sflag:$0x7] =	stream.linear.gather [hbm4b:s31+s29], $0x100, $0x38;
	[tilespmem:$0x1F200] =	vst v63  }
0x85: {  	_ =	swait.ge [sflag:s15], $0x100  }
0x86: {  	[sflag:s15] =	ssyncset.done $0x0  }
0x87: {  	[sflag:s15] =	ssyncadd.s32 $0xFFFFFF00  }
0x88: {  	[bflag:$0x0] =	sbarrier.arrive $0xFFFF  }
0x89: {  	v14 =	vld [tilespmem:$0xA100]  }
0x8a: {  	v11 =	vld [tilespmem:$0xA110]  }
0x8b: {  	v9 =	vld [tilespmem:$0xA120]  }
0x8c: {  	v7 =	vld [tilespmem:$0xA130]  }
0x8d: {  	v6 =	vld [tilespmem:$0xA140]  }
0x8e: {  	v3 =	vld [tilespmem:$0xA150]  }
0x8f: {  	v1 =	vld [tilespmem:$0xA160]  }
0x90: {  	v15 =	vld [tilespmem:$0xA170]  }
0x91: {  	v13 =	vld [tilespmem:$0xA180]  }
0x92: {  	v12 =	vld [tilespmem:$0xA190]  }
0x93: {  	v10 =	vld [tilespmem:$0xA1A0]  }
0x94: {  	v8 =	vld [tilespmem:$0xA1B0]  }
0x95: {  	v5 =	vld [tilespmem:$0xA1C0]  }
0x96: {  	v4 =	vld [tilespmem:$0xA1D0]  }
0x97: {  	v2 =	vld [tilespmem:$0xA1E0];
	s1 =	rddreg [dreg:$0x4]  }
0x98: {  	v16 =	vld [tilespmem:$0xA1F0];
	[tilespmem:s16], [sflag:$0x1] =	stream.linear.gather [hbm4b:s1+s29], $0x2800, $0x38  }
0x99: {  	s30 =	simm.s32 $0x0;
	s31 =	simm.s32 $0x2900;
	s3 =	rddreg [dreg:$0x5]  }
0x9a: {  	[tilespmem:s31], [sflag:$0x2] =	stream.linear.gather [hbm4b:s3+s29], $0x2800, $0x38;
	[tilespmem:$0x1F200] =	vst v63  }
.LBB2_4:
0x9b: {  	p0 =	seq.s32 s30, $0x0;
	s31 =	smul.u32 $0xA0, s30  }
0x9c: {  	s0 =	simm.s32 @!p0 $0x3  }
0x9d: {  	_ =	swait.ge @!p0 [sflag:s0], $0x2800;
	s1 =	sadd.s32 s7, s31  }
0x9e: {  	[sflag:s0] =	ssyncset.done @!p0 $0x0;
	s1 =	sshrl.u32 s1, $0x3  }
0x9f: {  	[sflag:s0] =	ssyncadd.s32 @!p0 $0xFFFFD800;
	s3 =	sadd.s32 s6, s1  }
0xa0: {  	[tilespmem:s29], [sflag:$0x5] =	stream.linear.gather [hbm4b:s3+s29], $0x50, $0x38;
	[tilespmem:$0x1F200] =	vst v63  }
0xa1: {  	_ =	swait.ge [sflag:s17], $0x2800  }
0xa2: {  	[sflag:s17] =	ssyncset.done $0x0  }
0xa3: {  	s1 =	simm.s32 $0x0;
	[sflag:s17] =	ssyncadd.s32 $0xFFFFD800  }
0xa4: {  	v17 =	vld [tilespmem:s1+$0x130]  }
0xa5: {  	v18 =	vld [tilespmem:s1+$0x100]  }
0xa6: {  	v19 =	vld [tilespmem:s1+$0x110]  }
0xa7: {  	v20 =	vld [tilespmem:s1+$0x120];
	_ =	sdelay $0x1  }
0xa8: {  	v21 =	vunpack.i.u.bf16.f32 v17;
	v17 =	vunpack.i.l.bf16.f32 v17  }
0xa9: {  	v22 =	vunpack.i.u.bf16.f32 v18;
	v18 =	vunpack.i.l.bf16.f32 v18;
	v21 =	vmul.f32 v21, v15  }
0xaa: {  	v24 =	vunpack.i.u.bf16.f32 v19;
	v25 =	vunpack.i.l.bf16.f32 v19;
	v23 =	vmul.f32 v18, v14  }
0xab: {  	v18 =	vunpack.i.u.bf16.f32 v20;
	v20 =	vunpack.i.l.bf16.f32 v20;
	v26 =	vadd.f32 v21, v16  }
0xac: {  	v20 =	vmul.f32 v20, v6;
	v19 =	vadd.f32 v23, v13;
	v23 =	vmul.f32 v22, v11  }
0xad: {  	s0 =	simm.s32 $0x80;
	s3 =	simm.s32 $0x400;
	v21 =	vmul.f32 v25, v9;
	v22 =	vmul.f32 v24, v7;
	v24 =	vmax.f32 v26, $0.0e+00  }
.LBB2_5:
0xae: {  	p1 =	sne.s32 s3, $0x9E00;
	v25 =	vld [tilespmem:s0+$0x130];
	v23 =	vadd.f32 v23, v12;
	v18 =	vmul.f32 v18, v3;
	v17 =	vmul.f32 v17, v1;
	[tilespmem:s1+$0x5170] =	vst v24  }
0xaf: {  	v19 =	vmax.f32 v19, $0.0e+00;
	v21 =	vadd.f32 v21, v10;
	v24 =	vld [tilespmem:s0+$0x100];
	v22 =	vadd.f32 v22, v8  }
0xb0: {  	v20 =	vadd.f32 v20, v5;
	v26 =	vld [tilespmem:s0+$0x110];
	[tilespmem:s1+$0x5100] =	vst v19;
	v19 =	vmax.f32 v23, $0.0e+00;
	v18 =	vadd.f32 v18, v4  }
0xb1: {  	v23 =	vld [tilespmem:s0+$0x120];
	[tilespmem:s1+$0x5110] =	vst v19;
	v19 =	vmax.f32 v21, $0.0e+00;
	v21 =	vmax.f32 v22, $0.0e+00;
	v22 =	vadd.f32 v17, v2  }
0xb2: {  	[tilespmem:s1+$0x5120] =	vst v19;
	v19 =	vmax.f32 v20, $0.0e+00;
	v18 =	vmax.f32 v18, $0.0e+00  }
0xb3: {  	v20 =	vunpack.i.u.bf16.f32 v25;
	v17 =	vunpack.i.l.bf16.f32 v25;
	[tilespmem:s1+$0x5130] =	vst v21;
	v21 =	vmax.f32 v22, $0.0e+00  }
.Ltmp1:
0xb4: {  	v22 =	vunpack.i.u.bf16.f32 v24;
	v24 =	vunpack.i.l.bf16.f32 v24;
	v20 =	vmul.f32 v20, v15;
	[tilespmem:s1+$0x5140] =	vst v19;
	(pc) =	sbr.rel @p1 .LBB2_5-.Ltmp1, $4  }
0xb5: {  	v19 =	vmul.f32 v24, v14;
	v24 =	vunpack.i.u.bf16.f32 v26;
	v25 =	vunpack.i.l.bf16.f32 v26;
	[tilespmem:s1+$0x5150] =	vst v18  }
0xb6: {  	v18 =	vunpack.i.u.bf16.f32 v23;
	v26 =	vunpack.i.l.bf16.f32 v23;
	v27 =	vadd.f32 v20, v16;
	[tilespmem:s1+$0x5160] =	vst v21;
	s1 =	smov.u32 s0  }
0xb7: {  	v23 =	vmul.f32 v22, v11;
	v21 =	vmul.f32 v25, v9;
	v19 =	vadd.f32 v19, v13  }
0xb8: {  	s0 =	sshra.s32 s3, $0x2;
	s3 =	sadd.s32 $0x200, s3;
	v22 =	vmul.f32 v24, v7;
	v20 =	vmul.f32 v26, v6;
	v24 =	vmax.f32 v27, $0.0e+00  }
0xb9: {  	v25 =	vld [tilespmem:s0+$0x130];
	[tilespmem:s1+$0x5170] =	vst v24;
	v23 =	vadd.f32 v23, v12;
	v18 =	vmul.f32 v18, v3;
	v17 =	vmul.f32 v17, v1  }
0xba: {  	v19 =	vmax.f32 v19, $0.0e+00;
	v21 =	vadd.f32 v21, v10;
	v24 =	vld [tilespmem:s0+$0x100];
	v22 =	vadd.f32 v22, v8  }
0xbb: {  	v26 =	vld [tilespmem:s0+$0x110];
	[tilespmem:s1+$0x5100] =	vst v19;
	v19 =	vadd.f32 v20, v5;
	v18 =	vadd.f32 v18, v4  }
0xbc: {  	v20 =	vmax.f32 v23, $0.0e+00;
	v23 =	vld [tilespmem:s0+$0x120];
	v21 =	vmax.f32 v21, $0.0e+00;
	v17 =	vadd.f32 v17, v2  }
0xbd: {  	v22 =	vmax.f32 v22, $0.0e+00;
	v19 =	vmax.f32 v19, $0.0e+00;
	[tilespmem:s1+$0x5110] =	vst v20;
	v18 =	vmax.f32 v18, $0.0e+00  }
0xbe: {  	[tilespmem:s1+$0x5120] =	vst v21;
	v17 =	vmax.f32 v17, $0.0e+00;
	v20 =	vunpack.i.u.bf16.f32 v25;
	v25 =	vunpack.i.l.bf16.f32 v25  }
0xbf: {  	[tilespmem:s1+$0x5130] =	vst v22;
	v21 =	vunpack.i.u.bf16.f32 v24;
	v24 =	vunpack.i.l.bf16.f32 v24;
	v20 =	vmul.f32 v20, v15  }
0xc0: {  	[tilespmem:s1+$0x5140] =	vst v19;
	v22 =	vmul.f32 v24, v14;
	v24 =	vunpack.i.u.bf16.f32 v26;
	v26 =	vunpack.i.l.bf16.f32 v26  }
0xc1: {  	[tilespmem:s1+$0x5150] =	vst v18;
	v19 =	vunpack.i.u.bf16.f32 v23;
	v21 =	vmul.f32 v21, v11;
	v20 =	vadd.f32 v20, v16  }
0xc2: {  	[tilespmem:s1+$0x5160] =	vst v17;
	v18 =	vunpack.i.l.bf16.f32 v23;
	v17 =	vmul.f32 v24, v7;
	v22 =	vadd.f32 v22, v13  }
0xc3: {  	v23 =	vmul.f32 v26, v9;
	v21 =	vadd.f32 v21, v12;
	v20 =	vmax.f32 v20, $0.0e+00  }
0xc4: {  	v18 =	vmul.f32 v18, v6;
	v17 =	vadd.f32 v17, v8;
	[tilespmem:s0+$0x5170] =	vst v20;
	v20 =	vmax.f32 v22, $0.0e+00  }
0xc5: {  	v19 =	vmul.f32 v19, v3;
	v22 =	vadd.f32 v23, v10;
	[tilespmem:s0+$0x5100] =	vst v20;
	v20 =	vmax.f32 v21, $0.0e+00  }
0xc6: {  	v18 =	vadd.f32 v18, v5;
	v21 =	vmul.f32 v25, v1;
	v17 =	vmax.f32 v17, $0.0e+00;
	[tilespmem:s0+$0x5110] =	vst v20  }
0xc7: {  	v19 =	vadd.f32 v19, v4;
	v20 =	vmax.f32 v22, $0.0e+00;
	[tilespmem:s0+$0x5130] =	vst v17  }
0xc8: {  	v18 =	vmax.f32 v18, $0.0e+00;
	[tilespmem:s0+$0x5120] =	vst v20;
	v20 =	vadd.f32 v21, v2  }
0xc9: {  	s3 =	sadd.s32 s31, s12;
	v17 =	vmax.f32 v19, $0.0e+00;
	[tilespmem:s0+$0x5140] =	vst v18  }
0xca: {  	s1 =	sshll.u32 s3, $0x4;
	[tilespmem:s0+$0x5150] =	vst v17;
	v18 =	vmax.f32 v20, $0.0e+00  }
0xcb: {  	s1 =	sadd.s32 s5, s1;
	[tilespmem:s0+$0x5160] =	vst v18  }
0xcc: {  	[tilespmem:s16], [sflag:$0x1] =	stream.linear.gather [hbm4b:s1+s4], $0x2800, $0x38;
	[tilespmem:$0x1F200] =	vst v63  }
0xcd: {  	_ =	swait.ge [sflag:s18], $0x50  }
0xce: {  	[sflag:s18] =	ssyncset.done $0x0  }
0xcf: {  	s0 =	simm.s32 @!p0 $0x4;
	[sflag:s18] =	ssyncadd.s32 $0xFFFFFFB0  }
0xd0: {  	[spmem:s2] =	stream.indirect.scatter.add.f32 [tilespmem:s20], [sflag:$0x3], $0x80, s4, s19, $0xb8;
	[tilespmem:$0x1F200] =	vst v63  }
0xd1: {  	s3 =	sadd.s32 s31, s9;
	_ =	swait.ge @!p0 [sflag:s0], $0x2800  }
0xd2: {  	s1 =	sshrl.u32 s3, $0x3;
	[sflag:s0] =	ssyncset.done @!p0 $0x0  }
0xd3: {  	s3 =	simm.s32 $0x0;
	s1 =	sadd.s32 s6, s1;
	[sflag:s0] =	ssyncadd.s32 @!p0 $0xFFFFD800  }
0xd4: {  	[tilespmem:s21], [sflag:$0x6] =	stream.linear.gather [hbm4b:s1+s3], $0x50, $0x38;
	[tilespmem:$0x1F200] =	vst v63  }
0xd5: {  	_ =	swait.ge [sflag:s22], $0x2800  }
0xd6: {  	[sflag:s22] =	ssyncset.done $0x0  }
0xd7: {  	s1 =	simm.s32 $0x0;
	[sflag:s22] =	ssyncadd.s32 $0xFFFFD800  }
0xd8: {  	v17 =	vld [tilespmem:s1+$0x2930]  }
0xd9: {  	v18 =	vld [tilespmem:s1+$0x2900]  }
0xda: {  	v19 =	vld [tilespmem:s1+$0x2910]  }
0xdb: {  	v20 =	vld [tilespmem:s1+$0x2920];
	_ =	sdelay $0x1  }
0xdc: {  	v21 =	vunpack.i.u.bf16.f32 v17;
	v17 =	vunpack.i.l.bf16.f32 v17  }
0xdd: {  	v22 =	vunpack.i.u.bf16.f32 v18;
	v18 =	vunpack.i.l.bf16.f32 v18;
	v21 =	vmul.f32 v21, v15  }
0xde: {  	v24 =	vunpack.i.u.bf16.f32 v19;
	v25 =	vunpack.i.l.bf16.f32 v19;
	v23 =	vmul.f32 v18, v14  }
0xdf: {  	v18 =	vunpack.i.u.bf16.f32 v20;
	v20 =	vunpack.i.l.bf16.f32 v20;
	v26 =	vadd.f32 v21, v16  }
0xe0: {  	v20 =	vmul.f32 v20, v6;
	v19 =	vadd.f32 v23, v13;
	v23 =	vmul.f32 v22, v11  }
0xe1: {  	s0 =	simm.s32 $0x80;
	s3 =	simm.s32 $0x400;
	v21 =	vmul.f32 v25, v9;
	v22 =	vmul.f32 v24, v7;
	v24 =	vmax.f32 v26, $0.0e+00  }
.LBB2_7:
0xe2: {  	p0 =	sne.s32 s3, $0x9E00;
	v25 =	vld [tilespmem:s0+$0x2930];
	v23 =	vadd.f32 v23, v12;
	v18 =	vmul.f32 v18, v3;
	v17 =	vmul.f32 v17, v1;
	[tilespmem:s1+$0x7970] =	vst v24  }
0xe3: {  	v19 =	vmax.f32 v19, $0.0e+00;
	v21 =	vadd.f32 v21, v10;
	v24 =	vld [tilespmem:s0+$0x2900];
	v22 =	vadd.f32 v22, v8  }
0xe4: {  	v20 =	vadd.f32 v20, v5;
	v26 =	vld [tilespmem:s0+$0x2910];
	[tilespmem:s1+$0x7900] =	vst v19;
	v19 =	vmax.f32 v23, $0.0e+00;
	v18 =	vadd.f32 v18, v4  }
0xe5: {  	v23 =	vld [tilespmem:s0+$0x2920];
	[tilespmem:s1+$0x7910] =	vst v19;
	v19 =	vmax.f32 v21, $0.0e+00;
	v21 =	vmax.f32 v22, $0.0e+00;
	v22 =	vadd.f32 v17, v2  }
0xe6: {  	[tilespmem:s1+$0x7920] =	vst v19;
	v19 =	vmax.f32 v20, $0.0e+00;
	v18 =	vmax.f32 v18, $0.0e+00  }
0xe7: {  	v20 =	vunpack.i.u.bf16.f32 v25;
	v17 =	vunpack.i.l.bf16.f32 v25;
	[tilespmem:s1+$0x7930] =	vst v21;
	v21 =	vmax.f32 v22, $0.0e+00  }
.Ltmp2:
0xe8: {  	v22 =	vunpack.i.u.bf16.f32 v24;
	v24 =	vunpack.i.l.bf16.f32 v24;
	v20 =	vmul.f32 v20, v15;
	[tilespmem:s1+$0x7940] =	vst v19;
	(pc) =	sbr.rel @p0 .LBB2_7-.Ltmp2, $4  }
0xe9: {  	v19 =	vmul.f32 v24, v14;
	v24 =	vunpack.i.u.bf16.f32 v26;
	v25 =	vunpack.i.l.bf16.f32 v26;
	[tilespmem:s1+$0x7950] =	vst v18  }
0xea: {  	v18 =	vunpack.i.u.bf16.f32 v23;
	v26 =	vunpack.i.l.bf16.f32 v23;
	v27 =	vadd.f32 v20, v16;
	[tilespmem:s1+$0x7960] =	vst v21;
	s1 =	smov.u32 s0  }
0xeb: {  	v23 =	vmul.f32 v22, v11;
	v21 =	vmul.f32 v25, v9;
	v19 =	vadd.f32 v19, v13  }
0xec: {  	s0 =	sshra.s32 s3, $0x2;
	s3 =	sadd.s32 $0x200, s3;
	v22 =	vmul.f32 v24, v7;
	v20 =	vmul.f32 v26, v6;
	v24 =	vmax.f32 v27, $0.0e+00  }
0xed: {  	v25 =	vld [tilespmem:s0+$0x2930];
	[tilespmem:s1+$0x7970] =	vst v24;
	v23 =	vadd.f32 v23, v12;
	v18 =	vmul.f32 v18, v3;
	v17 =	vmul.f32 v17, v1  }
0xee: {  	v19 =	vmax.f32 v19, $0.0e+00;
	v21 =	vadd.f32 v21, v10;
	v24 =	vld [tilespmem:s0+$0x2900];
	v22 =	vadd.f32 v22, v8  }
0xef: {  	v26 =	vld [tilespmem:s0+$0x2910];
	[tilespmem:s1+$0x7900] =	vst v19;
	v19 =	vadd.f32 v20, v5;
	v18 =	vadd.f32 v18, v4  }
0xf0: {  	v51 =	vmax.f32 v23, $0.0e+00;
	v52 =	vld [tilespmem:s0+$0x2920];
	v21 =	vmax.f32 v21, $0.0e+00;
	v17 =	vadd.f32 v17, v2  }
0xf1: {  	v22 =	vmax.f32 v22, $0.0e+00;
	v19 =	vmax.f32 v19, $0.0e+00;
	v18 =	vmax.f32 v18, $0.0e+00  }
0xf2: {  	[tilespmem:s1+$0x7910] =	vst v51;
	v17 =	vmax.f32 v17, $0.0e+00;
	v53 =	vunpack.i.u.bf16.f32 v25;
	v25 =	vunpack.i.l.bf16.f32 v25  }
0xf3: {  	[tilespmem:s1+$0x7920] =	vst v21;
	v54 =	vunpack.i.u.bf16.f32 v24;
	v24 =	vunpack.i.l.bf16.f32 v24;
	v20 =	vmul.f32 v53, v15  }
0xf4: {  	[tilespmem:s1+$0x7930] =	vst v22;
	v56 =	vunpack.i.u.bf16.f32 v26;
	v26 =	vunpack.i.l.bf16.f32 v26;
	v55 =	vmul.f32 v24, v14  }
0xf5: {  	[tilespmem:s1+$0x7940] =	vst v19;
	v19 =	vunpack.i.u.bf16.f32 v52;
	v21 =	vmul.f32 v54, v11;
	v20 =	vadd.f32 v20, v16  }
0xf6: {  	[tilespmem:s1+$0x7950] =	vst v18;
	v18 =	vunpack.i.l.bf16.f32 v52;
	v57 =	vmul.f32 v26, v9;
	v22 =	vadd.f32 v55, v13  }
0xf7: {  	[tilespmem:s1+$0x7960] =	vst v17;
	v17 =	vmul.f32 v56, v7;
	v21 =	vadd.f32 v21, v12;
	v20 =	vmax.f32 v20, $0.0e+00  }
0xf8: {  	v18 =	vmul.f32 v18, v6;
	v59 =	vadd.f32 v57, v10;
	[tilespmem:s0+$0x7970] =	vst v20;
	v58 =	vmax.f32 v22, $0.0e+00  }
0xf9: {  	v19 =	vmul.f32 v19, v3;
	v17 =	vadd.f32 v17, v8;
	v60 =	vmax.f32 v21, $0.0e+00;
	[tilespmem:s0+$0x7900] =	vst v58  }
0xfa: {  	v61 =	vmul.f32 v25, v1;
	v18 =	vadd.f32 v18, v5;
	v62 =	vmax.f32 v59, $0.0e+00;
	[tilespmem:s0+$0x7910] =	vst v60  }
0xfb: {  	v19 =	vadd.f32 v19, v4;
	v17 =	vmax.f32 v17, $0.0e+00;
	[tilespmem:s0+$0x7920] =	vst v62  }
0xfc: {  	p0 =	seq.s32 s30, $0x3D;
	v63 =	vadd.f32 v61, v2;
	v18 =	vmax.f32 v18, $0.0e+00;
	[tilespmem:s0+$0x7930] =	vst v17  }
0xfd: {  	s1 =	sadd.s32 @!p0 s31, s13;
	v17 =	vmax.f32 v19, $0.0e+00;
	[tilespmem:s0+$0x7940] =	vst v18  }
0xfe: {  	s30 =	sadd.s32 $0x1, s30;
	s1 =	sshll.u32 @!p0 s1, $0x4;
	v18 =	vmax.f32 v63, $0.0e+00;
	[tilespmem:s0+$0x7950] =	vst v17  }
0xff: {  	s3 =	simm.s32 @!p0 $0x2900;
	[tilespmem:s0+$0x7960] =	vst v18;
	s0 =	sadd.s32 @!p0 s5, s1;
	s1 =	simm.s32 @!p0 $0x0  }
0x100: {  	[tilespmem:s3], [sflag:$0x2] =	stream.linear.gather @!p0 [hbm4b:s0+s1], $0x2800, $0x38;
	[tilespmem:$0x1F200] =	vst v63  }
0x101: {  	p0 =	sne.s32 s30, $0x3E  }
.Ltmp3:
0x102: {  	_ = 	snop;
	(pc) =	sbr.rel @p0 .LBB2_4-.Ltmp3, $4  }
0x103: {  	_ =	swait.ge [sflag:s23], $0x50  }
0x104: {  	[sflag:s23] =	ssyncset.done $0x0  }
0x105: {  	[sflag:s23] =	ssyncadd.s32 $0xFFFFFFB0  }
0x106: {  	[spmem:s2] =	stream.indirect.scatter.add.f32 [tilespmem:s24], [sflag:$0x4], $0x80, s21, s19, $0xb8;
	[tilespmem:$0x1F200] =	vst v63  }
0x107: {  	_ =	swait.ge [sflag:s25], $0x2800  }
0x108: {  	[sflag:s25] =	ssyncset.done $0x0  }
0x109: {  	s0 =	simm.s32 $0x0;
	s1 =	rddreg [dreg:$0x6];
	[sflag:s25] =	ssyncadd.s32 $0xFFFFD800  }
0x10a: {  	[tilespmem:s0], [sflag:$0x5] =	stream.linear.gather [hbm4b:s1+s0], $0x50, $0x38;
	[tilespmem:$0x1F200] =	vst v63  }
0x10b: {  	_ =	swait.ge [sflag:s17], $0x2800  }
0x10c: {  	[sflag:s17] =	ssyncset.done $0x0  }
0x10d: {  	s1 =	simm.s32 $0x0;
	[sflag:s17] =	ssyncadd.s32 $0xFFFFD800  }
0x10e: {  	v17 =	vld [tilespmem:s1+$0x130]  }
0x10f: {  	v18 =	vld [tilespmem:s1+$0x100]  }
0x110: {  	v19 =	vld [tilespmem:s1+$0x110]  }
0x111: {  	v20 =	vld [tilespmem:s1+$0x120];
	_ =	sdelay $0x1  }
0x112: {  	v21 =	vunpack.i.u.bf16.f32 v17;
	v17 =	vunpack.i.l.bf16.f32 v17  }
0x113: {  	v22 =	vunpack.i.u.bf16.f32 v18;
	v18 =	vunpack.i.l.bf16.f32 v18;
	v21 =	vmul.f32 v21, v15  }
0x114: {  	v24 =	vunpack.i.u.bf16.f32 v19;
	v25 =	vunpack.i.l.bf16.f32 v19;
	v23 =	vmul.f32 v18, v14  }
0x115: {  	v18 =	vunpack.i.u.bf16.f32 v20;
	v20 =	vunpack.i.l.bf16.f32 v20;
	v26 =	vadd.f32 v21, v16  }
0x116: {  	v20 =	vmul.f32 v20, v6;
	v19 =	vadd.f32 v23, v13;
	v23 =	vmul.f32 v22, v11  }
0x117: {  	s3 =	simm.s32 $0x400;
	s0 =	simm.s32 $0x80;
	v21 =	vmul.f32 v25, v9;
	v22 =	vmul.f32 v24, v7;
	v24 =	vmax.f32 v26, $0.0e+00  }
.LBB2_10:
0x118: {  	p0 =	sne.s32 s3, $0x9E00;
	v25 =	vld [tilespmem:s0+$0x130];
	v23 =	vadd.f32 v23, v12;
	v18 =	vmul.f32 v18, v3;
	v17 =	vmul.f32 v17, v1;
	[tilespmem:s1+$0x5170] =	vst v24  }
0x119: {  	v19 =	vmax.f32 v19, $0.0e+00;
	v21 =	vadd.f32 v21, v10;
	v24 =	vld [tilespmem:s0+$0x100];
	v22 =	vadd.f32 v22, v8  }
0x11a: {  	v20 =	vadd.f32 v20, v5;
	v26 =	vld [tilespmem:s0+$0x110];
	[tilespmem:s1+$0x5100] =	vst v19;
	v19 =	vmax.f32 v23, $0.0e+00;
	v18 =	vadd.f32 v18, v4  }
0x11b: {  	v23 =	vld [tilespmem:s0+$0x120];
	[tilespmem:s1+$0x5110] =	vst v19;
	v19 =	vmax.f32 v21, $0.0e+00;
	v21 =	vmax.f32 v22, $0.0e+00;
	v22 =	vadd.f32 v17, v2  }
0x11c: {  	[tilespmem:s1+$0x5120] =	vst v19;
	v19 =	vmax.f32 v20, $0.0e+00;
	v18 =	vmax.f32 v18, $0.0e+00  }
0x11d: {  	v20 =	vunpack.i.u.bf16.f32 v25;
	v17 =	vunpack.i.l.bf16.f32 v25;
	[tilespmem:s1+$0x5130] =	vst v21;
	v21 =	vmax.f32 v22, $0.0e+00  }
.Ltmp4:
0x11e: {  	v22 =	vunpack.i.u.bf16.f32 v24;
	v24 =	vunpack.i.l.bf16.f32 v24;
	v20 =	vmul.f32 v20, v15;
	[tilespmem:s1+$0x5140] =	vst v19;
	(pc) =	sbr.rel @p0 .LBB2_10-.Ltmp4, $4  }
0x11f: {  	v19 =	vmul.f32 v24, v14;
	v24 =	vunpack.i.u.bf16.f32 v26;
	v25 =	vunpack.i.l.bf16.f32 v26;
	[tilespmem:s1+$0x5150] =	vst v18  }
0x120: {  	v18 =	vunpack.i.u.bf16.f32 v23;
	v26 =	vunpack.i.l.bf16.f32 v23;
	v27 =	vadd.f32 v20, v16;
	[tilespmem:s1+$0x5160] =	vst v21;
	s1 =	smov.u32 s0  }
0x121: {  	v23 =	vmul.f32 v22, v11;
	v21 =	vmul.f32 v25, v9;
	v19 =	vadd.f32 v19, v13  }
0x122: {  	s0 =	sshra.s32 s3, $0x2;
	s3 =	sadd.s32 $0x200, s3;
	v22 =	vmul.f32 v24, v7;
	v20 =	vmul.f32 v26, v6;
	v24 =	vmax.f32 v27, $0.0e+00  }
0x123: {  	v25 =	vld [tilespmem:s0+$0x130];
	[tilespmem:s1+$0x5170] =	vst v24;
	v23 =	vadd.f32 v23, v12;
	v18 =	vmul.f32 v18, v3;
	v17 =	vmul.f32 v17, v1  }
0x124: {  	v19 =	vmax.f32 v19, $0.0e+00;
	v21 =	vadd.f32 v21, v10;
	v24 =	vld [tilespmem:s0+$0x100];
	v22 =	vadd.f32 v22, v8  }
0x125: {  	v26 =	vld [tilespmem:s0+$0x110];
	[tilespmem:s1+$0x5100] =	vst v19;
	v49 =	vadd.f32 v20, v5;
	v18 =	vadd.f32 v18, v4  }
0x126: {  	v50 =	vmax.f32 v23, $0.0e+00;
	v51 =	vld [tilespmem:s0+$0x120];
	v21 =	vmax.f32 v21, $0.0e+00;
	v17 =	vadd.f32 v17, v2  }
0x127: {  	v22 =	vmax.f32 v22, $0.0e+00;
	v19 =	vmax.f32 v49, $0.0e+00;
	v18 =	vmax.f32 v18, $0.0e+00  }
0x128: {  	[tilespmem:s1+$0x5110] =	vst v50;
	v17 =	vmax.f32 v17, $0.0e+00;
	v52 =	vunpack.i.u.bf16.f32 v25;
	v25 =	vunpack.i.l.bf16.f32 v25  }
0x129: {  	[tilespmem:s1+$0x5120] =	vst v21;
	v53 =	vunpack.i.u.bf16.f32 v24;
	v24 =	vunpack.i.l.bf16.f32 v24;
	v15 =	vmul.f32 v52, v15  }
0x12a: {  	[tilespmem:s1+$0x5130] =	vst v22;
	v54 =	vunpack.i.u.bf16.f32 v26;
	v55 =	vunpack.i.l.bf16.f32 v26;
	v1 =	vmul.f32 v25, v1  }
0x12b: {  	[tilespmem:s1+$0x5140] =	vst v19;
	v14 =	vmul.f32 v24, v14;
	v56 =	vunpack.i.u.bf16.f32 v51;
	v15 =	vadd.f32 v15, v16  }
0x12c: {  	[tilespmem:s1+$0x5150] =	vst v18;
	v11 =	vmul.f32 v53, v11;
	v57 =	vunpack.i.l.bf16.f32 v51;
	v1 =	vadd.f32 v1, v2  }
0x12d: {  	[tilespmem:s1+$0x5160] =	vst v17;
	v9 =	vmul.f32 v55, v9;
	v13 =	vadd.f32 v14, v13;
	v58 =	vmax.f32 v15, $0.0e+00  }
0x12e: {  	v7 =	vmul.f32 v54, v7;
	v11 =	vadd.f32 v11, v12;
	v1 =	vmax.f32 v1, $0.0e+00;
	[tilespmem:s0+$0x5170] =	vst v58  }
0x12f: {  	v6 =	vmul.f32 v57, v6;
	v9 =	vadd.f32 v9, v10;
	v59 =	vmax.f32 v13, $0.0e+00;
	[tilespmem:s0+$0x5160] =	vst v1  }
0x130: {  	v3 =	vmul.f32 v56, v3;
	v7 =	vadd.f32 v7, v8;
	v60 =	vmax.f32 v11, $0.0e+00;
	[tilespmem:s0+$0x5100] =	vst v59  }
0x131: {  	v61 =	vadd.f32 v6, v5;
	v62 =	vmax.f32 v9, $0.0e+00;
	[tilespmem:s0+$0x5110] =	vst v60  }
0x132: {  	v3 =	vadd.f32 v3, v4;
	v63 =	vmax.f32 v7, $0.0e+00;
	[tilespmem:s0+$0x5120] =	vst v62  }
0x133: {  	v2 =	vmax.f32 v61, $0.0e+00;
	[tilespmem:s0+$0x5130] =	vst v63  }
0x134: {  	v3 =	vmax.f32 v3, $0.0e+00;
	[tilespmem:s0+$0x5140] =	vst v2  }
0x135: {  	[tilespmem:s0+$0x5150] =	vst v3  }
0x136: {  	_ =	swait.ge [sflag:s18], $0x50  }
0x137: {  	[sflag:s18] =	ssyncset.done $0x0  }
0x138: {  	[sflag:s18] =	ssyncadd.s32 $0xFFFFFFB0  }
0x139: {  	[spmem:s2] =	stream.indirect.scatter.add.f32 [tilespmem:s20], [sflag:$0x3], $0x80, s4, s19, $0xb8;
	[tilespmem:$0x1F200] =	vst v63  }
0x13a: {  	_ =	swait.ge [sflag:s25], $0x2800  }
0x13b: {  	[sflag:s25] =	ssyncset.done $0x0  }
0x13c: {  	[sflag:s25] =	ssyncadd.s32 $0xFFFFD800  }
0x13d: {  	_ =	swait.ge [sflag:s26], $0x2800  }
0x13e: {  	[sflag:s26] =	ssyncset.done $0x0  }
0x13f: {  	s3 =	stileid.u32;
	[sflag:s26] =	ssyncadd.s32 $0xFFFFD800  }
0x140: {  	s0 =	sshll.u32 s3, $0x6;
	[bflag:$0x0] =	sbarrier.arrive $0xFFFF  }
0x141: {  	s30 =	sshrl.u32 s8, $0x3;
	s0 =	sor.u32 $0x1C07, s0;
	s3 =	rddreg [dreg:$0x7]  }
0x142: {  	[hbm:s3], [sflag:s0] =	dma.local [spmem:s30], $0x2800  }
0x143: {  	_ =	swait.ge [sflag:s15], $0x2800  }
0x144: {  	s28 =	sadd.s32 $0x1, s28;
	s31 =	rddreg [dreg:$0x8]  }
0x145: {  	p0 =	sne.s32 s28, s31  }
.Ltmp5:
0x146: {  	_ = 	snop;
	(pc) =	sbr.rel @p0 .LBB2_1-.Ltmp5, $3  }
0x147: {  	_ =	sdelay $0x1  }
0x148: {  	[sflag:s15] =	ssyncset.done $0x0  }
0x149: {  	[sflag:s15] =	ssyncadd.s32 $0xFFFFD800  }
0x14a: {  	_ =	sfence.sel $0x180000  }
0x14b: {  	[bflag:$0x0] =	sbarrier.arrive $0xFFFF  }
0x14c: {  	_ =	strace $0x9000004A  }
0x14d: {  	s0 =	stileid.u32;
	[bflag:$0x2] =	sbarrier.arrive $0xFFFF  }
0x14e: {  	p0 =	sne.s32 s0, $0x0;
	s0 =	rddreg [dreg:$0x3]  }
0x14f: {  	s0 =	sadd.s32 @!p0 $0x100000, s0  }
0x150: {  	[sflag:s0] =	ssyncadd.tile.s32 @!p0 $0x1;
	_ =	shalt  }
.Lfunc_end2:
_tile_overlayer_lowered:
.L_overlay_start_2:
0x151: {  	(tag) =	ssettag $0x2  }
0x152: {  	s0 =	rddreg [dreg:$0x0];
	s2 =	stileid.u32  }
0x153: {  	s1 =	rddreg [dreg:$0x1];
	p0 =	sne.s32 s2, $0x0  }
0x154: {  	s3 =	rddreg [dreg:$0x2];
	[bflag:$0x3] =	sbarrier.arrive $0xFFFF;
	s2 =	simm.s32 @!p0 $0x1C07  }
0x155: {  	[timem:s3], [sflag:s2] =	dma.local @!p0 [hbm:s0], s1  }
0x156: {  	s0 =	simm.s32 @!p0 $0x7  }
0x157: {  	_ =	swait.ge @!p0 [sflag:s0], s1  }
0x158: {  	s1 =	ssub.s32 @!p0 $0x0, s1;
	[sflag:s0] =	ssyncset.done @!p0 $0x0  }
0x159: {  	[sflag:s0] =	ssyncadd.s32 @!p0 s1  }
0x15a: {  	[bflag:$0x3] =	sbarrier.arrive $0xFFFF  }
0x15b: {  	_ =	shalt  }

// kernel: kernel.8.cloned.1.call-start
scs
__scs_entry_jumppad:
0x0: {  	(pc) =	sbr.rel $0x88, $3  }
0x1: {  	(tag) =	ssettag $0x0;
	lr =	simm.s32 $0x1  }
0x2: {  	[smem:$0x3F94] =	sst lr;
	_ =	strace $0xD0000000  }
0x3: {  	_ = 	snop  }
0x4: {  	_ = 	snop  }
0x5: {  	_ = 	snop  }
0x6: {  	_ = 	snop  }
0x7: {  	_ = 	snop  }
__scs_overlays_trampoline_lowered:
0x8: {  	[smem:$0x3FA3] =	sst s0  }
0x9: {  	[smem:$0x3FA4] =	sst s1  }
0xa: {  	[smem:$0x3FA5] =	sst s2  }
0xb: {  	[smem:$0x3FA6] =	sst s3  }
0xc: {  	[smem:$0x3FA7] =	sst s4  }
0xd: {  	[smem:$0x3FA8] =	sst s5  }
0xe: {  	[smem:$0x3FA9] =	sst s6  }
0xf: {  	[smem:$0x3FAA] =	sst s7  }
0x10: {  	[smem:$0x3FAB] =	sst s8  }
0x11: {  	[smem:$0x3FAC] =	sst s9;
	s0 =	simm.s32 @!p0 $0x0  }
0x12: {  	s1 =	sld [smem:$0x3F92];
	s0 =	simm.s32 @p0 $0x1  }
0x13: {  	[smem:$0x3FAD] =	sst s0;
	s0 =	simm.s32 @!p1 $0x0  }
0x14: {  	s2 =	sld [smem:$0x3F91];
	s0 =	simm.s32 @p1 $0x1  }
0x15: {  	[smem:$0x3FAE] =	sst s0;
	s0 =	simm.s32 @!p2 $0x0  }
0x16: {  	s3 =	sld [smem:$0x3FDB];
	s0 =	simm.s32 @p2 $0x1  }
0x17: {  	s4 =	simm.s32 $0x1BF5;
	[smem:$0x3FB0] =	sst s0  }
0x18: {  	s0 =	sld [smem:$0x3F93];
	_ =	swait.ge [sflag:s4], $0x0  }
0x19: {  	s7 =	sld [smem:$0x3F94]  }
0x1a: {  	s8 =	sadd.s32 $0xFFFFE003, lr  }
0x1b: {  	s9 =	sadd.s32 $0xFFFFFEF7, lr;
	s5 =	simm.s32 $0xFFFFFFFF;
	p2 =	slt.u32 s8, $0xFFFFF086  }
0x1c: {  	p1 =	slt.u32 s9, $0xF7A;
	s5 =	simm.s32 @!p2 $0x0  }
0x1d: {  	s5 =	simm.s32 @p1 $0x1;
	p0 =	seq.s32 s7, s2  }
0x1e: {  	s7 =	smul.u32 @!p0 $0xF7A, s2;
	p2 =	seq.s32 @!p0 s5, $0x0  }
0x1f: {  	s9 =	smul.u32 $0xF7A, s1;
	s8 =	simm.s32 @!p0 $0x1BF5;
	p2 =	por !p2, p0  }
0x20: {  	[sflag:s8] =	ssyncset.s32 @!p0 $0xFFFFF086;
	s6 =	sadd.s32 @!p0 s3, s7;
	s7 =	simm.s32 @!p0 $0x108  }
0x21: {  	s3 =	sadd.s32 s3, s9;
	s6 =	sadd.s32 @!p0 $0x88, s6;
	s7 =	simm.s32 @p2 $0x1082  }
0x22: {  	[simem:s7], [sflag:s8] =	dma.local @!p0 [hbm:s6], $0xF7A  }
0x23: {  	s9 =	sor.u32 $0xD0000000, s2;
	s6 =	simm.s32 $0x108;
	_ =	swait.ge @!p0 [sflag:s8], $0x0  }
0x24: {  	s3 =	sadd.s32 $0x88, s3;
	s6 =	simm.s32 @!p1 $0x1082;
	[sflag:s4] =	ssyncset.s32 $0xFFFFF086  }
0x25: {  	[simem:s6], [sflag:s4] =	dma.local [hbm:s3], $0xF7A  }
0x26: {  	[smem:$0x3F94] =	sst s1;
	(tag) =	ssettag s2;
	_ =	strace s9  }
0x27: {  	s1 =	sld [smem:$0x3FA4]  }
0x28: {  	s2 =	sld [smem:$0x3FA5]  }
0x29: {  	s4 =	sld [smem:$0x3FA7]  }
0x2a: {  	p0 =	seq.s32 s5, $0x0;
	s5 =	sld [smem:$0x3FA8]  }
0x2b: {  	s6 =	sld [smem:$0x3FA9]  }
0x2c: {  	s7 =	sld [smem:$0x3FAA]  }
0x2d: {  	s3 =	simm.s32 $0x108;
	s8 =	sld [smem:$0x3FAB]  }
0x2e: {  	s3 =	simm.s32 @!p0 $0x1082;
	s9 =	sld [smem:$0x3FAC]  }
0x2f: {  	lr =	sadd.s32 s0, s3;
	s0 =	sld [smem:$0x3FA3]  }
0x30: {  	s3 =	sld [smem:$0x3FA6]  }
0x31: {  	[smem:$0x3FAF] =	sst s10  }
0x32: {  	s10 =	sld [smem:$0x3FAD];
	_ =	sdelay $0x3  }
0x33: {  	p0 =	seq.s32 s10, $0x1;
	s10 =	sld [smem:$0x3FAF];
	_ =	sdelay $0x3  }
0x34: {  	[smem:$0x3FAF] =	sst s10  }
0x35: {  	s10 =	sld [smem:$0x3FAE];
	_ =	sdelay $0x3  }
0x36: {  	p1 =	seq.s32 s10, $0x1;
	s10 =	sld [smem:$0x3FAF];
	_ =	sdelay $0x3  }
0x37: {  	[smem:$0x3FAF] =	sst s10  }
0x38: {  	s10 =	sld [smem:$0x3FB0]  }
0x39: {  	_ = 	snop;
	(pc) =	sbr.ind lr, $3  }
0x3a: {  	_ = 	snop  }
0x3b: {  	_ = 	snop  }
0x3c: {  	p2 =	seq.s32 s10, $0x1;
	s10 =	sld [smem:$0x3FAF]  }
0x3d: {  	_ =	shalt  }
0x3e: {  	_ =	shalt  }
0x3f: {  	_ =	shalt  }
0x40: {  	_ =	shalt  }
0x41: {  	_ =	shalt  }
0x42: {  	_ =	shalt  }
0x43: {  	_ =	shalt  }
0x44: {  	_ =	shalt  }
0x45: {  	_ =	shalt  }
0x46: {  	_ =	shalt  }
0x47: {  	_ =	shalt  }
0x48: {  	_ =	shalt  }
0x49: {  	_ =	shalt  }
0x4a: {  	_ =	shalt  }
0x4b: {  	_ =	shalt  }
0x4c: {  	_ =	shalt  }
0x4d: {  	_ =	shalt  }
0x4e: {  	_ =	shalt  }
0x4f: {  	_ =	shalt  }
0x50: {  	_ =	shalt  }
0x51: {  	_ =	shalt  }
0x52: {  	_ =	shalt  }
0x53: {  	_ =	shalt  }
0x54: {  	_ =	shalt  }
0x55: {  	_ =	shalt  }
0x56: {  	_ =	shalt  }
0x57: {  	_ =	shalt  }
0x58: {  	_ =	shalt  }
0x59: {  	_ =	shalt  }
0x5a: {  	_ =	shalt  }
0x5b: {  	_ =	shalt  }
0x5c: {  	_ =	shalt  }
0x5d: {  	_ =	shalt  }
0x5e: {  	_ =	shalt  }
0x5f: {  	_ =	shalt  }
0x60: {  	_ =	shalt  }
0x61: {  	_ =	shalt  }
0x62: {  	_ =	shalt  }
0x63: {  	_ =	shalt  }
0x64: {  	_ =	shalt  }
0x65: {  	_ =	shalt  }
0x66: {  	_ =	shalt  }
0x67: {  	_ =	shalt  }
0x68: {  	_ =	shalt  }
0x69: {  	_ =	shalt  }
0x6a: {  	_ =	shalt  }
0x6b: {  	_ =	shalt  }
0x6c: {  	_ =	shalt  }
0x6d: {  	_ =	shalt  }
0x6e: {  	_ =	shalt  }
0x6f: {  	_ =	shalt  }
0x70: {  	_ =	shalt  }
0x71: {  	_ =	shalt  }
0x72: {  	_ =	shalt  }
0x73: {  	_ =	shalt  }
0x74: {  	_ =	shalt  }
0x75: {  	_ =	shalt  }
0x76: {  	_ =	shalt  }
0x77: {  	_ =	shalt  }
0x78: {  	_ =	shalt  }
0x79: {  	_ =	shalt  }
0x7a: {  	_ =	shalt  }
0x7b: {  	_ =	shalt  }
0x7c: {  	_ =	shalt  }
0x7d: {  	_ =	shalt  }
0x7e: {  	_ =	shalt  }
0x7f: {  	_ =	shalt  }
0x80: {  	_ =	shalt  }
0x81: {  	_ =	shalt  }
0x82: {  	_ =	shalt  }
0x83: {  	_ =	shalt  }
0x84: {  	_ =	shalt  }
0x85: {  	_ =	shalt  }
0x86: {  	_ =	shalt  }
0x87: {  	_ =	shalt  }
.Lfunc_end0:
.L_simem_size_0:
called_computation_lowered:
.L_overlay_start_0:
0x88: {  	s2 =	sld [smem:$0x3FD9]  }
0x89: {  	s3 =	sld [smem:$0x3FFE];
	_ =	sdelay $0x1  }
0x8a: {  	s1 =	srdreg.scid  }
0x8b: {  	s0 =	sand.u32 $0x1, s1  }
0x8c: {  	s17 =	sshll.u32 s0, $0xA;
	s2 =	sadd.s32 s3, s2  }
0x8d: {  	s2 =	sadd.s32 s2, s17  }
0x8e: {  	[smem:$0x3FBB] =	sst s2  }
0x8f: {  	_ = 	snop  }
0x90: {  	s2 =	sld [smem:$0x3FD0];
	(tm) =	ssettm $0x1  }
0x91: {  	s18 =	sld [smem:$0x3FFB];
	_ =	sdelay $0x3  }
0x92: {  	_ =	strace s18  }
0x93: {  	s3 =	sld [smem:$0x3FFC];
	_ =	sdelay $0x3  }
0x94: {  	_ =	strace s3  }
0x95: {  	s3 =	sld [smem:$0x3FFD];
	_ =	sdelay $0x3  }
0x96: {  	_ =	strace s3  }
0x97: {  	_ =	strace $0x8FFFFFFF  }
0x98: {  	s19 =	sld [smem:$0x3FDB];
	_ =	sdelay $0x1  }
0x99: {  	s4 =	simm.s32 $_scs_section_size  }
0x9a: {  	s5 =	simm.s32 $_size__tile_overlayer_lowered;
	s6 =	simm.s32 $_tile_overlayer_lowered  }
0x9b: {  	s22 =	simm.s32 $0x1BFF;
	s21 =	sshll.u32 s6, $0x1;
	s3 =	sadd.s32 s4, s19  }
0x9c: {  	s7 =	simm.s32 $0x0;
	s20 =	sshll.u32 s5, $0x1;
	s5 =	sadd.s32 s21, s3  }
0x9d: {  	[timem:s7], [sflag:s22] =	dma.local [hbm:s5], s20  }
0x9e: {  	_ =	swait.ge [sflag:s22], s20  }
0x9f: {  	s4 =	ssub.s32 $0x0, s20;
	[sflag:s22] =	ssyncset.done $0x0  }
0xa0: {  	[sflag:s22] =	ssyncadd.s32 s4;
	_ =	sdelay $0x1  }
0xa1: {  	s23 =	simm.s32 $0x1B8B  }
0xa2: {  	_ =	swait.ge [sflag:s23], $0x1  }
0xa3: {  	[sflag:s23] =	ssyncset.done $0x0  }
0xa4: {  	s25 =	simm.s32 $0x1B8E;
	s24 =	sld [smem:$0x3FFE];
	[sflag:s23] =	ssyncadd.s32 $0xFFFFFFFF  }
0xa5: {  	s26 =	simm.s32 $execute0_lowered;
	[smem:$0x3FD2] =	sst s25  }
0xa6: {  	s5 =	sshll.u32 s26, $0x1;
	_ =	strace $0x80000046;
	[dreg:$0x1] =	wrdreg $0xFFFFFFFF  }
0xa7: {  	s28 =	simm.s32 $_size_execute0_lowered;
	s3 =	sadd.s32 s3, s5;
	[dreg:$0x0] =	wrdreg $0x0  }
0xa8: {  	s5 =	sshll.u32 s28, $0x1;
	[dreg:$0x2] =	wrdreg s3  }
0xa9: {  	[dreg:$0x3] =	wrdreg s5  }
0xaa: {  	[dreg:$0x4] =	wrdreg $0xC0  }
0xab: {  	_ =	task [dreg:s7], $0x5FFFF  }
0xac: {  	[dreg:$0x1] =	wrdreg $0xFFFFFFFF  }
0xad: {  	[dreg:$0x0] =	wrdreg $0x60  }
0xae: {  	[dreg:$0x2] =	wrdreg s2  }
0xaf: {  	[dreg:$0x3] =	wrdreg s24  }
0xb0: {  	[dreg:$0x4] =	wrdreg $0x9  }
0xb1: {  	_ =	task.clear_ibuf [dreg:s7], $0x5FFFF;
	_ =	strace $0x90000046  }
0xb2: {  	s29 =	simm.s32 $0x9;
	_ =	strace $0x80000048  }
0xb3: {  	_ =	swait.ge [sflag:s29], $0x1  }
0xb4: {  	[sflag:s29] =	ssyncadd.s32 $0xFFFFFFFF  }
0xb5: {  	_ =	strace $0x90000048  }
0xb6: {  	_ =	sfence  }
0xb7: {  	s30 =	sld [smem:$0x0];
	_ =	sdelay $0x2  }
0xb8: {  	s31 =	sshll.u32 s1, $0xD;
	s1 =	sshrl.u32 s1, $0x2  }
0xb9: {  	s3 =	sand.u32 $0x4000, s31;
	s1 =	sadd.s32 s1, s30  }
0xba: {  	s0 =	sor.u32 s3, s0;
	s1 =	sshll.u32 s1, $0x11  }
0xbb: {  	s0 =	sor.u32 s1, s0  }
0xbc: {  	s0 =	sadd.s32 $0x8F2B, s0  }
0xbd: {  	[sflag:s0] =	ssyncadd.remote.s32 $0x1  }
0xbe: {  	_ =	sfence.sel $0xFFFF  }
0xbf: {  	[dreg:$0x0] =	wrdreg $0xFFFFFFFF;
	(pc) =	sbr.abs _section_cstart, $3  }
0xc0: {  	[dreg:$0x1] =	wrdreg $0xFFFFFFFF  }
0xc1: {  	_ =	task.clear_ibuf [dreg:s7], $0x2FFFF;
	_ =	strace $0x9FFFFFFF  }
0xc2: {  	(tm) =	ssettm $0x7FFFFFFF  }
0xc3: {  	_ =	shalt  }
tec
execute0_lowered:
.L_overlay_start_1:
0x0: {  	(tag) =	ssettag $0x1  }
0x1: {  	s2 =	rddreg [dreg:$0x0]  }
0x2: {  	s0 =	rddreg [dreg:$0x1];
	s1 =	srdreg.scid  }
0x3: {  	s5 =	stileid.u32;
	s3 =	simm.s32 $0x0;
	s15 =	simm.s32 $0x7  }
0x4: {  	s17 =	simm.s32 $0x50;
	s18 =	simm.s32 $0x4F00;
	s19 =	simm.s32 $0x9F00  }
0x5: {  	s20 =	simm.s32 $0x7700;
	s21 =	simm.s32 $0xC700;
	s28 =	simm.s32 $0x4  }
0x6: {  	s29 =	simm.s32 $0x11700;
	s30 =	simm.s32 $0x5;
	s31 =	simm.s32 $0x6  }
0x7: {  	s1 =	sand.u32 $0x1, s1;
	s4 =	sshll.u32 s5, $0x1;
	[smem:$0x7FF] =	sst s3  }
0x8: {  	s7 =	sshrl.u32 s5, $0x2;
	s5 =	sadd.s32 $0x4F8800, s0;
	s6 =	sor.u32 s1, s4  }
0x9: {  	_ =	strace $0x80000047;
	s7 =	smul.u32 $0x14000, s7;
	s1 =	ssub.s32 $0x2, s1  }
0xa: {  	s4 =	smul.u32 $0x2710, s6;
	s8 =	sshll.u32 s6, $0x7;
	s10 =	sshll.u32 s6, $0x5  }
0xb: {  	s11 =	smul.u32 $0x27100, s6;
	s6 =	sadd.s32 $0x9DA800, s0;
	s22 =	sshrl.u32 s1, $0x1  }
0xc: {  	s8 =	sand.u32 $0x380, s8;
	s10 =	sadd.s32 s10, s0;
	s9 =	sshrl.u32 s4, $0x3  }
0xd: {  	s7 =	sor.u32 s7, s8;
	s8 =	sadd.s32 s5, s11;
	s26 =	sadd.s32 s6, s11  }
0xe: {  	s12 =	sadd.s32 $0x16800, s10;
	s9 =	sadd.s32 s9, s0;
	s7 =	sshrl.u32 s7, $0x3  }
0xf: {  	s25 =	sadd.s32 $0x500, s8;
	s7 =	sadd.s32 s7, s0;
	s0 =	ssub.s32 s1, s22  }
0x10: {  	s23 =	sadd.s32 $0x2C00, s9;
	s24 =	sadd.s32 $0xCA00, s9;
	[dreg:$0x5] =	wrdreg s25  }
0x11: {  	s1 =	sadd.s32 $0x26C00, s26;
	s22 =	simm.s32 $0x1;
	[dreg:$0x3] =	wrdreg s23  }
0x12: {  	s25 =	simm.s32 $0xEF00;
	s26 =	simm.s32 $0x2;
	[dreg:$0x4] =	wrdreg s24  }
0x13: {  	[dreg:$0x6] =	wrdreg s1;
	s13 =	sadd.s32 $0x16C00, s7;
	s14 =	smax.u32 s0, $0x1  }
0x14: {  	v0 =	vimm.f32 $0.0e+00;
	v1 =	vimm.f32 $1.000000000e+00;
	s23 =	simm.s32 $0x3;
	s24 =	simm.s32 $0x14000;
	s0 =	simm.s32 $0x0  }
.LBB2_1:
0x15: {  	s1 =	simm.s32 $0x40;
	s7 =	simm.s32 $0x0  }
.LBB2_2:
0x16: {  	p0 =	sne.s32 s1, $0x9FC0;
	[tilespmem:s7+$0x14000] =	vst v0;
	s7 =	smov.u32 s1;
	s1 =	sadd.s32 $0x40, s1  }
.Ltmp0:
0x17: {  	(pc) =	sbr.rel @p0 .LBB2_2-.Ltmp0, $2  }
0x18: {  	_ =	sdelay $0x2  }
0x19: {  	s7 =	sshra.s32 s7, $0x2  }
0x1a: {  	[tilespmem:s7+$0x14000] =	vst v0;
	s1 =	simm.s32 $0x0;
	s10 =	rddreg [dreg:$0x3]  }
0x1b: {  	[tilespmem:s1], [sflag:$0x7] =	stream.linear.gather [hbm4b:s10+s1], $0x2710, $0x38;
	[tilespmem:$0x16800] =	vst v63  }
0x1c: {  	_ =	swait.ge [sflag:s15], $0x2710  }
0x1d: {  	[sflag:s15] =	ssyncset.done $0x0  }
0x1e: {  	s9 =	simm.s32 $0x2780;
	s11 =	rddreg [dreg:$0x4];
	[sflag:s15] =	ssyncadd.s32 $0xFFFFD8F0  }
0x1f: {  	[tilespmem:s9], [sflag:$0x7] =	stream.linear.gather [hbm4b:s11+s1], $0x2710, $0x38;
	[tilespmem:$0x16800] =	vst v63  }
0x20: {  	_ =	swait.ge [sflag:s15], $0x2710  }
0x21: {  	[sflag:s15] =	ssyncset.done $0x0  }
0x22: {  	[sflag:s15] =	ssyncadd.s32 $0xFFFFD8F0  }
0x23: {  	[tilespmem:s18], [sflag:$0x1] =	stream.indirect.gather [hbm4b:s2+s17], $0x80, s1, s17, $0xb8;
	[tilespmem:$0x16800] =	vst v63  }
0x24: {  	v2 =	vimm.f32 $0.0e+00  }
0x25: {  	v12 =	vimm.f32 $0.0e+00;
	v3 =	vimm.f32 $0.0e+00;
	v5 =	vimm.f32 $0.0e+00;
	[tilespmem:s19], [sflag:$0x3] =	stream.linear.gather [hbm4b:s8+s1], $0x2800, $0x38;
	[tilespmem:$0x16800] =	vst v63  }
0x26: {  	v7 =	vimm.f32 $0.0e+00;
	v9 =	vimm.f32 $0.0e+00;
	v16 =	vimm.f32 $0.0e+00  }
0x27: {  	v14 =	vimm.f32 $0.0e+00;
	v11 =	vimm.f32 $0.0e+00;
	v4 =	vimm.f32 $0.0e+00;
	[tilespmem:s20], [sflag:$0x2] =	stream.indirect.gather [hbm4b:s2+s17], $0x80, s17, s17, $0xb8;
	[tilespmem:$0x16800] =	vst v63  }
0x28: {  	v6 =	vimm.f32 $0.0e+00;
	v8 =	vimm.f32 $0.0e+00;
	v10 =	vimm.f32 $0.0e+00;
	s16 =	rddreg [dreg:$0x5]  }
0x29: {  	v18 =	vimm.f32 $0.0e+00;
	v20 =	vimm.f32 $0.0e+00;
	v21 =	vimm.f32 $0.0e+00;
	[tilespmem:s21], [sflag:$0x4] =	stream.linear.gather [hbm4b:s16+s1], $0x2800, $0x38;
	[tilespmem:$0x16800] =	vst v63  }
.LBB2_4:
0x2a: {  	p0 =	seq.s32 s1, $0x0  }
0x2b: {  	s7 =	simm.s32 @!p0 $0x5  }
0x2c: {  	_ =	swait.ge @!p0 [sflag:s7], $0x2800  }
0x2d: {  	[sflag:s7] =	ssyncset.done @!p0 $0x0  }
0x2e: {  	[sflag:s7] =	ssyncadd.s32 @!p0 $0xFFFFD800  }
0x2f: {  	_ =	swait.ge [sflag:s22], $0x2800  }
0x30: {  	[sflag:s22] =	ssyncset.done $0x0  }
0x31: {  	[sflag:s22] =	ssyncadd.s32 $0xFFFFD800  }
0x32: {  	_ =	swait.ge [sflag:s23], $0x2800  }
0x33: {  	[sflag:s23] =	ssyncset.done $0x0  }
0x34: {  	s7 =	simm.s32 $0x0;
	[sflag:s23] =	ssyncadd.s32 $0xFFFFD800  }
0x35: {  	v13 =	vld [tilespmem:s7+$0x4F70]  }
0x36: {  	v15 =	vld [tilespmem:s7+$0x9F70]  }
0x37: {  	v17 =	vld [tilespmem:s7+$0x4F00]  }
0x38: {  	v22 =	vld [tilespmem:s7+$0x9F00]  }
0x39: {  	v23 =	vld [tilespmem:s7+$0x4F10]  }
0x3a: {  	v24 =	vld [tilespmem:s7+$0x9F10]  }
0x3b: {  	v26 =	vld [tilespmem:s7+$0x4F20]  }
0x3c: {  	v27 =	vld [tilespmem:s7+$0x9F20];
	_ =	sdelay $0x1  }
0x3d: {  	v28 =	vld [tilespmem:s7+$0x4F30];
	v19 =	vadd.f32 v15, v13  }
0x3e: {  	v29 =	vld [tilespmem:s7+$0x9F30];
	v15 =	vadd.f32 v22, v17  }
0x3f: {  	v30 =	vld [tilespmem:s7+$0x4F40];
	v17 =	vadd.f32 v24, v23;
	v13 =	vmul.f32 v19, v19  }
0x40: {  	v31 =	vld [tilespmem:s7+$0x9F40];
	v32 =	vadd.f32 v27, v26;
	v22 =	vmul.f32 v15, v15  }
0x41: {  	v25 =	vld [tilespmem:s7+$0x9F50];
	v11 =	vadd.f32 v19, v11;
	v23 =	vmul.f32 v17, v17;
	v13 =	vadd.f32 v13, v12  }
0x42: {  	v24 =	vld [tilespmem:s7+$0x4F50];
	v12 =	vadd.f32 v15, v21;
	v21 =	vpack.i.f32.bf16 v17, v15;
	v15 =	vadd.f32 v22, v14  }
0x43: {  	v26 =	vld [tilespmem:s7+$0x4F60];
	v14 =	vadd.f32 v17, v20;
	v20 =	vadd.f32 v29, v28  }
0x44: {  	s9 =	simm.s32 $0x80;
	v27 =	vld [tilespmem:s7+$0x9F60];
	v16 =	vadd.f32 v23, v16;
	v17 =	vadd.f32 v32, v18;
	[tilespmem:s7+$0xEF00] =	vst v21;
	v21 =	vmul.f32 v32, v32  }
0x45: {  	s10 =	simm.s32 $0x400;
	v18 =	vadd.f32 v31, v30;
	v23 =	vld [tilespmem:s9+$0x4F70];
	v22 =	vmul.f32 v20, v20;
	v28 =	vpack.i.f32.bf16 v20, v32  }
.LBB2_5:
0x46: {  	p1 =	sne.s32 s10, $0x9E00;
	v29 =	vld [tilespmem:s9+$0x9F70];
	v9 =	vadd.f32 v21, v9;
	v10 =	vadd.f32 v20, v10;
	[tilespmem:s7+$0xEF10] =	vst v28  }
0x47: {  	v20 =	vld [tilespmem:s9+$0x4F00];
	v7 =	vadd.f32 v22, v7;
	v21 =	vmul.f32 v18, v18;
	v22 =	vadd.f32 v25, v24  }
0x48: {  	v8 =	vadd.f32 v18, v8;
	v24 =	vld [tilespmem:s9+$0x9F00]  }
0x49: {  	v25 =	vld [tilespmem:s9+$0x4F10];
	v28 =	vmul.f32 v22, v22;
	v26 =	vadd.f32 v27, v26;
	v18 =	vpack.i.f32.bf16 v22, v18  }
0x4a: {  	v5 =	vadd.f32 v21, v5;
	v6 =	vadd.f32 v22, v6;
	v27 =	vld [tilespmem:s9+$0x9F10];
	[tilespmem:s7+$0xEF20] =	vst v18  }
0x4b: {  	v18 =	vld [tilespmem:s9+$0x4F20];
	v21 =	vmul.f32 v26, v26;
	v22 =	vpack.i.f32.bf16 v19, v26;
	v19 =	vadd.f32 v29, v23  }
0x4c: {  	v3 =	vadd.f32 v28, v3;
	v4 =	vadd.f32 v26, v4;
	v23 =	vld [tilespmem:s9+$0x9F20];
	[tilespmem:s7+$0xEF30] =	vst v22;
	s7 =	smov.u32 s9  }
0x4d: {  	v20 =	vadd.f32 v24, v20;
	v22 =	vld [tilespmem:s7+$0x4F30];
	v24 =	vmul.f32 v19, v19;
	v2 =	vadd.f32 v21, v2  }
0x4e: {  	v11 =	vadd.f32 v19, v11;
	v26 =	vld [tilespmem:s7+$0x9F30]  }
0x4f: {  	v21 =	vmul.f32 v20, v20;
	v25 =	vadd.f32 v27, v25;
	v28 =	vld [tilespmem:s7+$0x4F40];
	v13 =	vadd.f32 v24, v13  }
0x50: {  	v12 =	vadd.f32 v20, v12;
	v29 =	vld [tilespmem:s7+$0x9F40]  }
.Ltmp1:
0x51: {  	v27 =	vmul.f32 v25, v25;
	v30 =	vadd.f32 v23, v18;
	v24 =	vld [tilespmem:s7+$0x4F50];
	v18 =	vpack.i.f32.bf16 v25, v20;
	(pc) =	sbr.rel @p1 .LBB2_5-.Ltmp1, $4  }
0x52: {  	v15 =	vadd.f32 v21, v15;
	v14 =	vadd.f32 v25, v14;
	v25 =	vld [tilespmem:s7+$0x9F50];
	[tilespmem:s7+$0xEF00] =	vst v18  }
0x53: {  	v16 =	vadd.f32 v27, v16;
	v21 =	vmul.f32 v30, v30;
	v20 =	vadd.f32 v26, v22;
	v26 =	vld [tilespmem:s7+$0x4F60]  }
0x54: {  	s9 =	sshra.s32 s10, $0x2;
	v17 =	vadd.f32 v30, v17;
	v27 =	vld [tilespmem:s7+$0x9F60]  }
0x55: {  	s10 =	sadd.s32 $0x200, s10;
	v23 =	vld [tilespmem:s9+$0x4F70];
	v22 =	vmul.f32 v20, v20;
	v18 =	vadd.f32 v29, v28;
	v28 =	vpack.i.f32.bf16 v20, v30  }
0x56: {  	v29 =	vld [tilespmem:s9+$0x9F70];
	[tilespmem:s7+$0xEF10] =	vst v28  }
0x57: {  	v28 =	vld [tilespmem:s9+$0x4F00];
	v24 =	vadd.f32 v25, v24  }
0x58: {  	v25 =	vld [tilespmem:s9+$0x9F00]  }
0x59: {  	v30 =	vld [tilespmem:s9+$0x4F10];
	v31 =	vpack.i.f32.bf16 v24, v18;
	v26 =	vadd.f32 v27, v26  }
0x5a: {  	v32 =	vld [tilespmem:s9+$0x9F10];
	[tilespmem:s7+$0xEF20] =	vst v31  }
0x5b: {  	v27 =	vld [tilespmem:s9+$0x4F20];
	v19 =	vpack.i.f32.bf16 v19, v26  }
0x5c: {  	v31 =	vld [tilespmem:s9+$0x9F20];
	[tilespmem:s7+$0xEF30] =	vst v19  }
0x5d: {  	v19 =	vld [tilespmem:s9+$0x4F30]  }
0x5e: {  	v33 =	vld [tilespmem:s9+$0x9F30]  }
0x5f: {  	v34 =	vld [tilespmem:s9+$0x4F40]  }
0x60: {  	v25 =	vadd.f32 v25, v28;
	v28 =	vadd.f32 v32, v30;
	v30 =	vld [tilespmem:s9+$0x9F40]  }
0x61: {  	v57 =	vld [tilespmem:s9+$0x4F50]  }
0x62: {  	v36 =	vld [tilespmem:s9+$0x9F50]  }
0x63: {  	v58 =	vld [tilespmem:s9+$0x4F60]  }
0x64: {  	v37 =	vld [tilespmem:s9+$0x9F60];
	_ =	sdelay $0x2  }
0x65: {  	v27 =	vadd.f32 v31, v27;
	v19 =	vadd.f32 v33, v19  }
0x66: {  	v35 =	vpack.i.f32.bf16 v28, v25;
	v30 =	vadd.f32 v30, v34;
	v31 =	vadd.f32 v36, v57  }
0x67: {  	v23 =	vadd.f32 v29, v23;
	[tilespmem:s9+$0xEF00] =	vst v35;
	v29 =	vadd.f32 v37, v58;
	v59 =	vpack.i.f32.bf16 v19, v27  }
0x68: {  	v60 =	vpack.i.f32.bf16 v31, v30;
	[tilespmem:s9+$0xEF10] =	vst v59  }
0x69: {  	s16 =	smul.u32 $0xA0, s1;
	v61 =	vpack.i.f32.bf16 v23, v29;
	[tilespmem:s9+$0xEF20] =	vst v60  }
0x6a: {  	[tilespmem:s9+$0xEF30] =	vst v61  }
0x6b: {  	v32 =	vld [tilespmem:s16+$0x2780];
	_ =	sdelay $0x7  }
0x6c: {  	[tilespmem:v32+s24+$0x0] =	vst.idx.add.f32.msk $0xffff, v1  }
0x6d: {  	v32 =	vld [tilespmem:s16+$0x2790];
	_ =	sdelay $0x7  }
0x6e: {  	[tilespmem:v32+s24+$0x0] =	vst.idx.add.f32.msk $0xffff, v1  }
0x6f: {  	v32 =	vld [tilespmem:s16+$0x27A0];
	_ =	sdelay $0x7  }
0x70: {  	[tilespmem:v32+s24+$0x0] =	vst.idx.add.f32.msk $0xffff, v1  }
0x71: {  	v32 =	vld [tilespmem:s16+$0x27B0];
	_ =	sdelay $0x7  }
0x72: {  	[tilespmem:v32+s24+$0x0] =	vst.idx.add.f32.msk $0xffff, v1  }
0x73: {  	v32 =	vld [tilespmem:s16+$0x27C0];
	_ =	sdelay $0x5  }
0x74: {  	s10 =	sadd.s32 s4, s16  }
0x75: {  	s7 =	sshll.u32 s10, $0x4  }
0x76: {  	s11 =	sadd.s32 $0xA0, s16;
	s7 =	sadd.s32 s6, s7;
	[tilespmem:v32+s24+$0x0] =	vst.idx.add.f32.msk $0xffff, v1  }
0x77: {  	[hbm4b:s7+s3] =	stream.linear.scatter [tilespmem:s25], [sflag:$0x5], $0x2800, $0x38;
	[tilespmem:$0x16800] =	vst v63  }
0x78: {  	s10 =	sadd.s32 s4, s11  }
0x79: {  	[tilespmem:s18], [sflag:$0x1] =	stream.indirect.gather [hbm4b:s2+s17], $0x80, s11, s17, $0xb8;
	[tilespmem:$0x16800] =	vst v63  }
0x7a: {  	s11 =	sshll.u32 s10, $0x4  }
0x7b: {  	s9 =	sadd.s32 s5, s11  }
0x7c: {  	[tilespmem:s19], [sflag:$0x3] =	stream.linear.gather [hbm4b:s9+s3], $0x2800, $0x38;
	[tilespmem:$0x16800] =	vst v63  }
0x7d: {  	s9 =	simm.s32 @!p0 $0x6  }
0x7e: {  	_ =	swait.ge @!p0 [sflag:s9], $0x2800  }
0x7f: {  	[sflag:s9] =	ssyncset.done @!p0 $0x0  }
0x80: {  	[sflag:s9] =	ssyncadd.s32 @!p0 $0xFFFFD800  }
0x81: {  	_ =	swait.ge [sflag:s26], $0x2800  }
0x82: {  	[sflag:s26] =	ssyncset.done $0x0  }
0x83: {  	[sflag:s26] =	ssyncadd.s32 $0xFFFFD800  }
0x84: {  	_ =	swait.ge [sflag:s28], $0x2800  }
0x85: {  	v9 =	vadd.f32 v21, v9;
	v21 =	vmul.f32 v18, v18;
	[sflag:s28] =	ssyncset.done $0x0  }
0x86: {  	v10 =	vadd.f32 v20, v10;
	v20 =	vadd.f32 v22, v7;
	v7 =	vmul.f32 v24, v24;
	s9 =	simm.s32 $0x0;
	[sflag:s28] =	ssyncadd.s32 $0xFFFFD800  }
0x87: {  	v8 =	vadd.f32 v18, v8;
	v18 =	vadd.f32 v21, v5;
	v5 =	vmul.f32 v26, v26;
	v21 =	vld [tilespmem:s9+$0x7770]  }
0x88: {  	v6 =	vadd.f32 v24, v6;
	v22 =	vadd.f32 v7, v3;
	v24 =	vld [tilespmem:s9+$0xC770]  }
0x89: {  	v26 =	vadd.f32 v26, v4;
	v3 =	vmul.f32 v23, v23;
	v62 =	vadd.f32 v5, v2;
	v63 =	vld [tilespmem:s9+$0x7700]  }
0x8a: {  	v11 =	vadd.f32 v23, v11;
	v2 =	vmul.f32 v25, v25;
	v25 =	vadd.f32 v25, v12;
	v23 =	vld [tilespmem:s9+$0xC700]  }
0x8b: {  	v13 =	vadd.f32 v3, v13;
	v3 =	vmul.f32 v28, v28;
	v28 =	vadd.f32 v28, v14;
	v12 =	vld [tilespmem:s9+$0x7710]  }
0x8c: {  	v15 =	vadd.f32 v2, v15;
	v2 =	vmul.f32 v27, v27;
	v17 =	vadd.f32 v27, v17;
	v27 =	vld [tilespmem:s9+$0x7720]  }
0x8d: {  	v16 =	vadd.f32 v3, v16;
	v3 =	vmul.f32 v19, v19;
	v7 =	vadd.f32 v19, v10;
	v19 =	vld [tilespmem:s9+$0xC720]  }
0x8e: {  	v2 =	vadd.f32 v2, v9;
	v4 =	vmul.f32 v30, v30;
	v5 =	vadd.f32 v30, v8;
	v14 =	vld [tilespmem:s9+$0xC710]  }
0x8f: {  	v8 =	vmul.f32 v31, v31;
	v6 =	vadd.f32 v31, v6;
	v3 =	vadd.f32 v3, v20;
	v20 =	vld [tilespmem:s9+$0x7730]  }
0x90: {  	v9 =	vadd.f32 v29, v26;
	v4 =	vadd.f32 v4, v18;
	v30 =	vld [tilespmem:s9+$0x7740]  }
0x91: {  	v10 =	vmul.f32 v29, v29;
	v8 =	vadd.f32 v8, v22;
	v18 =	vadd.f32 v24, v21;
	v21 =	vld [tilespmem:s9+$0xC730]  }
0x92: {  	v29 =	vld [tilespmem:s9+$0xC740];
	v22 =	vadd.f32 v23, v63;
	v31 =	vadd.f32 v19, v27  }
0x93: {  	v10 =	vadd.f32 v10, v62;
	v26 =	vadd.f32 v14, v12;
	v23 =	vmul.f32 v18, v18  }
0x94: {  	v24 =	vld [tilespmem:s9+$0x7750];
	v11 =	vadd.f32 v18, v11;
	v14 =	vmul.f32 v22, v22;
	v17 =	vadd.f32 v31, v17  }
0x95: {  	v12 =	vadd.f32 v23, v13;
	v13 =	vadd.f32 v22, v25;
	v22 =	vpack.i.f32.bf16 v26, v22;
	v25 =	vld [tilespmem:s9+$0xC750]  }
0x96: {  	v27 =	vld [tilespmem:s9+$0xC760];
	v23 =	vmul.f32 v26, v26;
	v14 =	vadd.f32 v14, v15;
	v19 =	vadd.f32 v21, v20  }
0x97: {  	s10 =	simm.s32 $0x80;
	v15 =	vadd.f32 v26, v28;
	v26 =	vld [tilespmem:s9+$0x7760];
	[tilespmem:s9+$0x11700] =	vst v22;
	v21 =	vmul.f32 v31, v31;
	v20 =	vadd.f32 v29, v30  }
0x98: {  	s11 =	simm.s32 $0x400;
	v16 =	vadd.f32 v23, v16;
	v22 =	vld [tilespmem:s10+$0x7770];
	v23 =	vmul.f32 v19, v19;
	v28 =	vpack.i.f32.bf16 v19, v31  }
.LBB2_7:
0x99: {  	p0 =	sne.s32 s11, $0x9E00;
	v29 =	vld [tilespmem:s10+$0xC770];
	v2 =	vadd.f32 v21, v2;
	v7 =	vadd.f32 v19, v7;
	[tilespmem:s9+$0x11710] =	vst v28  }
0x9a: {  	v19 =	vld [tilespmem:s10+$0x7700];
	v3 =	vadd.f32 v23, v3;
	v21 =	vmul.f32 v20, v20;
	v23 =	vadd.f32 v25, v24  }
0x9b: {  	v5 =	vadd.f32 v20, v5;
	v24 =	vld [tilespmem:s10+$0xC700]  }
0x9c: {  	v25 =	vld [tilespmem:s10+$0x7710];
	v28 =	vmul.f32 v23, v23;
	v26 =	vadd.f32 v27, v26;
	v20 =	vpack.i.f32.bf16 v23, v20  }
0x9d: {  	v4 =	vadd.f32 v21, v4;
	v6 =	vadd.f32 v23, v6;
	v27 =	vld [tilespmem:s10+$0xC710];
	[tilespmem:s9+$0x11720] =	vst v20  }
0x9e: {  	v20 =	vld [tilespmem:s10+$0x7720];
	v21 =	vmul.f32 v26, v26;
	v23 =	vpack.i.f32.bf16 v18, v26;
	v18 =	vadd.f32 v29, v22  }
0x9f: {  	v8 =	vadd.f32 v28, v8;
	v9 =	vadd.f32 v26, v9;
	v22 =	vld [tilespmem:s10+$0xC720];
	[tilespmem:s9+$0x11730] =	vst v23;
	s9 =	smov.u32 s10  }
0xa0: {  	v19 =	vadd.f32 v24, v19;
	v23 =	vld [tilespmem:s9+$0x7730];
	v24 =	vmul.f32 v18, v18;
	v10 =	vadd.f32 v21, v10  }
0xa1: {  	v11 =	vadd.f32 v18, v11;
	v26 =	vld [tilespmem:s9+$0xC730]  }
0xa2: {  	v21 =	vmul.f32 v19, v19;
	v25 =	vadd.f32 v27, v25;
	v28 =	vld [tilespmem:s9+$0x7740];
	v12 =	vadd.f32 v24, v12  }
0xa3: {  	v13 =	vadd.f32 v19, v13;
	v29 =	vld [tilespmem:s9+$0xC740]  }
.Ltmp2:
0xa4: {  	v27 =	vmul.f32 v25, v25;
	v30 =	vadd.f32 v22, v20;
	v24 =	vld [tilespmem:s9+$0x7750];
	v19 =	vpack.i.f32.bf16 v25, v19;
	(pc) =	sbr.rel @p0 .LBB2_7-.Ltmp2, $4  }
0xa5: {  	v14 =	vadd.f32 v21, v14;
	v15 =	vadd.f32 v25, v15;
	v25 =	vld [tilespmem:s9+$0xC750];
	[tilespmem:s9+$0x11700] =	vst v19  }
0xa6: {  	v16 =	vadd.f32 v27, v16;
	v21 =	vmul.f32 v30, v30;
	v19 =	vadd.f32 v26, v23;
	v26 =	vld [tilespmem:s9+$0x7760]  }
0xa7: {  	s10 =	sshra.s32 s11, $0x2;
	v17 =	vadd.f32 v30, v17;
	v27 =	vld [tilespmem:s9+$0xC760]  }
0xa8: {  	s11 =	sadd.s32 $0x200, s11;
	v22 =	vld [tilespmem:s10+$0x7770];
	v23 =	vmul.f32 v19, v19;
	v20 =	vadd.f32 v29, v28;
	v28 =	vpack.i.f32.bf16 v19, v30  }
0xa9: {  	v29 =	vld [tilespmem:s10+$0xC770];
	[tilespmem:s9+$0x11710] =	vst v28  }
0xaa: {  	v28 =	vld [tilespmem:s10+$0x7700];
	v24 =	vadd.f32 v25, v24  }
0xab: {  	v53 =	vld [tilespmem:s10+$0xC700]  }
0xac: {  	v30 =	vld [tilespmem:s10+$0x7710];
	v31 =	vpack.i.f32.bf16 v24, v20;
	v26 =	vadd.f32 v27, v26  }
0xad: {  	v32 =	vld [tilespmem:s10+$0xC710];
	[tilespmem:s9+$0x11720] =	vst v31  }
0xae: {  	v54 =	vld [tilespmem:s10+$0x7720];
	v18 =	vpack.i.f32.bf16 v18, v26  }
0xaf: {  	v31 =	vld [tilespmem:s10+$0xC720];
	[tilespmem:s9+$0x11730] =	vst v18  }
0xb0: {  	v18 =	vld [tilespmem:s10+$0x7730]  }
0xb1: {  	v33 =	vld [tilespmem:s10+$0xC730]  }
0xb2: {  	v34 =	vld [tilespmem:s10+$0x7740]  }
0xb3: {  	v56 =	vld [tilespmem:s10+$0xC740]  }
0xb4: {  	v57 =	vld [tilespmem:s10+$0x7750]  }
0xb5: {  	v36 =	vld [tilespmem:s10+$0xC750]  }
0xb6: {  	v58 =	vld [tilespmem:s10+$0x7760]  }
0xb7: {  	v37 =	vld [tilespmem:s10+$0xC760];
	_ =	sdelay $0x1  }
0xb8: {  	v25 =	vadd.f32 v53, v28;
	v55 =	vadd.f32 v32, v30  }
0xb9: {  	v27 =	vadd.f32 v31, v54;
	v59 =	vadd.f32 v33, v18  }
0xba: {  	v35 =	vpack.i.f32.bf16 v55, v25;
	v30 =	vadd.f32 v56, v34;
	v32 =	vadd.f32 v36, v57  }
0xbb: {  	[tilespmem:s10+$0x11700] =	vst v35;
	v18 =	vadd.f32 v29, v22;
	v22 =	vadd.f32 v37, v58;
	v60 =	vpack.i.f32.bf16 v59, v27  }
0xbc: {  	v61 =	vpack.i.f32.bf16 v32, v30;
	[tilespmem:s10+$0x11710] =	vst v60  }
0xbd: {  	v62 =	vpack.i.f32.bf16 v18, v22;
	[tilespmem:s10+$0x11720] =	vst v61  }
0xbe: {  	[tilespmem:s10+$0x11730] =	vst v62  }
0xbf: {  	v29 =	vld [tilespmem:s16+$0x27D0];
	_ =	sdelay $0x7  }
0xc0: {  	[tilespmem:v29+s24+$0x0] =	vst.idx.add.f32.msk $0xffff, v1  }
0xc1: {  	v29 =	vld [tilespmem:s16+$0x27E0];
	_ =	sdelay $0x7  }
0xc2: {  	[tilespmem:v29+s24+$0x0] =	vst.idx.add.f32.msk $0xffff, v1  }
0xc3: {  	v29 =	vld [tilespmem:s16+$0x27F0];
	_ =	sdelay $0x7  }
0xc4: {  	s11 =	sand.u32 $0x3FE0, s16;
	[tilespmem:v29+s24+$0x0] =	vst.idx.add.f32.msk $0xffff, v1  }
0xc5: {  	v29 =	vld [tilespmem:s11+$0x2800];
	_ =	sdelay $0x5  }
0xc6: {  	v2 =	vadd.f32 v21, v2;
	v7 =	vadd.f32 v19, v7;
	v19 =	vmul.f32 v20, v20  }
0xc7: {  	v3 =	vadd.f32 v23, v3;
	v5 =	vadd.f32 v20, v5;
	v20 =	vmul.f32 v24, v24  }
0xc8: {  	v4 =	vadd.f32 v19, v4;
	v19 =	vmul.f32 v26, v26;
	[tilespmem:v29+s24+$0x0] =	vst.idx.add.f32.msk $0xffff, v1  }
0xc9: {  	v6 =	vadd.f32 v24, v6;
	v63 =	vadd.f32 v20, v8;
	v8 =	vmul.f32 v18, v18;
	v23 =	vld [tilespmem:s16+$0x2810]  }
0xca: {  	v26 =	vadd.f32 v26, v9;
	v19 =	vadd.f32 v19, v10;
	v9 =	vmul.f32 v25, v25  }
0xcb: {  	v21 =	vadd.f32 v25, v13;
	v12 =	vadd.f32 v8, v12;
	v8 =	vmul.f32 v55, v55  }
0xcc: {  	v20 =	vadd.f32 v55, v15;
	v14 =	vadd.f32 v9, v14;
	v9 =	vmul.f32 v27, v27  }
0xcd: {  	p0 =	seq.s32 s1, $0x3D;
	v11 =	vadd.f32 v18, v11;
	v16 =	vadd.f32 v8, v16;
	v8 =	vmul.f32 v59, v59  }
.Ltmp3:
0xce: {  	v18 =	vadd.f32 v27, v17;
	v9 =	vadd.f32 v9, v2;
	v2 =	vmul.f32 v30, v30;
	(pc) =	sbr.rel @p0 .LBB2_10-.Ltmp3, $4  }
0xcf: {  	v10 =	vadd.f32 v59, v7;
	v7 =	vadd.f32 v8, v3;
	v3 =	vmul.f32 v32, v32  }
0xd0: {  	v8 =	vadd.f32 v30, v5;
	v5 =	vadd.f32 v2, v4;
	v2 =	vmul.f32 v22, v22  }
0xd1: {  	s7 =	sadd.s32 $0x500, s7;
	v6 =	vadd.f32 v32, v6;
	v4 =	vadd.f32 v22, v26;
	[tilespmem:v23+s24+$0x0] =	vst.idx.add.f32.msk $0xffff, v1  }
0xd2: {  	v3 =	vadd.f32 v3, v63;
	v2 =	vadd.f32 v2, v19;
	[hbm4b:s7+s3] =	stream.linear.scatter [tilespmem:s29], [sflag:$0x6], $0x2800, $0x38;
	[tilespmem:$0x16800] =	vst v63  }
0xd3: {  	s7 =	sadd.s32 $0xF0, s16  }
.Ltmp4:
0xd4: {  	s9 =	sadd.s32 s4, s7;
	(pc) =	sbr.rel .LBB2_4-.Ltmp4, $4  }
0xd5: {  	[tilespmem:s20], [sflag:$0x2] =	stream.indirect.gather [hbm4b:s2+s17], $0x80, s7, s17, $0xb8;
	[tilespmem:$0x16800] =	vst v63  }
0xd6: {  	s16 =	sshll.u32 s9, $0x4  }
0xd7: {  	s1 =	sadd.s32 $0x1, s1;
	s7 =	sadd.s32 s5, s16  }
0xd8: {  	[tilespmem:s21], [sflag:$0x4] =	stream.linear.gather [hbm4b:s7+s3], $0x2800, $0x38;
	[tilespmem:$0x16800] =	vst v63  }
.LBB2_10:
0xd9: {  	_ =	swait.ge [sflag:s30], $0x2800  }
0xda: {  	[sflag:s30] =	ssyncset.done $0x0  }
0xdb: {  	[sflag:s30] =	ssyncadd.s32 $0xFFFFD800  }
0xdc: {  	_ =	swait.ge [sflag:s22], $0x2800  }
0xdd: {  	[sflag:s22] =	ssyncset.done $0x0  }
0xde: {  	[sflag:s22] =	ssyncadd.s32 $0xFFFFD800  }
0xdf: {  	_ =	swait.ge [sflag:s23], $0x2800  }
0xe0: {  	[sflag:s23] =	ssyncset.done $0x0  }
0xe1: {  	s1 =	simm.s32 $0x0;
	[sflag:s23] =	ssyncadd.s32 $0xFFFFD800  }
0xe2: {  	v13 =	vld [tilespmem:s1+$0x4F70]  }
0xe3: {  	v15 =	vld [tilespmem:s1+$0x9F70]  }
0xe4: {  	v17 =	vld [tilespmem:s1+$0x4F00]  }
0xe5: {  	v22 =	vld [tilespmem:s1+$0x9F00]  }
0xe6: {  	v23 =	vld [tilespmem:s1+$0x4F10]  }
0xe7: {  	v24 =	vld [tilespmem:s1+$0x9F10]  }
0xe8: {  	v26 =	vld [tilespmem:s1+$0x4F20]  }
0xe9: {  	v27 =	vld [tilespmem:s1+$0x9F20];
	_ =	sdelay $0x1  }
0xea: {  	v28 =	vld [tilespmem:s1+$0x4F30];
	v19 =	vadd.f32 v15, v13  }
0xeb: {  	v29 =	vld [tilespmem:s1+$0x9F30];
	v15 =	vadd.f32 v22, v17  }
0xec: {  	v30 =	vld [tilespmem:s1+$0x4F40];
	v22 =	vadd.f32 v24, v23;
	v13 =	vmul.f32 v19, v19  }
0xed: {  	v31 =	vld [tilespmem:s1+$0x9F40];
	v32 =	vadd.f32 v27, v26;
	v11 =	vadd.f32 v19, v11;
	v17 =	vmul.f32 v15, v15  }
0xee: {  	v25 =	vld [tilespmem:s1+$0x9F50];
	v12 =	vadd.f32 v13, v12;
	v13 =	vadd.f32 v15, v21  }
0xef: {  	v24 =	vld [tilespmem:s1+$0x4F50];
	v15 =	vpack.i.f32.bf16 v22, v15;
	v21 =	vmul.f32 v22, v22;
	v17 =	vadd.f32 v17, v14  }
0xf0: {  	v26 =	vld [tilespmem:s1+$0x4F60];
	[tilespmem:s1+$0xEF00] =	vst v15;
	v15 =	vadd.f32 v22, v20;
	v20 =	vadd.f32 v29, v28  }
0xf1: {  	s7 =	simm.s32 $0x80;
	v27 =	vld [tilespmem:s1+$0x9F60];
	v14 =	vadd.f32 v32, v18;
	v16 =	vadd.f32 v21, v16;
	v21 =	vmul.f32 v32, v32  }
0xf2: {  	s9 =	simm.s32 $0x400;
	v18 =	vadd.f32 v31, v30;
	v23 =	vld [tilespmem:s7+$0x4F70];
	v22 =	vmul.f32 v20, v20;
	v28 =	vpack.i.f32.bf16 v20, v32  }
.LBB2_11:
0xf3: {  	p0 =	sne.s32 s9, $0x9E00;
	v29 =	vld [tilespmem:s7+$0x9F70];
	v9 =	vadd.f32 v21, v9;
	v10 =	vadd.f32 v20, v10;
	[tilespmem:s1+$0xEF10] =	vst v28  }
0xf4: {  	v20 =	vld [tilespmem:s7+$0x4F00];
	v7 =	vadd.f32 v22, v7;
	v21 =	vmul.f32 v18, v18;
	v22 =	vadd.f32 v25, v24  }
0xf5: {  	v8 =	vadd.f32 v18, v8;
	v24 =	vld [tilespmem:s7+$0x9F00]  }
0xf6: {  	v25 =	vld [tilespmem:s7+$0x4F10];
	v28 =	vmul.f32 v22, v22;
	v26 =	vadd.f32 v27, v26;
	v18 =	vpack.i.f32.bf16 v22, v18  }
0xf7: {  	v5 =	vadd.f32 v21, v5;
	v6 =	vadd.f32 v22, v6;
	v27 =	vld [tilespmem:s7+$0x9F10];
	[tilespmem:s1+$0xEF20] =	vst v18  }
0xf8: {  	v18 =	vld [tilespmem:s7+$0x4F20];
	v21 =	vmul.f32 v26, v26;
	v22 =	vpack.i.f32.bf16 v19, v26;
	v19 =	vadd.f32 v29, v23  }
0xf9: {  	v3 =	vadd.f32 v28, v3;
	v4 =	vadd.f32 v26, v4;
	v23 =	vld [tilespmem:s7+$0x9F20];
	[tilespmem:s1+$0xEF30] =	vst v22;
	s1 =	smov.u32 s7  }
0xfa: {  	v20 =	vadd.f32 v24, v20;
	v22 =	vld [tilespmem:s1+$0x4F30];
	v24 =	vmul.f32 v19, v19;
	v2 =	vadd.f32 v21, v2  }
0xfb: {  	v11 =	vadd.f32 v19, v11;
	v26 =	vld [tilespmem:s1+$0x9F30]  }
0xfc: {  	v21 =	vmul.f32 v20, v20;
	v25 =	vadd.f32 v27, v25;
	v28 =	vld [tilespmem:s1+$0x4F40];
	v12 =	vadd.f32 v24, v12  }
0xfd: {  	v13 =	vadd.f32 v20, v13;
	v29 =	vld [tilespmem:s1+$0x9F40]  }
.Ltmp5:
0xfe: {  	v27 =	vmul.f32 v25, v25;
	v30 =	vadd.f32 v23, v18;
	v24 =	vld [tilespmem:s1+$0x4F50];
	v18 =	vpack.i.f32.bf16 v25, v20;
	(pc) =	sbr.rel @p0 .LBB2_11-.Ltmp5, $4  }
0xff: {  	v17 =	vadd.f32 v21, v17;
	v15 =	vadd.f32 v25, v15;
	v25 =	vld [tilespmem:s1+$0x9F50];
	[tilespmem:s1+$0xEF00] =	vst v18  }
0x100: {  	v16 =	vadd.f32 v27, v16;
	v21 =	vmul.f32 v30, v30;
	v20 =	vadd.f32 v26, v22;
	v26 =	vld [tilespmem:s1+$0x4F60]  }
0x101: {  	s7 =	sshra.s32 s9, $0x2;
	v14 =	vadd.f32 v30, v14;
	v27 =	vld [tilespmem:s1+$0x9F60]  }
0x102: {  	s9 =	sadd.s32 $0x200, s9;
	v23 =	vld [tilespmem:s7+$0x4F70];
	v22 =	vmul.f32 v20, v20;
	v18 =	vadd.f32 v29, v28;
	v28 =	vpack.i.f32.bf16 v20, v30  }
0x103: {  	v29 =	vld [tilespmem:s7+$0x9F70];
	[tilespmem:s1+$0xEF10] =	vst v28  }
0x104: {  	v28 =	vld [tilespmem:s7+$0x4F00];
	v24 =	vadd.f32 v25, v24  }
0x105: {  	v40 =	vld [tilespmem:s7+$0x9F00]  }
0x106: {  	v30 =	vld [tilespmem:s7+$0x4F10];
	v31 =	vpack.i.f32.bf16 v24, v18;
	v26 =	vadd.f32 v27, v26  }
0x107: {  	v32 =	vld [tilespmem:s7+$0x9F10];
	[tilespmem:s1+$0xEF20] =	vst v31  }
0x108: {  	v41 =	vld [tilespmem:s7+$0x4F20];
	v19 =	vpack.i.f32.bf16 v19, v26  }
0x109: {  	v31 =	vld [tilespmem:s7+$0x9F20];
	[tilespmem:s1+$0xEF30] =	vst v19  }
0x10a: {  	v19 =	vld [tilespmem:s7+$0x4F30]  }
0x10b: {  	v33 =	vld [tilespmem:s7+$0x9F30]  }
0x10c: {  	v34 =	vld [tilespmem:s7+$0x4F40]  }
0x10d: {  	v43 =	vld [tilespmem:s7+$0x9F40]  }
0x10e: {  	v44 =	vld [tilespmem:s7+$0x4F50]  }
0x10f: {  	v36 =	vld [tilespmem:s7+$0x9F50]  }
0x110: {  	v45 =	vld [tilespmem:s7+$0x4F60]  }
0x111: {  	v37 =	vld [tilespmem:s7+$0x9F60];
	_ =	sdelay $0x1  }
0x112: {  	v25 =	vadd.f32 v40, v28;
	v42 =	vadd.f32 v32, v30  }
0x113: {  	v27 =	vadd.f32 v31, v41;
	v19 =	vadd.f32 v33, v19  }
0x114: {  	v35 =	vpack.i.f32.bf16 v42, v25;
	v30 =	vadd.f32 v43, v34;
	v46 =	vadd.f32 v36, v44  }
0x115: {  	v23 =	vadd.f32 v29, v23;
	[tilespmem:s7+$0xEF00] =	vst v35;
	v47 =	vadd.f32 v37, v45;
	v48 =	vpack.i.f32.bf16 v19, v27  }
0x116: {  	v49 =	vpack.i.f32.bf16 v46, v30;
	[tilespmem:s7+$0xEF10] =	vst v48  }
0x117: {  	v50 =	vpack.i.f32.bf16 v23, v47;
	[tilespmem:s7+$0xEF20] =	vst v49  }
0x118: {  	[tilespmem:s7+$0xEF30] =	vst v50  }
0x119: {  	v32 =	vld [tilespmem:$0x4E40];
	_ =	sdelay $0x7  }
0x11a: {  	[tilespmem:v32+s24+$0x0] =	vst.idx.add.f32.msk $0xffff, v1  }
0x11b: {  	v32 =	vld [tilespmem:$0x4E50];
	_ =	sdelay $0x7  }
0x11c: {  	[tilespmem:v32+s24+$0x0] =	vst.idx.add.f32.msk $0xffff, v1  }
0x11d: {  	v32 =	vld [tilespmem:$0x4E60];
	_ =	sdelay $0x7  }
0x11e: {  	[tilespmem:v32+s24+$0x0] =	vst.idx.add.f32.msk $0xffff, v1  }
0x11f: {  	v32 =	vld [tilespmem:$0x4E70];
	_ =	sdelay $0x7  }
0x120: {  	[tilespmem:v32+s24+$0x0] =	vst.idx.add.f32.msk $0xffff, v1  }
0x121: {  	v32 =	vld [tilespmem:$0x4E80];
	_ =	sdelay $0x7  }
0x122: {  	s9 =	rddreg [dreg:$0x6];
	[tilespmem:v32+s24+$0x0] =	vst.idx.add.f32.msk $0xffff, v1  }
0x123: {  	[hbm4b:s9+s3] =	stream.linear.scatter [tilespmem:s25], [sflag:$0x5], $0x2800, $0x38;
	[tilespmem:$0x16800] =	vst v63  }
0x124: {  	_ =	swait.ge [sflag:s31], $0x2800  }
0x125: {  	[sflag:s31] =	ssyncset.done $0x0  }
0x126: {  	[sflag:s31] =	ssyncadd.s32 $0xFFFFD800  }
0x127: {  	v51 =	vmul.f32 v25, v25;
	_ =	swait.ge [sflag:s30], $0x2800  }
0x128: {  	v13 =	vadd.f32 v25, v13;
	[sflag:s30] =	ssyncset.done $0x0  }
0x129: {  	v52 =	vmul.f32 v42, v42;
	v17 =	vadd.f32 v51, v17;
	[sflag:s30] =	ssyncadd.s32 $0xFFFFD800  }
0x12a: {  	v9 =	vadd.f32 v21, v9;
	v15 =	vadd.f32 v42, v15;
	[tilespmem:$0x13F00] =	vst v13  }
0x12b: {  	v10 =	vadd.f32 v20, v10;
	v53 =	vadd.f32 v52, v16;
	v54 =	vmul.f32 v27, v27;
	[tilespmem:$0x13F80] =	vst v17  }
0x12c: {  	v7 =	vadd.f32 v22, v7;
	v14 =	vadd.f32 v27, v14;
	[tilespmem:$0x13F10] =	vst v15  }
0x12d: {  	v55 =	vmul.f32 v18, v18;
	v56 =	vmul.f32 v19, v19;
	v9 =	vadd.f32 v54, v9;
	[tilespmem:$0x13F90] =	vst v53  }
0x12e: {  	v8 =	vadd.f32 v18, v8;
	v57 =	vmul.f32 v24, v24;
	v10 =	vadd.f32 v19, v10;
	[tilespmem:$0x13F20] =	vst v14  }
0x12f: {  	v5 =	vadd.f32 v55, v5;
	v58 =	vmul.f32 v30, v30;
	v7 =	vadd.f32 v56, v7;
	[tilespmem:$0x13FA0] =	vst v9  }
0x130: {  	v6 =	vadd.f32 v24, v6;
	v59 =	vmul.f32 v26, v26;
	v8 =	vadd.f32 v30, v8;
	[tilespmem:$0x13F30] =	vst v10  }
0x131: {  	v3 =	vadd.f32 v57, v3;
	v60 =	vmul.f32 v46, v46;
	v5 =	vadd.f32 v58, v5;
	[tilespmem:$0x13FB0] =	vst v7  }
0x132: {  	v4 =	vadd.f32 v26, v4;
	v6 =	vadd.f32 v46, v6;
	[tilespmem:$0x13F40] =	vst v8  }
0x133: {  	v2 =	vadd.f32 v59, v2;
	v61 =	vmul.f32 v47, v47;
	v3 =	vadd.f32 v60, v3;
	[tilespmem:$0x13FC0] =	vst v5  }
0x134: {  	v62 =	vmul.f32 v23, v23;
	v4 =	vadd.f32 v47, v4;
	[tilespmem:$0x13F50] =	vst v6  }
0x135: {  	v2 =	vadd.f32 v61, v2;
	[tilespmem:$0x13FD0] =	vst v3  }
0x136: {  	v63 =	vadd.f32 v62, v12;
	[tilespmem:$0x13F60] =	vst v4  }
0x137: {  	v3 =	vadd.f32 v23, v11;
	[tilespmem:$0x13FE0] =	vst v2  }
0x138: {  	[tilespmem:$0x13FF0] =	vst v63  }
0x139: {  	s10 =	simm.s32 $0x13F00;
	[tilespmem:$0x13F70] =	vst v3  }
0x13a: {  	[hbm4b:s12+s3] =	stream.linear.scatter [tilespmem:s10], [sflag:$0x7], $0x100, $0x38;
	[tilespmem:$0x16800] =	vst v63  }
0x13b: {  	s0 =	sadd.s32 $0x1, s0;
	_ =	swait.ge [sflag:s15], $0x100  }
0x13c: {  	s11 =	simm.s32 $0x80;
	p0 =	sne.s32 s0, s14;
	[sflag:s15] =	ssyncset.done $0x0  }
.Ltmp6:
0x13d: {  	s16 =	simm.s32 $0x400;
	[sflag:s15] =	ssyncadd.s32 $0xFFFFFF00;
	(pc) =	sbr.rel @p0 .LBB2_1-.Ltmp6, $4  }
0x13e: {  	[hbm4b:s13+s11] =	stream.strided.scatter [tilespmem:s24], [sflag:$0x7], $0x2800, s16, s11, $0x38;
	[tilespmem:$0x16800] =	vst v63  }
0x13f: {  	_ =	swait.ge [sflag:s15], $0x2800  }
0x140: {  	[sflag:s15] =	ssyncset.done $0x0  }
0x141: {  	[sflag:s15] =	ssyncadd.s32 $0xFFFFD800  }
0x142: {  	_ =	sfence.sel $0x180000  }
0x143: {  	[bflag:$0x0] =	sbarrier.arrive $0xFFFF  }
0x144: {  	_ =	strace $0x90000047  }
0x145: {  	s0 =	stileid.u32;
	[bflag:$0x2] =	sbarrier.arrive $0xFFFF  }
0x146: {  	p0 =	sne.s32 s0, $0x0;
	s0 =	rddreg [dreg:$0x2]  }
0x147: {  	s0 =	sadd.s32 @!p0 $0x100000, s0  }
0x148: {  	[sflag:s0] =	ssyncadd.tile.s32 @!p0 $0x1;
	_ =	shalt  }
.Lfunc_end2:
_tile_overlayer_lowered:
.L_overlay_start_2:
0x149: {  	(tag) =	ssettag $0x2  }
0x14a: {  	s0 =	rddreg [dreg:$0x0];
	s2 =	stileid.u32  }
0x14b: {  	s1 =	rddreg [dreg:$0x1];
	p0 =	sne.s32 s2, $0x0  }
0x14c: {  	s3 =	rddreg [dreg:$0x2];
	[bflag:$0x3] =	sbarrier.arrive $0xFFFF;
	s2 =	simm.s32 @!p0 $0x1C07  }
0x14d: {  	[timem:s3], [sflag:s2] =	dma.local @!p0 [hbm:s0], s1  }
0x14e: {  	s0 =	simm.s32 @!p0 $0x7  }
0x14f: {  	_ =	swait.ge @!p0 [sflag:s0], s1  }
0x150: {  	s1 =	ssub.s32 @!p0 $0x0, s1;
	[sflag:s0] =	ssyncset.done @!p0 $0x0  }
0x151: {  	[sflag:s0] =	ssyncadd.s32 @!p0 s1  }
0x152: {  	[bflag:$0x3] =	sbarrier.arrive $0xFFFF  }
0x153: {  	_ =	shalt  }

</sc_bundles>
